<compile_context>
chip_gen: v7x
topology: tpu7x:2x2x1
jax: 0.10.2.dev20260603
libtpu: 0.0.44.dev20260713+nightly
codegen_flags: <defaults>
</compile_context>

<pallas_src>
import functools

import jax
import jax.numpy as jnp
from jax import lax
from jax.experimental import pallas as pl
from jax.experimental.pallas import tpu as pltpu
from jax.experimental.pallas import tpu_sc as plsc

_BS, _NP, _K, _DIN, _D, _E = 4, 2500, 8, 16, 128, 320000
_N = _BS * _NP
_NC, _NS = 2, 16
_NW = _NC * _NS
_BLK = 128
_BPT = 80
_EPAD = _NW * _BPT * _BLK
_NBLK = _NW * _BPT
_RPT = 640
_ACC_ROWS = _NS * _RPT
_ZR = 64


def _tc_pre(pcd, c2, W_flat, b_flat, W_fc, b_fc):

    def body(pcd_ref, c2_ref, wf_ref, bf_ref, wfc_ref, bfc_ref, o_ref):
        wbig = jnp.tile(wf_ref[...], (_K, 1)) * (1.0 / _K)
        flat = jnp.dot(c2_ref[...], wbig,
                       preferred_element_type=jnp.float32) + bf_ref[...]
        pcd_v = pcd_ref[...]
        cic = (pcd_v - jnp.mean(pcd_v, axis=1, keepdims=True) - 1.0)
        cic = cic.reshape(_N, 2)
        x = jnp.dot(flat, wfc_ref[0:_D, :], preferred_element_type=jnp.float32)
        x = x + cic[:, 0:1] * wfc_ref[_D:_D + 1, :]
        x = x + cic[:, 1:2] * wfc_ref[_D + 1:_D + 2, :]
        o_ref[...] = x + bfc_ref[...]

    return pl.pallas_call(
        body,
        out_shape=jax.ShapeDtypeStruct((_N, _D), jnp.float32),
    )(pcd, c2, W_flat, b_flat, W_fc, b_fc)


def _sc_segment_sum(h, idx3d):
    mesh = plsc.VectorSubcoreMesh(core_axis_name="c", subcore_axis_name="s")

    @functools.partial(
        pl.kernel,
        out_type=jax.ShapeDtypeStruct((_NC, _ACC_ROWS, _D), jnp.float32),
        mesh=mesh,
        scratch_types=[
            pltpu.VMEM((2, _BLK), jnp.int32),
            pltpu.VMEM((2, _BLK), jnp.int32),
            pltpu.VMEM((2, _BLK), jnp.int32),
            pltpu.VMEM((2, _BLK), jnp.int32),
            pltpu.VMEM((_BLK, _D), jnp.float32),
            pltpu.VMEM((_BLK, _D), jnp.float32),
            pltpu.VMEM((_ZR, _D), jnp.float32),
            pltpu.VMEM_SHARED((_ACC_ROWS, _D), jnp.float32),
            pltpu.SemaphoreType.DMA,
            pltpu.SemaphoreType.DMA,
            pltpu.SemaphoreType.DMA,
            pltpu.SemaphoreType.DMA,
            pltpu.SemaphoreType.DMA,
            pltpu.SemaphoreType.DMA,
        ],
    )
    def k(h_hbm, idx_hbm, out_hbm,
          ib0, ib1, ib2, ib3, gb0, gb1, zbuf, acc,
          is0, is1, is2, is3, gs0, gs1):
        cid = lax.axis_index("c")
        sid = lax.axis_index("s")
        wid = cid * _NS + sid
        base = wid * _BPT
        ibufs = (ib0, ib1, ib2, ib3)
        isems = (is0, is1, is2, is3)
        gbufs = (gb0, gb1)
        gsems = (gs0, gs1)

        zv = jnp.zeros((16,), jnp.float32)

        @pl.loop(0, _ZR)
        def _(i):
            @pl.loop(0, _D, step=16)
            def _(j):
                zbuf.at[i, pl.ds(j, 16)][...] = zv

        @pl.loop(0, _RPT // _ZR)
        def _(z):
            pltpu.sync_copy(zbuf, acc.at[pl.ds(sid * _RPT + z * _ZR, _ZR)])

        plsc.subcore_barrier()

        for q in range(4):
            pltpu.make_async_copy(idx_hbm.at[base + q], ibufs[q],
                                  isems[q]).start()
        pltpu.make_async_copy(idx_hbm.at[base], ibufs[0], isems[0]).wait()
        pltpu.make_async_copy(h_hbm.at[ibufs[0].at[0]], gbufs[0],
                              gsems[0]).start()

        @pl.loop(0, _BPT, step=4)
        def _(g):
            for u in range(4):
                b = g + u
                p = u % 2
                pn = (u + 1) % 2
                qn = (u + 1) % 4

                @pl.when(b + 1 < _BPT)
                def _():
                    pltpu.make_async_copy(idx_hbm.at[base + b + 1],
                                          ibufs[qn], isems[qn]).wait()
                    pltpu.make_async_copy(h_hbm.at[ibufs[qn].at[0]],
                                          gbufs[pn], gsems[pn]).start()

                pltpu.make_async_copy(h_hbm.at[ibufs[u].at[0]], gbufs[p],
                                      gsems[p]).wait()
                pltpu.sync_copy(gbufs[p], acc.at[ibufs[u].at[1]], add=True)

                @pl.when(b + 4 < _BPT)
                def _():
                    pltpu.make_async_copy(idx_hbm.at[base + b + 4],
                                          ibufs[u], isems[u]).start()

        plsc.subcore_barrier()

        pltpu.sync_copy(acc.at[pl.ds(sid * _RPT, _RPT)],
                        out_hbm.at[cid, pl.ds(sid * _RPT, _RPT)])

    return k(h, idx3d)


def _tc_update(parts, h, W, b):
    rb = 2000

    def body(p_ref, h_ref, w_ref, b_ref, o_ref):
        agg = p_ref[0] + p_ref[1]
        z = jnp.dot(agg, w_ref[...], preferred_element_type=jnp.float32)
        o_ref[...] = jnp.maximum(z + b_ref[...], 0.0) + h_ref[...]

    return pl.pallas_call(
        body,
        grid=(_N // rb,),
        in_specs=[
            pl.BlockSpec((_NC, rb, _D), lambda i: (0, i, 0)),
            pl.BlockSpec((rb, _D), lambda i: (i, 0)),
            pl.BlockSpec((_D, _D), lambda i: (0, 0)),
            pl.BlockSpec((1, _D), lambda i: (0, 0)),
        ],
        out_specs=pl.BlockSpec((rb, _D), lambda i: (i, 0)),
        out_shape=jax.ShapeDtypeStruct((_N, _D), jnp.float32),
    )(parts, h, W, b)


def kernel(pcd, c_input, edge_index, W_flat, b_flat, W_fc, b_fc,
           Wg1, bg1, Wg2, bg2, Wg3, bg3):
    c2 = c_input.reshape(_N, _K * _DIN)
    h = _tc_pre(pcd, c2, W_flat, b_flat.reshape(1, _D),
                W_fc, b_fc.reshape(1, _D))

    pad = _EPAD - _E
    src = jnp.concatenate([edge_index[0], jnp.zeros((pad,), edge_index.dtype)])
    dst = jnp.concatenate([edge_index[1], jnp.full((pad,), _N, edge_index.dtype)])
    idx3d = jnp.stack([src.reshape(_NBLK, _BLK), dst.reshape(_NBLK, _BLK)],
                      axis=1)

    for Wg, bg in ((Wg1, bg1), (Wg2, bg2), (Wg3, bg3)):
        parts = _sc_segment_sum(h, idx3d)
        h = _tc_update(parts, h, Wg, bg.reshape(1, _D))

    return h.reshape(_BS, _NP, _D)

# --- scband reference (transcript-rebuilt; emitter-appended) ---
"""Pipeline reference for scband-contour-feature-extractor-71408126264005 (READ-ONLY COPY).

The authoritative reference and input builder live on the scoring server;
editing this copy changes nothing except your own understanding.
"""

import jax, jax.numpy as jnp
import numpy as np

BS, NP, K, DIN, D, E = 4, 2500, 8, 16, 128, 320000

def setup_inputs(seed: int = 0):
    key = jax.random.key(seed)
    ks = jax.random.split(key, 10)
    pcd = jax.random.uniform(ks[0], (BS, NP, 2), dtype=jnp.float32)
    c_input = jax.random.normal(ks[1], (BS, NP, K, DIN), dtype=jnp.float32)
    edge_index = jax.random.randint(ks[2], (2, E), 0, BS * NP, dtype=jnp.int32)
    W_flat = jax.random.normal(ks[3], (DIN, D), dtype=jnp.float32) / np.sqrt(DIN)
    b_flat = jnp.zeros((D,), dtype=jnp.float32)
    W_fc = jax.random.normal(ks[4], (D + 2, D), dtype=jnp.float32) / np.sqrt(D + 2)
    b_fc = jnp.zeros((D,), dtype=jnp.float32)
    Wg1 = jax.random.normal(ks[5], (D, D), dtype=jnp.float32) / np.sqrt(D)
    bg1 = jnp.zeros((D,), dtype=jnp.float32)
    Wg2 = jax.random.normal(ks[6], (D, D), dtype=jnp.float32) / np.sqrt(D)
    bg2 = jnp.zeros((D,), dtype=jnp.float32)
    Wg3 = jax.random.normal(ks[7], (D, D), dtype=jnp.float32) / np.sqrt(D)
    bg3 = jnp.zeros((D,), dtype=jnp.float32)
    return {"pcd": pcd, "c_input": c_input, "edge_index": edge_index,
            "W_flat": W_flat, "b_flat": b_flat, "W_fc": W_fc, "b_fc": b_fc,
            "Wg1": Wg1, "bg1": bg1, "Wg2": Wg2, "bg2": bg2, "Wg3": Wg3, "bg3": bg3}

def reference(pcd, c_input, edge_index, W_flat, b_flat, W_fc, b_fc, Wg1, bg1, Wg2, bg2, Wg3, bg3):
    bs, n = pcd.shape[0], pcd.shape[1]
    ones2 = jnp.array([1.0, 1.0], dtype=pcd.dtype)
    contour = pcd + ones2
    # FlattenNet_average: average over local window dim, then linear projection to output_dim
    flatted_c = jnp.mean(c_input, axis=2)                 # [bs, n, DIN]
    flatted_c = flatted_c @ W_flat + b_flat               # [bs, n, D]
    flatted_c = flatted_c.reshape(bs, n, -1)
    contour_in_c = contour - jnp.mean(contour, axis=1, keepdims=True)
    contour_in_c = contour_in_c - ones2
    flatted_c = jnp.concatenate((flatted_c, contour_in_c), axis=-1)  # [bs, n, D+2]
    flatted_c = flatted_c @ W_fc + b_fc                   # [bs, n, D]
    x = flatted_c.reshape(-1, D)                          # [bs*n, D]
    # MyDeepGCN: residual GCN blocks with gather + scatter-add aggregation over edge_index
    src = edge_index[0]
    dst = edge_index[1]
    Ntot = x.shape[0]
    h = x
    for W, b in ((Wg1, bg1), (Wg2, bg2), (Wg3, bg3)):
        msgs = h[src]                                      # gather [E, D]
        agg = jax.ops.segment_sum(msgs, dst, num_segments=Ntot)  # scatter-add [N, D]
        h = jax.nn.relu(agg @ W + b) + h
    l_c = h.reshape(bs, n, -1)
    return l_c

if __name__ == "__main__":
    import jax
    _d = setup_inputs()
    print(jax.jit(kernel)(*tuple(_d.values())))

</pallas_src>

<mosaic_0001>
#map = affine_map<(d0, d1) -> (0, 0)>
#map1 = affine_map<(d0, d1) -> (0, 0, 0)>
module attributes {stable_mosaic.version = 14 : i64} {
  func.func @k(%arg0: i32, %arg1: i32, %arg2: memref<10000x128xf32, #tpu.memory_space<hbm>>, %arg3: memref<2560x2x128xi32, #tpu.memory_space<hbm>>, %arg4: memref<2x10240x128xf32, #tpu.memory_space<hbm>>, %arg5: memref<2x128xi32, #tpu.memory_space<vmem>>, %arg6: memref<2x128xi32, #tpu.memory_space<vmem>>, %arg7: memref<2x128xi32, #tpu.memory_space<vmem>>, %arg8: memref<2x128xi32, #tpu.memory_space<vmem>>, %arg9: memref<128x128xf32, #tpu.memory_space<vmem>>, %arg10: memref<128x128xf32, #tpu.memory_space<vmem>>, %arg11: memref<64x128xf32, #tpu.memory_space<vmem>>, %arg12: memref<10240x128xf32, #tpu.memory_space<vmem_shared>>, %arg13: memref<!tpu.dma_semaphore, #tpu.memory_space<semaphore_mem>>, %arg14: memref<!tpu.dma_semaphore, #tpu.memory_space<semaphore_mem>>, %arg15: memref<!tpu.dma_semaphore, #tpu.memory_space<semaphore_mem>>, %arg16: memref<!tpu.dma_semaphore, #tpu.memory_space<semaphore_mem>>, %arg17: memref<!tpu.dma_semaphore, #tpu.memory_space<semaphore_mem>>, %arg18: memref<!tpu.dma_semaphore, #tpu.memory_space<semaphore_mem>>) attributes {dimension_semantics = [#tpu.dimension_semantics<core_parallel>, #tpu.dimension_semantics<subcore_parallel>], iteration_bounds = array<i64: 2, 16>, scalar_prefetch = 0 : i64, scratch_operands = 14 : i64, tpu.core_type = #tpu.core_type<sc_vector_subcore>, window_params = [{transform_indices = #map}, {transform_indices = #map1}, {transform_indices = #map1}]} {
    %mul3A = arith.constant 16 : i32
    %mul3A_0 = arith.muli %arg0, %mul3A : i32
    %add3A = arith.addi %mul3A_0, %arg1 : i32
    %mul3A_1 = arith.constant 80 : i32
    %mul3A_2 = arith.muli %add3A, %mul3A_1 : i32
    %broadcast_in_dim3A = arith.constant 0.000000e+00 : f32
    %broadcast_in_dim3A_3 = vector.broadcast %broadcast_in_dim3A : f32 to vector<16xf32>
    %scan3A = arith.constant 0 : i32
    %scan3A_4 = arith.constant 64 : i32
    %scan3A_5 = arith.addi %scan3A, %scan3A_4 : i32
    %scan3A_6 = arith.constant 1 : i32
    scf.for %scan3A_76 = %scan3A to %scan3A_5 step %scan3A_6  : i32 {
      %mul3A_77 = arith.constant 1 : i32
      %mul3A_78 = arith.muli %scan3A_76, %mul3A_77 : i32
      %add3A_79 = arith.constant 0 : i32
      %add3A_80 = arith.addi %add3A_79, %mul3A_78 : i32
      %scan3A_81 = arith.constant 0 : i32
      %scan3A_82 = arith.constant 8 : i32
      %scan3A_83 = arith.addi %scan3A_81, %scan3A_82 : i32
      %scan3A_84 = arith.constant 1 : i32
      scf.for %scan3A_86 = %scan3A_81 to %scan3A_83 step %scan3A_84  : i32 {
        %mul3A_87 = arith.constant 16 : i32
        %mul3A_88 = arith.muli %scan3A_86, %mul3A_87 : i32
        %add3A_89 = arith.constant 0 : i32
        %add3A_90 = arith.addi %add3A_89, %mul3A_88 : i32
        %swap3A = arith.index_cast %add3A_80 : i32 to index
        %swap3A_91 = arith.index_cast %add3A_90 : i32 to index
        %swap3A_92 = tpu.vector_load %arg11[%swap3A, %swap3A_91] {strides = array<i32>} : memref<64x128xf32, #tpu.memory_space<vmem>>, vector<1x16xf32>,
        %swap3A_93 = vector.shape_cast %swap3A_92 : vector<1x16xf32> to vector<16xf32>
        %swap3A_94 = vector.shape_cast %broadcast_in_dim3A_3 : vector<16xf32> to vector<1x16xf32>
        tpu.vector_store %arg11[%swap3A, %swap3A_91], %swap3A_94 {strides = array<i32>} : memref<64x128xf32, #tpu.memory_space<vmem>>, vector<1x16xf32>,
      }
      %scan3A_85 = arith.constant 8 : i32
    }
    %scan3A_7 = arith.constant 64 : i32
    %scan3A_8 = arith.constant 0 : i32
    %scan3A_9 = arith.constant 10 : i32
    %scan3A_10 = arith.addi %scan3A_8, %scan3A_9 : i32
    %scan3A_11 = arith.constant 1 : i32
    scf.for %scan3A_76 = %scan3A_8 to %scan3A_10 step %scan3A_11  : i32 {
      %mul3A_77 = arith.constant 1 : i32
      %mul3A_78 = arith.muli %scan3A_76, %mul3A_77 : i32
      %add3A_79 = arith.constant 0 : i32
      %add3A_80 = arith.addi %add3A_79, %mul3A_78 : i32
      %mul3A_81 = arith.constant 640 : i32
      %mul3A_82 = arith.muli %arg1, %mul3A_81 : i32
      %mul3A_83 = arith.constant 64 : i32
      %mul3A_84 = arith.muli %add3A_80, %mul3A_83 : i32
      %add3A_85 = arith.addi %mul3A_82, %mul3A_84 : i32
      "tpu.region"() ({
        %run_scoped3A = tpu.sem_alloc : memref<!tpu.dma_semaphore, #tpu.memory_space<semaphore_mem>>
        %dma_start3A_86 = arith.constant 0 : i32
        %dma_start3A_87 = tpu.memref_slice %arg12[%add3A_85, %dma_start3A_86] : memref<10240x128xf32, #tpu.memory_space<vmem_shared>> -> memref<64x128xf32, #tpu.memory_space<vmem_shared>>
        %dma_start3A_88 = arith.constant 0 : i32
        %dma_start3A_89 = tpu.memref_slice %arg12[%add3A_85, %dma_start3A_88] : memref<10240x128xf32, #tpu.memory_space<vmem_shared>> -> memref<64x128xf32, #tpu.memory_space<vmem_shared>>
        tpu.enqueue_dma source(%arg11 : memref<64x128xf32, #tpu.memory_space<vmem>>) target(%dma_start3A_89 : memref<64x128xf32, #tpu.memory_space<vmem_shared>>) target_semaphore(%run_scoped3A : memref<!tpu.dma_semaphore, #tpu.memory_space<semaphore_mem>>)
        %dma_wait3A_90 = arith.constant 0 : i32
        %dma_wait3A_91 = tpu.memref_slice %arg12[%add3A_85, %dma_wait3A_90] : memref<10240x128xf32, #tpu.memory_space<vmem_shared>> -> memref<64x128xf32, #tpu.memory_space<vmem_shared>>
        %dma_wait3A_92 = arith.constant 0 : i32
        %dma_wait3A_93 = tpu.memref_slice %arg12[%add3A_85, %dma_wait3A_92] : memref<10240x128xf32, #tpu.memory_space<vmem_shared>> -> memref<64x128xf32, #tpu.memory_space<vmem_shared>>
        tpu.wait_dma2 semaphore(%run_scoped3A : memref<!tpu.dma_semaphore, #tpu.memory_space<semaphore_mem>>) src(%arg11 : memref<64x128xf32, #tpu.memory_space<vmem>>) dst(%dma_wait3A_93 : memref<64x128xf32, #tpu.memory_space<vmem_shared>>)
        tpu.yield
      }) : () -> ()
    }
    %scan3A_12 = arith.constant 10 : i32
    %barrier3A = arith.constant 0 : index
    tpu.barrier barrier_id(%barrier3A)
    %add3A_13 = arith.constant 0 : i32
    %add3A_14 = arith.addi %mul3A_2, %add3A_13 : i32
    %dma_start3A = arith.constant 0 : i32
    %dma_start3A_15 = arith.constant 0 : i32
    %dma_start3A_16 = tpu.memref_slice %arg3[%add3A_14, %dma_start3A, %dma_start3A_15] : memref<2560x2x128xi32, #tpu.memory_space<hbm>> -> memref<1x2x128xi32, #tpu.memory_space<hbm>>
    %dma_start3A_17 = tpu.memref_squeeze %dma_start3A_16 : memref<1x2x128xi32, #tpu.memory_space<hbm>> -> memref<2x128xi32, #tpu.memory_space<hbm>>
    %dma_start3A_18 = arith.constant 0 : i32
    %dma_start3A_19 = arith.constant 0 : i32
    %dma_start3A_20 = tpu.memref_slice %arg3[%add3A_14, %dma_start3A_18, %dma_start3A_19] : memref<2560x2x128xi32, #tpu.memory_space<hbm>> -> memref<1x2x128xi32, #tpu.memory_space<hbm>>
    %dma_start3A_21 = tpu.memref_squeeze %dma_start3A_20 : memref<1x2x128xi32, #tpu.memory_space<hbm>> -> memref<2x128xi32, #tpu.memory_space<hbm>>
    tpu.enqueue_dma source(%dma_start3A_21 : memref<2x128xi32, #tpu.memory_space<hbm>>) target(%arg5 : memref<2x128xi32, #tpu.memory_space<vmem>>) target_semaphore(%arg13 : memref<!tpu.dma_semaphore, #tpu.memory_space<semaphore_mem>>)
    %add3A_22 = arith.constant 1 : i32
    %add3A_23 = arith.addi %mul3A_2, %add3A_22 : i32
    %dma_start3A_24 = arith.constant 0 : i32
    %dma_start3A_25 = arith.constant 0 : i32
    %dma_start3A_26 = tpu.memref_slice %arg3[%add3A_23, %dma_start3A_24, %dma_start3A_25] : memref<2560x2x128xi32, #tpu.memory_space<hbm>> -> memref<1x2x128xi32, #tpu.memory_space<hbm>>
    %dma_start3A_27 = tpu.memref_squeeze %dma_start3A_26 : memref<1x2x128xi32, #tpu.memory_space<hbm>> -> memref<2x128xi32, #tpu.memory_space<hbm>>
    %dma_start3A_28 = arith.constant 0 : i32
    %dma_start3A_29 = arith.constant 0 : i32
    %dma_start3A_30 = tpu.memref_slice %arg3[%add3A_23, %dma_start3A_28, %dma_start3A_29] : memref<2560x2x128xi32, #tpu.memory_space<hbm>> -> memref<1x2x128xi32, #tpu.memory_space<hbm>>
    %dma_start3A_31 = tpu.memref_squeeze %dma_start3A_30 : memref<1x2x128xi32, #tpu.memory_space<hbm>> -> memref<2x128xi32, #tpu.memory_space<hbm>>
    tpu.enqueue_dma source(%dma_start3A_31 : memref<2x128xi32, #tpu.memory_space<hbm>>) target(%arg6 : memref<2x128xi32, #tpu.memory_space<vmem>>) target_semaphore(%arg14 : memref<!tpu.dma_semaphore, #tpu.memory_space<semaphore_mem>>)
    %add3A_32 = arith.constant 2 : i32
    %add3A_33 = arith.addi %mul3A_2, %add3A_32 : i32
    %dma_start3A_34 = arith.constant 0 : i32
    %dma_start3A_35 = arith.constant 0 : i32
    %dma_start3A_36 = tpu.memref_slice %arg3[%add3A_33, %dma_start3A_34, %dma_start3A_35] : memref<2560x2x128xi32, #tpu.memory_space<hbm>> -> memref<1x2x128xi32, #tpu.memory_space<hbm>>
    %dma_start3A_37 = tpu.memref_squeeze %dma_start3A_36 : memref<1x2x128xi32, #tpu.memory_space<hbm>> -> memref<2x128xi32, #tpu.memory_space<hbm>>
    %dma_start3A_38 = arith.constant 0 : i32
    %dma_start3A_39 = arith.constant 0 : i32
    %dma_start3A_40 = tpu.memref_slice %arg3[%add3A_33, %dma_start3A_38, %dma_start3A_39] : memref<2560x2x128xi32, #tpu.memory_space<hbm>> -> memref<1x2x128xi32, #tpu.memory_space<hbm>>
    %dma_start3A_41 = tpu.memref_squeeze %dma_start3A_40 : memref<1x2x128xi32, #tpu.memory_space<hbm>> -> memref<2x128xi32, #tpu.memory_space<hbm>>
    tpu.enqueue_dma source(%dma_start3A_41 : memref<2x128xi32, #tpu.memory_space<hbm>>) target(%arg7 : memref<2x128xi32, #tpu.memory_space<vmem>>) target_semaphore(%arg15 : memref<!tpu.dma_semaphore, #tpu.memory_space<semaphore_mem>>)
    %add3A_42 = arith.constant 3 : i32
    %add3A_43 = arith.addi %mul3A_2, %add3A_42 : i32
    %dma_start3A_44 = arith.constant 0 : i32
    %dma_start3A_45 = arith.constant 0 : i32
    %dma_start3A_46 = tpu.memref_slice %arg3[%add3A_43, %dma_start3A_44, %dma_start3A_45] : memref<2560x2x128xi32, #tpu.memory_space<hbm>> -> memref<1x2x128xi32, #tpu.memory_space<hbm>>
    %dma_start3A_47 = tpu.memref_squeeze %dma_start3A_46 : memref<1x2x128xi32, #tpu.memory_space<hbm>> -> memref<2x128xi32, #tpu.memory_space<hbm>>
    %dma_start3A_48 = arith.constant 0 : i32
    %dma_start3A_49 = arith.constant 0 : i32
    %dma_start3A_50 = tpu.memref_slice %arg3[%add3A_43, %dma_start3A_48, %dma_start3A_49] : memref<2560x2x128xi32, #tpu.memory_space<hbm>> -> memref<1x2x128xi32, #tpu.memory_space<hbm>>
    %dma_start3A_51 = tpu.memref_squeeze %dma_start3A_50 : memref<1x2x128xi32, #tpu.memory_space<hbm>> -> memref<2x128xi32, #tpu.memory_space<hbm>>
    tpu.enqueue_dma source(%dma_start3A_51 : memref<2x128xi32, #tpu.memory_space<hbm>>) target(%arg8 : memref<2x128xi32, #tpu.memory_space<vmem>>) target_semaphore(%arg16 : memref<!tpu.dma_semaphore, #tpu.memory_space<semaphore_mem>>)
    %dma_wait3A = arith.constant 0 : i32
    %dma_wait3A_52 = arith.constant 0 : i32
    %dma_wait3A_53 = tpu.memref_slice %arg3[%mul3A_2, %dma_wait3A, %dma_wait3A_52] : memref<2560x2x128xi32, #tpu.memory_space<hbm>> -> memref<1x2x128xi32, #tpu.memory_space<hbm>>
    %dma_wait3A_54 = tpu.memref_squeeze %dma_wait3A_53 : memref<1x2x128xi32, #tpu.memory_space<hbm>> -> memref<2x128xi32, #tpu.memory_space<hbm>>
    %dma_wait3A_55 = arith.constant 0 : i32
    %dma_wait3A_56 = arith.constant 0 : i32
    %dma_wait3A_57 = tpu.memref_slice %arg3[%mul3A_2, %dma_wait3A_55, %dma_wait3A_56] : memref<2560x2x128xi32, #tpu.memory_space<hbm>> -> memref<1x2x128xi32, #tpu.memory_space<hbm>>
    %dma_wait3A_58 = tpu.memref_squeeze %dma_wait3A_57 : memref<1x2x128xi32, #tpu.memory_space<hbm>> -> memref<2x128xi32, #tpu.memory_space<hbm>>
    tpu.wait_dma2 semaphore(%arg13 : memref<!tpu.dma_semaphore, #tpu.memory_space<semaphore_mem>>) src(%dma_wait3A_58 : memref<2x128xi32, #tpu.memory_space<hbm>>) dst(%arg5 : memref<2x128xi32, #tpu.memory_space<vmem>>)
    %dma_start3A_59 = arith.constant 0 : i32
    %dma_start3A_60 = arith.constant 0 : i32
    %dma_start3A_61 = tpu.memref_slice %arg5[%dma_start3A_59, %dma_start3A_60] : memref<2x128xi32, #tpu.memory_space<vmem>> -> memref<1x128xi32, #tpu.memory_space<vmem>>
    %dma_start3A_62 = tpu.memref_squeeze %dma_start3A_61 : memref<1x128xi32, #tpu.memory_space<vmem>> -> memref<128xi32, #tpu.memory_space<vmem>>
    %dma_start3A_63 = arith.constant 0 : i32
    %dma_start3A_64 = arith.constant 0 : i32
    %dma_start3A_65 = tpu.memref_slice %arg2[%dma_start3A_63, %dma_start3A_64] : memref<10000x128xf32, #tpu.memory_space<hbm>> -> memref<10000x128xf32, #tpu.memory_space<hbm>>
    tpu.enqueue_indirect_dma source(%dma_start3A_65 : memref<10000x128xf32, #tpu.memory_space<hbm>>) target(%arg9 : memref<128x128xf32, #tpu.memory_space<vmem>>) offsets(%dma_start3A_62 : memref<128xi32, #tpu.memory_space<vmem>>) semaphore(%arg17 : memref<!tpu.dma_semaphore, #tpu.memory_space<semaphore_mem>>)
    %scan3A_66 = arith.constant 0 : i32
    %scan3A_67 = arith.constant 20 : i32
    %scan3A_68 = arith.addi %scan3A_66, %scan3A_67 : i32
    %scan3A_69 = arith.constant 1 : i32
    scf.for %scan3A_76 = %scan3A_66 to %scan3A_68 step %scan3A_69  : i32 {
      %mul3A_77 = arith.constant 4 : i32
      %mul3A_78 = arith.muli %scan3A_76, %mul3A_77 : i32
      %add3A_79 = arith.constant 0 : i32
      %add3A_80 = arith.addi %add3A_79, %mul3A_78 : i32
      %add3A_81 = arith.constant 0 : i32
      %add3A_82 = arith.addi %add3A_80, %add3A_81 : i32
      %add3A_83 = arith.constant 1 : i32
      %add3A_84 = arith.addi %add3A_82, %add3A_83 : i32
      %lt3A = arith.constant 80 : i32
      %lt3A_85 = arith.cmpi slt, %add3A_84, %lt3A : i32
      %convert_element_type3A = arith.extui %lt3A_85 : i1 to i32
      %cond3A = arith.constant 0 : i32
      %cond3A_86 = arith.cmpi ne, %convert_element_type3A, %cond3A : i32
      scf.if %cond3A_86 {
        %add3A_173 = arith.addi %mul3A_2, %add3A_82 : i32
        %add3A_174 = arith.constant 1 : i32
        %add3A_175 = arith.addi %add3A_173, %add3A_174 : i32
        %dma_wait3A_176 = arith.constant 0 : i32
        %dma_wait3A_177 = arith.constant 0 : i32
        %dma_wait3A_178 = tpu.memref_slice %arg3[%add3A_175, %dma_wait3A_176, %dma_wait3A_177] : memref<2560x2x128xi32, #tpu.memory_space<hbm>> -> memref<1x2x128xi32, #tpu.memory_space<hbm>>
        %dma_wait3A_179 = tpu.memref_squeeze %dma_wait3A_178 : memref<1x2x128xi32, #tpu.memory_space<hbm>> -> memref<2x128xi32, #tpu.memory_space<hbm>>
        %dma_wait3A_180 = arith.constant 0 : i32
        %dma_wait3A_181 = arith.constant 0 : i32
        %dma_wait3A_182 = tpu.memref_slice %arg3[%add3A_175, %dma_wait3A_180, %dma_wait3A_181] : memref<2560x2x128xi32, #tpu.memory_space<hbm>> -> memref<1x2x128xi32, #tpu.memory_space<hbm>>
        %dma_wait3A_183 = tpu.memref_squeeze %dma_wait3A_182 : memref<1x2x128xi32, #tpu.memory_space<hbm>> -> memref<2x128xi32, #tpu.memory_space<hbm>>
        tpu.wait_dma2 semaphore(%arg14 : memref<!tpu.dma_semaphore, #tpu.memory_space<semaphore_mem>>) src(%dma_wait3A_183 : memref<2x128xi32, #tpu.memory_space<hbm>>) dst(%arg6 : memref<2x128xi32, #tpu.memory_space<vmem>>)
        %dma_start3A_184 = arith.constant 0 : i32
        %dma_start3A_185 = arith.constant 0 : i32
        %dma_start3A_186 = tpu.memref_slice %arg6[%dma_start3A_184, %dma_start3A_185] : memref<2x128xi32, #tpu.memory_space<vmem>> -> memref<1x128xi32, #tpu.memory_space<vmem>>
        %dma_start3A_187 = tpu.memref_squeeze %dma_start3A_186 : memref<1x128xi32, #tpu.memory_space<vmem>> -> memref<128xi32, #tpu.memory_space<vmem>>
        %dma_start3A_188 = arith.constant 0 : i32
        %dma_start3A_189 = arith.constant 0 : i32
        %dma_start3A_190 = tpu.memref_slice %arg2[%dma_start3A_188, %dma_start3A_189] : memref<10000x128xf32, #tpu.memory_space<hbm>> -> memref<10000x128xf32, #tpu.memory_space<hbm>>
        tpu.enqueue_indirect_dma source(%dma_start3A_190 : memref<10000x128xf32, #tpu.memory_space<hbm>>) target(%arg10 : memref<128x128xf32, #tpu.memory_space<vmem>>) offsets(%dma_start3A_187 : memref<128xi32, #tpu.memory_space<vmem>>) semaphore(%arg18 : memref<!tpu.dma_semaphore, #tpu.memory_space<semaphore_mem>>)
      } else {
      }
      %dma_wait3A_87 = arith.constant 0 : i32
      %dma_wait3A_88 = arith.constant 0 : i32
      %dma_wait3A_89 = tpu.memref_slice %arg5[%dma_wait3A_87, %dma_wait3A_88] : memref<2x128xi32, #tpu.memory_space<vmem>> -> memref<1x128xi32, #tpu.memory_space<vmem>>
      %dma_wait3A_90 = tpu.memref_squeeze %dma_wait3A_89 : memref<1x128xi32, #tpu.memory_space<vmem>> -> memref<128xi32, #tpu.memory_space<vmem>>
      %dma_wait3A_91 = arith.constant 0 : i32
      %dma_wait3A_92 = arith.constant 0 : i32
      %dma_wait3A_93 = tpu.memref_slice %arg2[%dma_wait3A_91, %dma_wait3A_92] : memref<10000x128xf32, #tpu.memory_space<hbm>> -> memref<10000x128xf32, #tpu.memory_space<hbm>>
      tpu.wait_indirect_dma semaphore(%arg17 : memref<!tpu.dma_semaphore, #tpu.memory_space<semaphore_mem>>) src(%dma_wait3A_93 : memref<10000x128xf32, #tpu.memory_space<hbm>>) dst(%arg9 : memref<128x128xf32, #tpu.memory_space<vmem>>)
      %run_scoped3A = arith.constant 1 : i32
      "tpu.region"() ({
        %run_scoped3A_173 = tpu.sem_alloc : memref<!tpu.dma_semaphore, #tpu.memory_space<semaphore_mem>>
        %dma_start3A_174 = arith.constant 0 : i32
        %dma_start3A_175 = tpu.memref_slice %arg5[%run_scoped3A, %dma_start3A_174] : memref<2x128xi32, #tpu.memory_space<vmem>> -> memref<1x128xi32, #tpu.memory_space<vmem>>
        %dma_start3A_176 = tpu.memref_squeeze %dma_start3A_175 : memref<1x128xi32, #tpu.memory_space<vmem>> -> memref<128xi32, #tpu.memory_space<vmem>>
        %dma_start3A_177 = arith.constant 0 : i32
        %dma_start3A_178 = arith.constant 0 : i32
        %dma_start3A_179 = tpu.memref_slice %arg12[%dma_start3A_177, %dma_start3A_178] : memref<10240x128xf32, #tpu.memory_space<vmem_shared>> -> memref<10240x128xf32, #tpu.memory_space<vmem_shared>>
        tpu.enqueue_indirect_dma source(%arg9 : memref<128x128xf32, #tpu.memory_space<vmem>>) target(%dma_start3A_179 : memref<10240x128xf32, #tpu.memory_space<vmem_shared>>) offsets(%dma_start3A_176 : memref<128xi32, #tpu.memory_space<vmem>>) semaphore(%run_scoped3A_173 : memref<!tpu.dma_semaphore, #tpu.memory_space<semaphore_mem>>) {add = true}
        %dma_wait3A_180 = arith.constant 0 : i32
        %dma_wait3A_181 = tpu.memref_slice %arg5[%run_scoped3A, %dma_wait3A_180] : memref<2x128xi32, #tpu.memory_space<vmem>> -> memref<1x128xi32, #tpu.memory_space<vmem>>
        %dma_wait3A_182 = tpu.memref_squeeze %dma_wait3A_181 : memref<1x128xi32, #tpu.memory_space<vmem>> -> memref<128xi32, #tpu.memory_space<vmem>>
        %dma_wait3A_183 = arith.constant 0 : i32
        %dma_wait3A_184 = arith.constant 0 : i32
        %dma_wait3A_185 = tpu.memref_slice %arg12[%dma_wait3A_183, %dma_wait3A_184] : memref<10240x128xf32, #tpu.memory_space<vmem_shared>> -> memref<10240x128xf32, #tpu.memory_space<vmem_shared>>
        tpu.wait_indirect_dma semaphore(%run_scoped3A_173 : memref<!tpu.dma_semaphore, #tpu.memory_space<semaphore_mem>>) src(%arg9 : memref<128x128xf32, #tpu.memory_space<vmem>>) dst(%dma_wait3A_185 : memref<10240x128xf32, #tpu.memory_space<vmem_shared>>)
        tpu.yield
      }) : () -> ()
      %add3A_94 = arith.constant 4 : i32
      %add3A_95 = arith.addi %add3A_82, %add3A_94 : i32
      %lt3A_96 = arith.constant 80 : i32
      %lt3A_97 = arith.cmpi slt, %add3A_95, %lt3A_96 : i32
      %convert_element_type3A_98 = arith.extui %lt3A_97 : i1 to i32
      %cond3A_99 = arith.constant 0 : i32
      %cond3A_100 = arith.cmpi ne, %convert_element_type3A_98, %cond3A_99 : i32
      scf.if %cond3A_100 {
        %add3A_173 = arith.addi %mul3A_2, %add3A_82 : i32
        %add3A_174 = arith.constant 4 : i32
        %add3A_175 = arith.addi %add3A_173, %add3A_174 : i32
        %dma_start3A_176 = arith.constant 0 : i32
        %dma_start3A_177 = arith.constant 0 : i32
        %dma_start3A_178 = tpu.memref_slice %arg3[%add3A_175, %dma_start3A_176, %dma_start3A_177] : memref<2560x2x128xi32, #tpu.memory_space<hbm>> -> memref<1x2x128xi32, #tpu.memory_space<hbm>>
        %dma_start3A_179 = tpu.memref_squeeze %dma_start3A_178 : memref<1x2x128xi32, #tpu.memory_space<hbm>> -> memref<2x128xi32, #tpu.memory_space<hbm>>
        %dma_start3A_180 = arith.constant 0 : i32
        %dma_start3A_181 = arith.constant 0 : i32
        %dma_start3A_182 = tpu.memref_slice %arg3[%add3A_175, %dma_start3A_180, %dma_start3A_181] : memref<2560x2x128xi32, #tpu.memory_space<hbm>> -> memref<1x2x128xi32, #tpu.memory_space<hbm>>
        %dma_start3A_183 = tpu.memref_squeeze %dma_start3A_182 : memref<1x2x128xi32, #tpu.memory_space<hbm>> -> memref<2x128xi32, #tpu.memory_space<hbm>>
        tpu.enqueue_dma source(%dma_start3A_183 : memref<2x128xi32, #tpu.memory_space<hbm>>) target(%arg5 : memref<2x128xi32, #tpu.memory_space<vmem>>) target_semaphore(%arg13 : memref<!tpu.dma_semaphore, #tpu.memory_space<semaphore_mem>>)
      } else {
      }
      %add3A_101 = arith.constant 1 : i32
      %add3A_102 = arith.addi %add3A_80, %add3A_101 : i32
      %add3A_103 = arith.constant 1 : i32
      %add3A_104 = arith.addi %add3A_102, %add3A_103 : i32
      %lt3A_105 = arith.constant 80 : i32
      %lt3A_106 = arith.cmpi slt, %add3A_104, %lt3A_105 : i32
      %convert_element_type3A_107 = arith.extui %lt3A_106 : i1 to i32
      %cond3A_108 = arith.constant 0 : i32
      %cond3A_109 = arith.cmpi ne, %convert_element_type3A_107, %cond3A_108 : i32
      scf.if %cond3A_109 {
        %add3A_173 = arith.addi %mul3A_2, %add3A_102 : i32
        %add3A_174 = arith.constant 1 : i32
        %add3A_175 = arith.addi %add3A_173, %add3A_174 : i32
        %dma_wait3A_176 = arith.constant 0 : i32
        %dma_wait3A_177 = arith.constant 0 : i32
        %dma_wait3A_178 = tpu.memref_slice %arg3[%add3A_175, %dma_wait3A_176, %dma_wait3A_177] : memref<2560x2x128xi32, #tpu.memory_space<hbm>> -> memref<1x2x128xi32, #tpu.memory_space<hbm>>
        %dma_wait3A_179 = tpu.memref_squeeze %dma_wait3A_178 : memref<1x2x128xi32, #tpu.memory_space<hbm>> -> memref<2x128xi32, #tpu.memory_space<hbm>>
        %dma_wait3A_180 = arith.constant 0 : i32
        %dma_wait3A_181 = arith.constant 0 : i32
        %dma_wait3A_182 = tpu.memref_slice %arg3[%add3A_175, %dma_wait3A_180, %dma_wait3A_181] : memref<2560x2x128xi32, #tpu.memory_space<hbm>> -> memref<1x2x128xi32, #tpu.memory_space<hbm>>
        %dma_wait3A_183 = tpu.memref_squeeze %dma_wait3A_182 : memref<1x2x128xi32, #tpu.memory_space<hbm>> -> memref<2x128xi32, #tpu.memory_space<hbm>>
        tpu.wait_dma2 semaphore(%arg15 : memref<!tpu.dma_semaphore, #tpu.memory_space<semaphore_mem>>) src(%dma_wait3A_183 : memref<2x128xi32, #tpu.memory_space<hbm>>) dst(%arg7 : memref<2x128xi32, #tpu.memory_space<vmem>>)
        %dma_start3A_184 = arith.constant 0 : i32
        %dma_start3A_185 = arith.constant 0 : i32
        %dma_start3A_186 = tpu.memref_slice %arg7[%dma_start3A_184, %dma_start3A_185] : memref<2x128xi32, #tpu.memory_space<vmem>> -> memref<1x128xi32, #tpu.memory_space<vmem>>
        %dma_start3A_187 = tpu.memref_squeeze %dma_start3A_186 : memref<1x128xi32, #tpu.memory_space<vmem>> -> memref<128xi32, #tpu.memory_space<vmem>>
        %dma_start3A_188 = arith.constant 0 : i32
        %dma_start3A_189 = arith.constant 0 : i32
        %dma_start3A_190 = tpu.memref_slice %arg2[%dma_start3A_188, %dma_start3A_189] : memref<10000x128xf32, #tpu.memory_space<hbm>> -> memref<10000x128xf32, #tpu.memory_space<hbm>>
        tpu.enqueue_indirect_dma source(%dma_start3A_190 : memref<10000x128xf32, #tpu.memory_space<hbm>>) target(%arg9 : memref<128x128xf32, #tpu.memory_space<vmem>>) offsets(%dma_start3A_187 : memref<128xi32, #tpu.memory_space<vmem>>) semaphore(%arg17 : memref<!tpu.dma_semaphore, #tpu.memory_space<semaphore_mem>>)
      } else {
      }
      %dma_wait3A_110 = arith.constant 0 : i32
      %dma_wait3A_111 = arith.constant 0 : i32
      %dma_wait3A_112 = tpu.memref_slice %arg6[%dma_wait3A_110, %dma_wait3A_111] : memref<2x128xi32, #tpu.memory_space<vmem>> -> memref<1x128xi32, #tpu.memory_space<vmem>>
      %dma_wait3A_113 = tpu.memref_squeeze %dma_wait3A_112 : memref<1x128xi32, #tpu.memory_space<vmem>> -> memref<128xi32, #tpu.memory_space<vmem>>
      %dma_wait3A_114 = arith.constant 0 : i32
      %dma_wait3A_115 = arith.constant 0 : i32
      %dma_wait3A_116 = tpu.memref_slice %arg2[%dma_wait3A_114, %dma_wait3A_115] : memref<10000x128xf32, #tpu.memory_space<hbm>> -> memref<10000x128xf32, #tpu.memory_space<hbm>>
      tpu.wait_indirect_dma semaphore(%arg18 : memref<!tpu.dma_semaphore, #tpu.memory_space<semaphore_mem>>) src(%dma_wait3A_116 : memref<10000x128xf32, #tpu.memory_space<hbm>>) dst(%arg10 : memref<128x128xf32, #tpu.memory_space<vmem>>)
      %run_scoped3A_117 = arith.constant 1 : i32
      "tpu.region"() ({
        %run_scoped3A_173 = tpu.sem_alloc : memref<!tpu.dma_semaphore, #tpu.memory_space<semaphore_mem>>
        %dma_start3A_174 = arith.constant 0 : i32
        %dma_start3A_175 = tpu.memref_slice %arg6[%run_scoped3A_117, %dma_start3A_174] : memref<2x128xi32, #tpu.memory_space<vmem>> -> memref<1x128xi32, #tpu.memory_space<vmem>>
        %dma_start3A_176 = tpu.memref_squeeze %dma_start3A_175 : memref<1x128xi32, #tpu.memory_space<vmem>> -> memref<128xi32, #tpu.memory_space<vmem>>
        %dma_start3A_177 = arith.constant 0 : i32
        %dma_start3A_178 = arith.constant 0 : i32
        %dma_start3A_179 = tpu.memref_slice %arg12[%dma_start3A_177, %dma_start3A_178] : memref<10240x128xf32, #tpu.memory_space<vmem_shared>> -> memref<10240x128xf32, #tpu.memory_space<vmem_shared>>
        tpu.enqueue_indirect_dma source(%arg10 : memref<128x128xf32, #tpu.memory_space<vmem>>) target(%dma_start3A_179 : memref<10240x128xf32, #tpu.memory_space<vmem_shared>>) offsets(%dma_start3A_176 : memref<128xi32, #tpu.memory_space<vmem>>) semaphore(%run_scoped3A_173 : memref<!tpu.dma_semaphore, #tpu.memory_space<semaphore_mem>>) {add = true}
        %dma_wait3A_180 = arith.constant 0 : i32
        %dma_wait3A_181 = tpu.memref_slice %arg6[%run_scoped3A_117, %dma_wait3A_180] : memref<2x128xi32, #tpu.memory_space<vmem>> -> memref<1x128xi32, #tpu.memory_space<vmem>>
        %dma_wait3A_182 = tpu.memref_squeeze %dma_wait3A_181 : memref<1x128xi32, #tpu.memory_space<vmem>> -> memref<128xi32, #tpu.memory_space<vmem>>
        %dma_wait3A_183 = arith.constant 0 : i32
        %dma_wait3A_184 = arith.constant 0 : i32
        %dma_wait3A_185 = tpu.memref_slice %arg12[%dma_wait3A_183, %dma_wait3A_184] : memref<10240x128xf32, #tpu.memory_space<vmem_shared>> -> memref<10240x128xf32, #tpu.memory_space<vmem_shared>>
        tpu.wait_indirect_dma semaphore(%run_scoped3A_173 : memref<!tpu.dma_semaphore, #tpu.memory_space<semaphore_mem>>) src(%arg10 : memref<128x128xf32, #tpu.memory_space<vmem>>) dst(%dma_wait3A_185 : memref<10240x128xf32, #tpu.memory_space<vmem_shared>>)
        tpu.yield
      }) : () -> ()
      %add3A_118 = arith.constant 4 : i32
      %add3A_119 = arith.addi %add3A_102, %add3A_118 : i32
      %lt3A_120 = arith.constant 80 : i32
      %lt3A_121 = arith.cmpi slt, %add3A_119, %lt3A_120 : i32
      %convert_element_type3A_122 = arith.extui %lt3A_121 : i1 to i32
      %cond3A_123 = arith.constant 0 : i32
      %cond3A_124 = arith.cmpi ne, %convert_element_type3A_122, %cond3A_123 : i32
      scf.if %cond3A_124 {
        %add3A_173 = arith.addi %mul3A_2, %add3A_102 : i32
        %add3A_174 = arith.constant 4 : i32
        %add3A_175 = arith.addi %add3A_173, %add3A_174 : i32
        %dma_start3A_176 = arith.constant 0 : i32
        %dma_start3A_177 = arith.constant 0 : i32
        %dma_start3A_178 = tpu.memref_slice %arg3[%add3A_175, %dma_start3A_176, %dma_start3A_177] : memref<2560x2x128xi32, #tpu.memory_space<hbm>> -> memref<1x2x128xi32, #tpu.memory_space<hbm>>
        %dma_start3A_179 = tpu.memref_squeeze %dma_start3A_178 : memref<1x2x128xi32, #tpu.memory_space<hbm>> -> memref<2x128xi32, #tpu.memory_space<hbm>>
        %dma_start3A_180 = arith.constant 0 : i32
        %dma_start3A_181 = arith.constant 0 : i32
        %dma_start3A_182 = tpu.memref_slice %arg3[%add3A_175, %dma_start3A_180, %dma_start3A_181] : memref<2560x2x128xi32, #tpu.memory_space<hbm>> -> memref<1x2x128xi32, #tpu.memory_space<hbm>>
        %dma_start3A_183 = tpu.memref_squeeze %dma_start3A_182 : memref<1x2x128xi32, #tpu.memory_space<hbm>> -> memref<2x128xi32, #tpu.memory_space<hbm>>
        tpu.enqueue_dma source(%dma_start3A_183 : memref<2x128xi32, #tpu.memory_space<hbm>>) target(%arg6 : memref<2x128xi32, #tpu.memory_space<vmem>>) target_semaphore(%arg14 : memref<!tpu.dma_semaphore, #tpu.memory_space<semaphore_mem>>)
      } else {
      }
      %add3A_125 = arith.constant 2 : i32
      %add3A_126 = arith.addi %add3A_80, %add3A_125 : i32
      %add3A_127 = arith.constant 1 : i32
      %add3A_128 = arith.addi %add3A_126, %add3A_127 : i32
      %lt3A_129 = arith.constant 80 : i32
      %lt3A_130 = arith.cmpi slt, %add3A_128, %lt3A_129 : i32
      %convert_element_type3A_131 = arith.extui %lt3A_130 : i1 to i32
      %cond3A_132 = arith.constant 0 : i32
      %cond3A_133 = arith.cmpi ne, %convert_element_type3A_131, %cond3A_132 : i32
      scf.if %cond3A_133 {
        %add3A_173 = arith.addi %mul3A_2, %add3A_126 : i32
        %add3A_174 = arith.constant 1 : i32
        %add3A_175 = arith.addi %add3A_173, %add3A_174 : i32
        %dma_wait3A_176 = arith.constant 0 : i32
        %dma_wait3A_177 = arith.constant 0 : i32
        %dma_wait3A_178 = tpu.memref_slice %arg3[%add3A_175, %dma_wait3A_176, %dma_wait3A_177] : memref<2560x2x128xi32, #tpu.memory_space<hbm>> -> memref<1x2x128xi32, #tpu.memory_space<hbm>>
        %dma_wait3A_179 = tpu.memref_squeeze %dma_wait3A_178 : memref<1x2x128xi32, #tpu.memory_space<hbm>> -> memref<2x128xi32, #tpu.memory_space<hbm>>
        %dma_wait3A_180 = arith.constant 0 : i32
        %dma_wait3A_181 = arith.constant 0 : i32
        %dma_wait3A_182 = tpu.memref_slice %arg3[%add3A_175, %dma_wait3A_180, %dma_wait3A_181] : memref<2560x2x128xi32, #tpu.memory_space<hbm>> -> memref<1x2x128xi32, #tpu.memory_space<hbm>>
        %dma_wait3A_183 = tpu.memref_squeeze %dma_wait3A_182 : memref<1x2x128xi32, #tpu.memory_space<hbm>> -> memref<2x128xi32, #tpu.memory_space<hbm>>
        tpu.wait_dma2 semaphore(%arg16 : memref<!tpu.dma_semaphore, #tpu.memory_space<semaphore_mem>>) src(%dma_wait3A_183 : memref<2x128xi32, #tpu.memory_space<hbm>>) dst(%arg8 : memref<2x128xi32, #tpu.memory_space<vmem>>)
        %dma_start3A_184 = arith.constant 0 : i32
        %dma_start3A_185 = arith.constant 0 : i32
        %dma_start3A_186 = tpu.memref_slice %arg8[%dma_start3A_184, %dma_start3A_185] : memref<2x128xi32, #tpu.memory_space<vmem>> -> memref<1x128xi32, #tpu.memory_space<vmem>>
        %dma_start3A_187 = tpu.memref_squeeze %dma_start3A_186 : memref<1x128xi32, #tpu.memory_space<vmem>> -> memref<128xi32, #tpu.memory_space<vmem>>
        %dma_start3A_188 = arith.constant 0 : i32
        %dma_start3A_189 = arith.constant 0 : i32
        %dma_start3A_190 = tpu.memref_slice %arg2[%dma_start3A_188, %dma_start3A_189] : memref<10000x128xf32, #tpu.memory_space<hbm>> -> memref<10000x128xf32, #tpu.memory_space<hbm>>
        tpu.enqueue_indirect_dma source(%dma_start3A_190 : memref<10000x128xf32, #tpu.memory_space<hbm>>) target(%arg10 : memref<128x128xf32, #tpu.memory_space<vmem>>) offsets(%dma_start3A_187 : memref<128xi32, #tpu.memory_space<vmem>>) semaphore(%arg18 : memref<!tpu.dma_semaphore, #tpu.memory_space<semaphore_mem>>)
      } else {
      }
      %dma_wait3A_134 = arith.constant 0 : i32
      %dma_wait3A_135 = arith.constant 0 : i32
      %dma_wait3A_136 = tpu.memref_slice %arg7[%dma_wait3A_134, %dma_wait3A_135] : memref<2x128xi32, #tpu.memory_space<vmem>> -> memref<1x128xi32, #tpu.memory_space<vmem>>
      %dma_wait3A_137 = tpu.memref_squeeze %dma_wait3A_136 : memref<1x128xi32, #tpu.memory_space<vmem>> -> memref<128xi32, #tpu.memory_space<vmem>>
      %dma_wait3A_138 = arith.constant 0 : i32
      %dma_wait3A_139 = arith.constant 0 : i32
      %dma_wait3A_140 = tpu.memref_slice %arg2[%dma_wait3A_138, %dma_wait3A_139] : memref<10000x128xf32, #tpu.memory_space<hbm>> -> memref<10000x128xf32, #tpu.memory_space<hbm>>
      tpu.wait_indirect_dma semaphore(%arg17 : memref<!tpu.dma_semaphore, #tpu.memory_space<semaphore_mem>>) src(%dma_wait3A_140 : memref<10000x128xf32, #tpu.memory_space<hbm>>) dst(%arg9 : memref<128x128xf32, #tpu.memory_space<vmem>>)
      %run_scoped3A_141 = arith.constant 1 : i32
      "tpu.region"() ({
        %run_scoped3A_173 = tpu.sem_alloc : memref<!tpu.dma_semaphore, #tpu.memory_space<semaphore_mem>>
        %dma_start3A_174 = arith.constant 0 : i32
        %dma_start3A_175 = tpu.memref_slice %arg7[%run_scoped3A_141, %dma_start3A_174] : memref<2x128xi32, #tpu.memory_space<vmem>> -> memref<1x128xi32, #tpu.memory_space<vmem>>
        %dma_start3A_176 = tpu.memref_squeeze %dma_start3A_175 : memref<1x128xi32, #tpu.memory_space<vmem>> -> memref<128xi32, #tpu.memory_space<vmem>>
        %dma_start3A_177 = arith.constant 0 : i32
        %dma_start3A_178 = arith.constant 0 : i32
        %dma_start3A_179 = tpu.memref_slice %arg12[%dma_start3A_177, %dma_start3A_178] : memref<10240x128xf32, #tpu.memory_space<vmem_shared>> -> memref<10240x128xf32, #tpu.memory_space<vmem_shared>>
        tpu.enqueue_indirect_dma source(%arg9 : memref<128x128xf32, #tpu.memory_space<vmem>>) target(%dma_start3A_179 : memref<10240x128xf32, #tpu.memory_space<vmem_shared>>) offsets(%dma_start3A_176 : memref<128xi32, #tpu.memory_space<vmem>>) semaphore(%run_scoped3A_173 : memref<!tpu.dma_semaphore, #tpu.memory_space<semaphore_mem>>) {add = true}
        %dma_wait3A_180 = arith.constant 0 : i32
        %dma_wait3A_181 = tpu.memref_slice %arg7[%run_scoped3A_141, %dma_wait3A_180] : memref<2x128xi32, #tpu.memory_space<vmem>> -> memref<1x128xi32, #tpu.memory_space<vmem>>
        %dma_wait3A_182 = tpu.memref_squeeze %dma_wait3A_181 : memref<1x128xi32, #tpu.memory_space<vmem>> -> memref<128xi32, #tpu.memory_space<vmem>>
        %dma_wait3A_183 = arith.constant 0 : i32
        %dma_wait3A_184 = arith.constant 0 : i32
        %dma_wait3A_185 = tpu.memref_slice %arg12[%dma_wait3A_183, %dma_wait3A_184] : memref<10240x128xf32, #tpu.memory_space<vmem_shared>> -> memref<10240x128xf32, #tpu.memory_space<vmem_shared>>
        tpu.wait_indirect_dma semaphore(%run_scoped3A_173 : memref<!tpu.dma_semaphore, #tpu.memory_space<semaphore_mem>>) src(%arg9 : memref<128x128xf32, #tpu.memory_space<vmem>>) dst(%dma_wait3A_185 : memref<10240x128xf32, #tpu.memory_space<vmem_shared>>)
        tpu.yield
      }) : () -> ()
      %add3A_142 = arith.constant 4 : i32
      %add3A_143 = arith.addi %add3A_126, %add3A_142 : i32
      %lt3A_144 = arith.constant 80 : i32
      %lt3A_145 = arith.cmpi slt, %add3A_143, %lt3A_144 : i32
      %convert_element_type3A_146 = arith.extui %lt3A_145 : i1 to i32
      %cond3A_147 = arith.constant 0 : i32
      %cond3A_148 = arith.cmpi ne, %convert_element_type3A_146, %cond3A_147 : i32
      scf.if %cond3A_148 {
        %add3A_173 = arith.addi %mul3A_2, %add3A_126 : i32
        %add3A_174 = arith.constant 4 : i32
        %add3A_175 = arith.addi %add3A_173, %add3A_174 : i32
        %dma_start3A_176 = arith.constant 0 : i32
        %dma_start3A_177 = arith.constant 0 : i32
        %dma_start3A_178 = tpu.memref_slice %arg3[%add3A_175, %dma_start3A_176, %dma_start3A_177] : memref<2560x2x128xi32, #tpu.memory_space<hbm>> -> memref<1x2x128xi32, #tpu.memory_space<hbm>>
        %dma_start3A_179 = tpu.memref_squeeze %dma_start3A_178 : memref<1x2x128xi32, #tpu.memory_space<hbm>> -> memref<2x128xi32, #tpu.memory_space<hbm>>
        %dma_start3A_180 = arith.constant 0 : i32
        %dma_start3A_181 = arith.constant 0 : i32
        %dma_start3A_182 = tpu.memref_slice %arg3[%add3A_175, %dma_start3A_180, %dma_start3A_181] : memref<2560x2x128xi32, #tpu.memory_space<hbm>> -> memref<1x2x128xi32, #tpu.memory_space<hbm>>
        %dma_start3A_183 = tpu.memref_squeeze %dma_start3A_182 : memref<1x2x128xi32, #tpu.memory_space<hbm>> -> memref<2x128xi32, #tpu.memory_space<hbm>>
        tpu.enqueue_dma source(%dma_start3A_183 : memref<2x128xi32, #tpu.memory_space<hbm>>) target(%arg7 : memref<2x128xi32, #tpu.memory_space<vmem>>) target_semaphore(%arg15 : memref<!tpu.dma_semaphore, #tpu.memory_space<semaphore_mem>>)
      } else {
      }
      %add3A_149 = arith.constant 3 : i32
      %add3A_150 = arith.addi %add3A_80, %add3A_149 : i32
      %add3A_151 = arith.constant 1 : i32
      %add3A_152 = arith.addi %add3A_150, %add3A_151 : i32
      %lt3A_153 = arith.constant 80 : i32
      %lt3A_154 = arith.cmpi slt, %add3A_152, %lt3A_153 : i32
      %convert_element_type3A_155 = arith.extui %lt3A_154 : i1 to i32
      %cond3A_156 = arith.constant 0 : i32
      %cond3A_157 = arith.cmpi ne, %convert_element_type3A_155, %cond3A_156 : i32
      scf.if %cond3A_157 {
        %add3A_173 = arith.addi %mul3A_2, %add3A_150 : i32
        %add3A_174 = arith.constant 1 : i32
        %add3A_175 = arith.addi %add3A_173, %add3A_174 : i32
        %dma_wait3A_176 = arith.constant 0 : i32
        %dma_wait3A_177 = arith.constant 0 : i32
        %dma_wait3A_178 = tpu.memref_slice %arg3[%add3A_175, %dma_wait3A_176, %dma_wait3A_177] : memref<2560x2x128xi32, #tpu.memory_space<hbm>> -> memref<1x2x128xi32, #tpu.memory_space<hbm>>
        %dma_wait3A_179 = tpu.memref_squeeze %dma_wait3A_178 : memref<1x2x128xi32, #tpu.memory_space<hbm>> -> memref<2x128xi32, #tpu.memory_space<hbm>>
        %dma_wait3A_180 = arith.constant 0 : i32
        %dma_wait3A_181 = arith.constant 0 : i32
        %dma_wait3A_182 = tpu.memref_slice %arg3[%add3A_175, %dma_wait3A_180, %dma_wait3A_181] : memref<2560x2x128xi32, #tpu.memory_space<hbm>> -> memref<1x2x128xi32, #tpu.memory_space<hbm>>
        %dma_wait3A_183 = tpu.memref_squeeze %dma_wait3A_182 : memref<1x2x128xi32, #tpu.memory_space<hbm>> -> memref<2x128xi32, #tpu.memory_space<hbm>>
        tpu.wait_dma2 semaphore(%arg13 : memref<!tpu.dma_semaphore, #tpu.memory_space<semaphore_mem>>) src(%dma_wait3A_183 : memref<2x128xi32, #tpu.memory_space<hbm>>) dst(%arg5 : memref<2x128xi32, #tpu.memory_space<vmem>>)
        %dma_start3A_184 = arith.constant 0 : i32
        %dma_start3A_185 = arith.constant 0 : i32
        %dma_start3A_186 = tpu.memref_slice %arg5[%dma_start3A_184, %dma_start3A_185] : memref<2x128xi32, #tpu.memory_space<vmem>> -> memref<1x128xi32, #tpu.memory_space<vmem>>
        %dma_start3A_187 = tpu.memref_squeeze %dma_start3A_186 : memref<1x128xi32, #tpu.memory_space<vmem>> -> memref<128xi32, #tpu.memory_space<vmem>>
        %dma_start3A_188 = arith.constant 0 : i32
        %dma_start3A_189 = arith.constant 0 : i32
        %dma_start3A_190 = tpu.memref_slice %arg2[%dma_start3A_188, %dma_start3A_189] : memref<10000x128xf32, #tpu.memory_space<hbm>> -> memref<10000x128xf32, #tpu.memory_space<hbm>>
        tpu.enqueue_indirect_dma source(%dma_start3A_190 : memref<10000x128xf32, #tpu.memory_space<hbm>>) target(%arg9 : memref<128x128xf32, #tpu.memory_space<vmem>>) offsets(%dma_start3A_187 : memref<128xi32, #tpu.memory_space<vmem>>) semaphore(%arg17 : memref<!tpu.dma_semaphore, #tpu.memory_space<semaphore_mem>>)
      } else {
      }
      %dma_wait3A_158 = arith.constant 0 : i32
      %dma_wait3A_159 = arith.constant 0 : i32
      %dma_wait3A_160 = tpu.memref_slice %arg8[%dma_wait3A_158, %dma_wait3A_159] : memref<2x128xi32, #tpu.memory_space<vmem>> -> memref<1x128xi32, #tpu.memory_space<vmem>>
      %dma_wait3A_161 = tpu.memref_squeeze %dma_wait3A_160 : memref<1x128xi32, #tpu.memory_space<vmem>> -> memref<128xi32, #tpu.memory_space<vmem>>
      %dma_wait3A_162 = arith.constant 0 : i32
      %dma_wait3A_163 = arith.constant 0 : i32
      %dma_wait3A_164 = tpu.memref_slice %arg2[%dma_wait3A_162, %dma_wait3A_163] : memref<10000x128xf32, #tpu.memory_space<hbm>> -> memref<10000x128xf32, #tpu.memory_space<hbm>>
      tpu.wait_indirect_dma semaphore(%arg18 : memref<!tpu.dma_semaphore, #tpu.memory_space<semaphore_mem>>) src(%dma_wait3A_164 : memref<10000x128xf32, #tpu.memory_space<hbm>>) dst(%arg10 : memref<128x128xf32, #tpu.memory_space<vmem>>)
      %run_scoped3A_165 = arith.constant 1 : i32
      "tpu.region"() ({
        %run_scoped3A_173 = tpu.sem_alloc : memref<!tpu.dma_semaphore, #tpu.memory_space<semaphore_mem>>
        %dma_start3A_174 = arith.constant 0 : i32
        %dma_start3A_175 = tpu.memref_slice %arg8[%run_scoped3A_165, %dma_start3A_174] : memref<2x128xi32, #tpu.memory_space<vmem>> -> memref<1x128xi32, #tpu.memory_space<vmem>>
        %dma_start3A_176 = tpu.memref_squeeze %dma_start3A_175 : memref<1x128xi32, #tpu.memory_space<vmem>> -> memref<128xi32, #tpu.memory_space<vmem>>
        %dma_start3A_177 = arith.constant 0 : i32
        %dma_start3A_178 = arith.constant 0 : i32
        %dma_start3A_179 = tpu.memref_slice %arg12[%dma_start3A_177, %dma_start3A_178] : memref<10240x128xf32, #tpu.memory_space<vmem_shared>> -> memref<10240x128xf32, #tpu.memory_space<vmem_shared>>
        tpu.enqueue_indirect_dma source(%arg10 : memref<128x128xf32, #tpu.memory_space<vmem>>) target(%dma_start3A_179 : memref<10240x128xf32, #tpu.memory_space<vmem_shared>>) offsets(%dma_start3A_176 : memref<128xi32, #tpu.memory_space<vmem>>) semaphore(%run_scoped3A_173 : memref<!tpu.dma_semaphore, #tpu.memory_space<semaphore_mem>>) {add = true}
        %dma_wait3A_180 = arith.constant 0 : i32
        %dma_wait3A_181 = tpu.memref_slice %arg8[%run_scoped3A_165, %dma_wait3A_180] : memref<2x128xi32, #tpu.memory_space<vmem>> -> memref<1x128xi32, #tpu.memory_space<vmem>>
        %dma_wait3A_182 = tpu.memref_squeeze %dma_wait3A_181 : memref<1x128xi32, #tpu.memory_space<vmem>> -> memref<128xi32, #tpu.memory_space<vmem>>
        %dma_wait3A_183 = arith.constant 0 : i32
        %dma_wait3A_184 = arith.constant 0 : i32
        %dma_wait3A_185 = tpu.memref_slice %arg12[%dma_wait3A_183, %dma_wait3A_184] : memref<10240x128xf32, #tpu.memory_space<vmem_shared>> -> memref<10240x128xf32, #tpu.memory_space<vmem_shared>>
        tpu.wait_indirect_dma semaphore(%run_scoped3A_173 : memref<!tpu.dma_semaphore, #tpu.memory_space<semaphore_mem>>) src(%arg10 : memref<128x128xf32, #tpu.memory_space<vmem>>) dst(%dma_wait3A_185 : memref<10240x128xf32, #tpu.memory_space<vmem_shared>>)
        tpu.yield
      }) : () -> ()
      %add3A_166 = arith.constant 4 : i32
      %add3A_167 = arith.addi %add3A_150, %add3A_166 : i32
      %lt3A_168 = arith.constant 80 : i32
      %lt3A_169 = arith.cmpi slt, %add3A_167, %lt3A_168 : i32
      %convert_element_type3A_170 = arith.extui %lt3A_169 : i1 to i32
      %cond3A_171 = arith.constant 0 : i32
      %cond3A_172 = arith.cmpi ne, %convert_element_type3A_170, %cond3A_171 : i32
      scf.if %cond3A_172 {
        %add3A_173 = arith.addi %mul3A_2, %add3A_150 : i32
        %add3A_174 = arith.constant 4 : i32
        %add3A_175 = arith.addi %add3A_173, %add3A_174 : i32
        %dma_start3A_176 = arith.constant 0 : i32
        %dma_start3A_177 = arith.constant 0 : i32
        %dma_start3A_178 = tpu.memref_slice %arg3[%add3A_175, %dma_start3A_176, %dma_start3A_177] : memref<2560x2x128xi32, #tpu.memory_space<hbm>> -> memref<1x2x128xi32, #tpu.memory_space<hbm>>
        %dma_start3A_179 = tpu.memref_squeeze %dma_start3A_178 : memref<1x2x128xi32, #tpu.memory_space<hbm>> -> memref<2x128xi32, #tpu.memory_space<hbm>>
        %dma_start3A_180 = arith.constant 0 : i32
        %dma_start3A_181 = arith.constant 0 : i32
        %dma_start3A_182 = tpu.memref_slice %arg3[%add3A_175, %dma_start3A_180, %dma_start3A_181] : memref<2560x2x128xi32, #tpu.memory_space<hbm>> -> memref<1x2x128xi32, #tpu.memory_space<hbm>>
        %dma_start3A_183 = tpu.memref_squeeze %dma_start3A_182 : memref<1x2x128xi32, #tpu.memory_space<hbm>> -> memref<2x128xi32, #tpu.memory_space<hbm>>
        tpu.enqueue_dma source(%dma_start3A_183 : memref<2x128xi32, #tpu.memory_space<hbm>>) target(%arg8 : memref<2x128xi32, #tpu.memory_space<vmem>>) target_semaphore(%arg16 : memref<!tpu.dma_semaphore, #tpu.memory_space<semaphore_mem>>)
      } else {
      }
    }
    %scan3A_70 = arith.constant 20 : i32
    %barrier3A_71 = arith.constant 0 : index
    tpu.barrier barrier_id(%barrier3A_71)
    %mul3A_72 = arith.constant 640 : i32
    %mul3A_73 = arith.muli %arg1, %mul3A_72 : i32
    %mul3A_74 = arith.constant 640 : i32
    %mul3A_75 = arith.muli %arg1, %mul3A_74 : i32
    "tpu.region"() ({
      %run_scoped3A = tpu.sem_alloc : memref<!tpu.dma_semaphore, #tpu.memory_space<semaphore_mem>>
      %dma_start3A_76 = arith.constant 0 : i32
      %dma_start3A_77 = tpu.memref_slice %arg4[%arg0, %mul3A_75, %dma_start3A_76] : memref<2x10240x128xf32, #tpu.memory_space<hbm>> -> memref<1x640x128xf32, #tpu.memory_space<hbm>>
      %dma_start3A_78 = tpu.memref_squeeze %dma_start3A_77 : memref<1x640x128xf32, #tpu.memory_space<hbm>> -> memref<640x128xf32, #tpu.memory_space<hbm>>
      %dma_start3A_79 = arith.constant 0 : i32
      %dma_start3A_80 = tpu.memref_slice %arg12[%mul3A_73, %dma_start3A_79] : memref<10240x128xf32, #tpu.memory_space<vmem_shared>> -> memref<640x128xf32, #tpu.memory_space<vmem_shared>>
      tpu.enqueue_dma source(%dma_start3A_80 : memref<640x128xf32, #tpu.memory_space<vmem_shared>>) target(%dma_start3A_78 : memref<640x128xf32, #tpu.memory_space<hbm>>) target_semaphore(%run_scoped3A : memref<!tpu.dma_semaphore, #tpu.memory_space<semaphore_mem>>)
      %dma_wait3A_81 = arith.constant 0 : i32
      %dma_wait3A_82 = tpu.memref_slice %arg4[%arg0, %mul3A_75, %dma_wait3A_81] : memref<2x10240x128xf32, #tpu.memory_space<hbm>> -> memref<1x640x128xf32, #tpu.memory_space<hbm>>
      %dma_wait3A_83 = tpu.memref_squeeze %dma_wait3A_82 : memref<1x640x128xf32, #tpu.memory_space<hbm>> -> memref<640x128xf32, #tpu.memory_space<hbm>>
      %dma_wait3A_84 = arith.constant 0 : i32
      %dma_wait3A_85 = tpu.memref_slice %arg12[%mul3A_73, %dma_wait3A_84] : memref<10240x128xf32, #tpu.memory_space<vmem_shared>> -> memref<640x128xf32, #tpu.memory_space<vmem_shared>>
      tpu.wait_dma2 semaphore(%run_scoped3A : memref<!tpu.dma_semaphore, #tpu.memory_space<semaphore_mem>>) src(%dma_wait3A_85 : memref<640x128xf32, #tpu.memory_space<vmem_shared>>) dst(%dma_wait3A_83 : memref<640x128xf32, #tpu.memory_space<hbm>>)
      tpu.yield
    }) : () -> ()
    return
  }
}

#map = affine_map<(d0, d1) -> (0, 0)>
#map1 = affine_map<(d0, d1) -> (0, 0, 0)>
module attributes {stable_mosaic.version = 14 : i64} {
  func.func @k(%arg0: i32, %arg1: i32, %arg2: memref<10000x128xf32, #tpu.memory_space<hbm>>, %arg3: memref<2560x2x128xi32, #tpu.memory_space<hbm>>, %arg4: memref<2x10240x128xf32, #tpu.memory_space<hbm>>, %arg5: memref<2x128xi32, #tpu.memory_space<vmem>>, %arg6: memref<2x128xi32, #tpu.memory_space<vmem>>, %arg7: memref<2x128xi32, #tpu.memory_space<vmem>>, %arg8: memref<2x128xi32, #tpu.memory_space<vmem>>, %arg9: memref<128x128xf32, #tpu.memory_space<vmem>>, %arg10: memref<128x128xf32, #tpu.memory_space<vmem>>, %arg11: memref<64x128xf32, #tpu.memory_space<vmem>>, %arg12: memref<10240x128xf32, #tpu.memory_space<vmem_shared>>, %arg13: memref<!tpu.dma_semaphore, #tpu.memory_space<semaphore_mem>>, %arg14: memref<!tpu.dma_semaphore, #tpu.memory_space<semaphore_mem>>, %arg15: memref<!tpu.dma_semaphore, #tpu.memory_space<semaphore_mem>>, %arg16: memref<!tpu.dma_semaphore, #tpu.memory_space<semaphore_mem>>, %arg17: memref<!tpu.dma_semaphore, #tpu.memory_space<semaphore_mem>>, %arg18: memref<!tpu.dma_semaphore, #tpu.memory_space<semaphore_mem>>) attributes {dimension_semantics = [#tpu.dimension_semantics<core_parallel>, #tpu.dimension_semantics<subcore_parallel>], iteration_bounds = array<i64: 2, 16>, scalar_prefetch = 0 : i64, scratch_operands = 14 : i64, tpu.core_type = #tpu.core_type<sc_vector_subcore>, window_params = [{transform_indices = #map}, {transform_indices = #map1}, {transform_indices = #map1}]} {
    %mul3A = arith.constant 16 : i32
    %mul3A_0 = arith.muli %arg0, %mul3A : i32
    %add3A = arith.addi %mul3A_0, %arg1 : i32
    %mul3A_1 = arith.constant 80 : i32
    %mul3A_2 = arith.muli %add3A, %mul3A_1 : i32
    %broadcast_in_dim3A = arith.constant 0.000000e+00 : f32
    %broadcast_in_dim3A_3 = vector.broadcast %broadcast_in_dim3A : f32 to vector<16xf32>
    %scan3A = arith.constant 0 : i32
    %scan3A_4 = arith.constant 64 : i32
    %scan3A_5 = arith.addi %scan3A, %scan3A_4 : i32
    %scan3A_6 = arith.constant 1 : i32
    scf.for %scan3A_76 = %scan3A to %scan3A_5 step %scan3A_6  : i32 {
      %mul3A_77 = arith.constant 1 : i32
      %mul3A_78 = arith.muli %scan3A_76, %mul3A_77 : i32
      %add3A_79 = arith.constant 0 : i32
      %add3A_80 = arith.addi %add3A_79, %mul3A_78 : i32
      %scan3A_81 = arith.constant 0 : i32
      %scan3A_82 = arith.constant 8 : i32
      %scan3A_83 = arith.addi %scan3A_81, %scan3A_82 : i32
      %scan3A_84 = arith.constant 1 : i32
      scf.for %scan3A_86 = %scan3A_81 to %scan3A_83 step %scan3A_84  : i32 {
        %mul3A_87 = arith.constant 16 : i32
        %mul3A_88 = arith.muli %scan3A_86, %mul3A_87 : i32
        %add3A_89 = arith.constant 0 : i32
        %add3A_90 = arith.addi %add3A_89, %mul3A_88 : i32
        %swap3A = arith.index_cast %add3A_80 : i32 to index
        %swap3A_91 = arith.index_cast %add3A_90 : i32 to index
        %swap3A_92 = tpu.vector_load %arg11[%swap3A, %swap3A_91] {strides = array<i32>} : memref<64x128xf32, #tpu.memory_space<vmem>>, vector<1x16xf32>,
        %swap3A_93 = vector.shape_cast %swap3A_92 : vector<1x16xf32> to vector<16xf32>
        %swap3A_94 = vector.shape_cast %broadcast_in_dim3A_3 : vector<16xf32> to vector<1x16xf32>
        tpu.vector_store %arg11[%swap3A, %swap3A_91], %swap3A_94 {strides = array<i32>} : memref<64x128xf32, #tpu.memory_space<vmem>>, vector<1x16xf32>,
      }
      %scan3A_85 = arith.constant 8 : i32
    }
    %scan3A_7 = arith.constant 64 : i32
    %scan3A_8 = arith.constant 0 : i32
    %scan3A_9 = arith.constant 10 : i32
    %scan3A_10 = arith.addi %scan3A_8, %scan3A_9 : i32
    %scan3A_11 = arith.constant 1 : i32
    scf.for %scan3A_76 = %scan3A_8 to %scan3A_10 step %scan3A_11  : i32 {
      %mul3A_77 = arith.constant 1 : i32
      %mul3A_78 = arith.muli %scan3A_76, %mul3A_77 : i32
      %add3A_79 = arith.constant 0 : i32
      %add3A_80 = arith.addi %add3A_79, %mul3A_78 : i32
      %mul3A_81 = arith.constant 640 : i32
      %mul3A_82 = arith.muli %arg1, %mul3A_81 : i32
      %mul3A_83 = arith.constant 64 : i32
      %mul3A_84 = arith.muli %add3A_80, %mul3A_83 : i32
      %add3A_85 = arith.addi %mul3A_82, %mul3A_84 : i32
      "tpu.region"() ({
        %run_scoped3A = tpu.sem_alloc : memref<!tpu.dma_semaphore, #tpu.memory_space<semaphore_mem>>
        %dma_start3A_86 = arith.constant 0 : i32
        %dma_start3A_87 = tpu.memref_slice %arg12[%add3A_85, %dma_start3A_86] : memref<10240x128xf32, #tpu.memory_space<vmem_shared>> -> memref<64x128xf32, #tpu.memory_space<vmem_shared>>
        %dma_start3A_88 = arith.constant 0 : i32
        %dma_start3A_89 = tpu.memref_slice %arg12[%add3A_85, %dma_start3A_88] : memref<10240x128xf32, #tpu.memory_space<vmem_shared>> -> memref<64x128xf32, #tpu.memory_space<vmem_shared>>
        tpu.enqueue_dma source(%arg11 : memref<64x128xf32, #tpu.memory_space<vmem>>) target(%dma_start3A_89 : memref<64x128xf32, #tpu.memory_space<vmem_shared>>) target_semaphore(%run_scoped3A : memref<!tpu.dma_semaphore, #tpu.memory_space<semaphore_mem>>)
        %dma_wait3A_90 = arith.constant 0 : i32
        %dma_wait3A_91 = tpu.memref_slice %arg12[%add3A_85, %dma_wait3A_90] : memref<10240x128xf32, #tpu.memory_space<vmem_shared>> -> memref<64x128xf32, #tpu.memory_space<vmem_shared>>
        %dma_wait3A_92 = arith.constant 0 : i32
        %dma_wait3A_93 = tpu.memref_slice %arg12[%add3A_85, %dma_wait3A_92] : memref<10240x128xf32, #tpu.memory_space<vmem_shared>> -> memref<64x128xf32, #tpu.memory_space<vmem_shared>>
        tpu.wait_dma2 semaphore(%run_scoped3A : memref<!tpu.dma_semaphore, #tpu.memory_space<semaphore_mem>>) src(%arg11 : memref<64x128xf32, #tpu.memory_space<vmem>>) dst(%dma_wait3A_93 : memref<64x128xf32, #tpu.memory_space<vmem_shared>>)
        tpu.yield
      }) : () -> ()
    }
    %scan3A_12 = arith.constant 10 : i32
    %barrier3A = arith.constant 0 : index
    tpu.barrier barrier_id(%barrier3A)
    %add3A_13 = arith.constant 0 : i32
    %add3A_14 = arith.addi %mul3A_2, %add3A_13 : i32
    %dma_start3A = arith.constant 0 : i32
    %dma_start3A_15 = arith.constant 0 : i32
    %dma_start3A_16 = tpu.memref_slice %arg3[%add3A_14, %dma_start3A, %dma_start3A_15] : memref<2560x2x128xi32, #tpu.memory_space<hbm>> -> memref<1x2x128xi32, #tpu.memory_space<hbm>>
    %dma_start3A_17 = tpu.memref_squeeze %dma_start3A_16 : memref<1x2x128xi32, #tpu.memory_space<hbm>> -> memref<2x128xi32, #tpu.memory_space<hbm>>
    %dma_start3A_18 = arith.constant 0 : i32
    %dma_start3A_19 = arith.constant 0 : i32
    %dma_start3A_20 = tpu.memref_slice %arg3[%add3A_14, %dma_start3A_18, %dma_start3A_19] : memref<2560x2x128xi32, #tpu.memory_space<hbm>> -> memref<1x2x128xi32, #tpu.memory_space<hbm>>
    %dma_start3A_21 = tpu.memref_squeeze %dma_start3A_20 : memref<1x2x128xi32, #tpu.memory_space<hbm>> -> memref<2x128xi32, #tpu.memory_space<hbm>>
    tpu.enqueue_dma source(%dma_start3A_21 : memref<2x128xi32, #tpu.memory_space<hbm>>) target(%arg5 : memref<2x128xi32, #tpu.memory_space<vmem>>) target_semaphore(%arg13 : memref<!tpu.dma_semaphore, #tpu.memory_space<semaphore_mem>>)
    %add3A_22 = arith.constant 1 : i32
    %add3A_23 = arith.addi %mul3A_2, %add3A_22 : i32
    %dma_start3A_24 = arith.constant 0 : i32
    %dma_start3A_25 = arith.constant 0 : i32
    %dma_start3A_26 = tpu.memref_slice %arg3[%add3A_23, %dma_start3A_24, %dma_start3A_25] : memref<2560x2x128xi32, #tpu.memory_space<hbm>> -> memref<1x2x128xi32, #tpu.memory_space<hbm>>
    %dma_start3A_27 = tpu.memref_squeeze %dma_start3A_26 : memref<1x2x128xi32, #tpu.memory_space<hbm>> -> memref<2x128xi32, #tpu.memory_space<hbm>>
    %dma_start3A_28 = arith.constant 0 : i32
    %dma_start3A_29 = arith.constant 0 : i32
    %dma_start3A_30 = tpu.memref_slice %arg3[%add3A_23, %dma_start3A_28, %dma_start3A_29] : memref<2560x2x128xi32, #tpu.memory_space<hbm>> -> memref<1x2x128xi32, #tpu.memory_space<hbm>>
    %dma_start3A_31 = tpu.memref_squeeze %dma_start3A_30 : memref<1x2x128xi32, #tpu.memory_space<hbm>> -> memref<2x128xi32, #tpu.memory_space<hbm>>
    tpu.enqueue_dma source(%dma_start3A_31 : memref<2x128xi32, #tpu.memory_space<hbm>>) target(%arg6 : memref<2x128xi32, #tpu.memory_space<vmem>>) target_semaphore(%arg14 : memref<!tpu.dma_semaphore, #tpu.memory_space<semaphore_mem>>)
    %add3A_32 = arith.constant 2 : i32
    %add3A_33 = arith.addi %mul3A_2, %add3A_32 : i32
    %dma_start3A_34 = arith.constant 0 : i32
    %dma_start3A_35 = arith.constant 0 : i32
    %dma_start3A_36 = tpu.memref_slice %arg3[%add3A_33, %dma_start3A_34, %dma_start3A_35] : memref<2560x2x128xi32, #tpu.memory_space<hbm>> -> memref<1x2x128xi32, #tpu.memory_space<hbm>>
    %dma_start3A_37 = tpu.memref_squeeze %dma_start3A_36 : memref<1x2x128xi32, #tpu.memory_space<hbm>> -> memref<2x128xi32, #tpu.memory_space<hbm>>
    %dma_start3A_38 = arith.constant 0 : i32
    %dma_start3A_39 = arith.constant 0 : i32
    %dma_start3A_40 = tpu.memref_slice %arg3[%add3A_33, %dma_start3A_38, %dma_start3A_39] : memref<2560x2x128xi32, #tpu.memory_space<hbm>> -> memref<1x2x128xi32, #tpu.memory_space<hbm>>
    %dma_start3A_41 = tpu.memref_squeeze %dma_start3A_40 : memref<1x2x128xi32, #tpu.memory_space<hbm>> -> memref<2x128xi32, #tpu.memory_space<hbm>>
    tpu.enqueue_dma source(%dma_start3A_41 : memref<2x128xi32, #tpu.memory_space<hbm>>) target(%arg7 : memref<2x128xi32, #tpu.memory_space<vmem>>) target_semaphore(%arg15 : memref<!tpu.dma_semaphore, #tpu.memory_space<semaphore_mem>>)
    %add3A_42 = arith.constant 3 : i32
    %add3A_43 = arith.addi %mul3A_2, %add3A_42 : i32
    %dma_start3A_44 = arith.constant 0 : i32
    %dma_start3A_45 = arith.constant 0 : i32
    %dma_start3A_46 = tpu.memref_slice %arg3[%add3A_43, %dma_start3A_44, %dma_start3A_45] : memref<2560x2x128xi32, #tpu.memory_space<hbm>> -> memref<1x2x128xi32, #tpu.memory_space<hbm>>
    %dma_start3A_47 = tpu.memref_squeeze %dma_start3A_46 : memref<1x2x128xi32, #tpu.memory_space<hbm>> -> memref<2x128xi32, #tpu.memory_space<hbm>>
    %dma_start3A_48 = arith.constant 0 : i32
    %dma_start3A_49 = arith.constant 0 : i32
    %dma_start3A_50 = tpu.memref_slice %arg3[%add3A_43, %dma_start3A_48, %dma_start3A_49] : memref<2560x2x128xi32, #tpu.memory_space<hbm>> -> memref<1x2x128xi32, #tpu.memory_space<hbm>>
    %dma_start3A_51 = tpu.memref_squeeze %dma_start3A_50 : memref<1x2x128xi32, #tpu.memory_space<hbm>> -> memref<2x128xi32, #tpu.memory_space<hbm>>
    tpu.enqueue_dma source(%dma_start3A_51 : memref<2x128xi32, #tpu.memory_space<hbm>>) target(%arg8 : memref<2x128xi32, #tpu.memory_space<vmem>>) target_semaphore(%arg16 : memref<!tpu.dma_semaphore, #tpu.memory_space<semaphore_mem>>)
    %dma_wait3A = arith.constant 0 : i32
    %dma_wait3A_52 = arith.constant 0 : i32
    %dma_wait3A_53 = tpu.memref_slice %arg3[%mul3A_2, %dma_wait3A, %dma_wait3A_52] : memref<2560x2x128xi32, #tpu.memory_space<hbm>> -> memref<1x2x128xi32, #tpu.memory_space<hbm>>
    %dma_wait3A_54 = tpu.memref_squeeze %dma_wait3A_53 : memref<1x2x128xi32, #tpu.memory_space<hbm>> -> memref<2x128xi32, #tpu.memory_space<hbm>>
    %dma_wait3A_55 = arith.constant 0 : i32
    %dma_wait3A_56 = arith.constant 0 : i32
    %dma_wait3A_57 = tpu.memref_slice %arg3[%mul3A_2, %dma_wait3A_55, %dma_wait3A_56] : memref<2560x2x128xi32, #tpu.memory_space<hbm>> -> memref<1x2x128xi32, #tpu.memory_space<hbm>>
    %dma_wait3A_58 = tpu.memref_squeeze %dma_wait3A_57 : memref<1x2x128xi32, #tpu.memory_space<hbm>> -> memref<2x128xi32, #tpu.memory_space<hbm>>
    tpu.wait_dma2 semaphore(%arg13 : memref<!tpu.dma_semaphore, #tpu.memory_space<semaphore_mem>>) src(%dma_wait3A_58 : memref<2x128xi32, #tpu.memory_space<hbm>>) dst(%arg5 : memref<2x128xi32, #tpu.memory_space<vmem>>)
    %dma_start3A_59 = arith.constant 0 : i32
    %dma_start3A_60 = arith.constant 0 : i32
    %dma_start3A_61 = tpu.memref_slice %arg5[%dma_start3A_59, %dma_start3A_60] : memref<2x128xi32, #tpu.memory_space<vmem>> -> memref<1x128xi32, #tpu.memory_space<vmem>>
    %dma_start3A_62 = tpu.memref_squeeze %dma_start3A_61 : memref<1x128xi32, #tpu.memory_space<vmem>> -> memref<128xi32, #tpu.memory_space<vmem>>
    %dma_start3A_63 = arith.constant 0 : i32
    %dma_start3A_64 = arith.constant 0 : i32
    %dma_start3A_65 = tpu.memref_slice %arg2[%dma_start3A_63, %dma_start3A_64] : memref<10000x128xf32, #tpu.memory_space<hbm>> -> memref<10000x128xf32, #tpu.memory_space<hbm>>
    tpu.enqueue_indirect_dma source(%dma_start3A_65 : memref<10000x128xf32, #tpu.memory_space<hbm>>) target(%arg9 : memref<128x128xf32, #tpu.memory_space<vmem>>) offsets(%dma_start3A_62 : memref<128xi32, #tpu.memory_space<vmem>>) semaphore(%arg17 : memref<!tpu.dma_semaphore, #tpu.memory_space<semaphore_mem>>)
    %scan3A_66 = arith.constant 0 : i32
    %scan3A_67 = arith.constant 20 : i32
    %scan3A_68 = arith.addi %scan3A_66, %scan3A_67 : i32
    %scan3A_69 = arith.constant 1 : i32
    scf.for %scan3A_76 = %scan3A_66 to %scan3A_68 step %scan3A_69  : i32 {
      %mul3A_77 = arith.constant 4 : i32
      %mul3A_78 = arith.muli %scan3A_76, %mul3A_77 : i32
      %add3A_79 = arith.constant 0 : i32
      %add3A_80 = arith.addi %add3A_79, %mul3A_78 : i32
      %add3A_81 = arith.constant 0 : i32
      %add3A_82 = arith.addi %add3A_80, %add3A_81 : i32
      %add3A_83 = arith.constant 1 : i32
      %add3A_84 = arith.addi %add3A_82, %add3A_83 : i32
      %lt3A = arith.constant 80 : i32
      %lt3A_85 = arith.cmpi slt, %add3A_84, %lt3A : i32
      %convert_element_type3A = arith.extui %lt3A_85 : i1 to i32
      %cond3A = arith.constant 0 : i32
      %cond3A_86 = arith.cmpi ne, %convert_element_type3A, %cond3A : i32
      scf.if %cond3A_86 {
        %add3A_173 = arith.addi %mul3A_2, %add3A_82 : i32
        %add3A_174 = arith.constant 1 : i32
        %add3A_175 = arith.addi %add3A_173, %add3A_174 : i32
        %dma_wait3A_176 = arith.constant 0 : i32
        %dma_wait3A_177 = arith.constant 0 : i32
        %dma_wait3A_178 = tpu.memref_slice %arg3[%add3A_175, %dma_wait3A_176, %dma_wait3A_177] : memref<2560x2x128xi32, #tpu.memory_space<hbm>> -> memref<1x2x128xi32, #tpu.memory_space<hbm>>
        %dma_wait3A_179 = tpu.memref_squeeze %dma_wait3A_178 : memref<1x2x128xi32, #tpu.memory_space<hbm>> -> memref<2x128xi32, #tpu.memory_space<hbm>>
        %dma_wait3A_180 = arith.constant 0 : i32
        %dma_wait3A_181 = arith.constant 0 : i32
        %dma_wait3A_182 = tpu.memref_slice %arg3[%add3A_175, %dma_wait3A_180, %dma_wait3A_181] : memref<2560x2x128xi32, #tpu.memory_space<hbm>> -> memref<1x2x128xi32, #tpu.memory_space<hbm>>
        %dma_wait3A_183 = tpu.memref_squeeze %dma_wait3A_182 : memref<1x2x128xi32, #tpu.memory_space<hbm>> -> memref<2x128xi32, #tpu.memory_space<hbm>>
        tpu.wait_dma2 semaphore(%arg14 : memref<!tpu.dma_semaphore, #tpu.memory_space<semaphore_mem>>) src(%dma_wait3A_183 : memref<2x128xi32, #tpu.memory_space<hbm>>) dst(%arg6 : memref<2x128xi32, #tpu.memory_space<vmem>>)
        %dma_start3A_184 = arith.constant 0 : i32
        %dma_start3A_185 = arith.constant 0 : i32
        %dma_start3A_186 = tpu.memref_slice %arg6[%dma_start3A_184, %dma_start3A_185] : memref<2x128xi32, #tpu.memory_space<vmem>> -> memref<1x128xi32, #tpu.memory_space<vmem>>
        %dma_start3A_187 = tpu.memref_squeeze %dma_start3A_186 : memref<1x128xi32, #tpu.memory_space<vmem>> -> memref<128xi32, #tpu.memory_space<vmem>>
        %dma_start3A_188 = arith.constant 0 : i32
        %dma_start3A_189 = arith.constant 0 : i32
        %dma_start3A_190 = tpu.memref_slice %arg2[%dma_start3A_188, %dma_start3A_189] : memref<10000x128xf32, #tpu.memory_space<hbm>> -> memref<10000x128xf32, #tpu.memory_space<hbm>>
        tpu.enqueue_indirect_dma source(%dma_start3A_190 : memref<10000x128xf32, #tpu.memory_space<hbm>>) target(%arg10 : memref<128x128xf32, #tpu.memory_space<vmem>>) offsets(%dma_start3A_187 : memref<128xi32, #tpu.memory_space<vmem>>) semaphore(%arg18 : memref<!tpu.dma_semaphore, #tpu.memory_space<semaphore_mem>>)
      } else {
      }
      %dma_wait3A_87 = arith.constant 0 : i32
      %dma_wait3A_88 = arith.constant 0 : i32
      %dma_wait3A_89 = tpu.memref_slice %arg5[%dma_wait3A_87, %dma_wait3A_88] : memref<2x128xi32, #tpu.memory_space<vmem>> -> memref<1x128xi32, #tpu.memory_space<vmem>>
      %dma_wait3A_90 = tpu.memref_squeeze %dma_wait3A_89 : memref<1x128xi32, #tpu.memory_space<vmem>> -> memref<128xi32, #tpu.memory_space<vmem>>
      %dma_wait3A_91 = arith.constant 0 : i32
      %dma_wait3A_92 = arith.constant 0 : i32
      %dma_wait3A_93 = tpu.memref_slice %arg2[%dma_wait3A_91, %dma_wait3A_92] : memref<10000x128xf32, #tpu.memory_space<hbm>> -> memref<10000x128xf32, #tpu.memory_space<hbm>>
      tpu.wait_indirect_dma semaphore(%arg17 : memref<!tpu.dma_semaphore, #tpu.memory_space<semaphore_mem>>) src(%dma_wait3A_93 : memref<10000x128xf32, #tpu.memory_space<hbm>>) dst(%arg9 : memref<128x128xf32, #tpu.memory_space<vmem>>)
      %run_scoped3A = arith.constant 1 : i32
      "tpu.region"() ({
        %run_scoped3A_173 = tpu.sem_alloc : memref<!tpu.dma_semaphore, #tpu.memory_space<semaphore_mem>>
        %dma_start3A_174 = arith.constant 0 : i32
        %dma_start3A_175 = tpu.memref_slice %arg5[%run_scoped3A, %dma_start3A_174] : memref<2x128xi32, #tpu.memory_space<vmem>> -> memref<1x128xi32, #tpu.memory_space<vmem>>
        %dma_start3A_176 = tpu.memref_squeeze %dma_start3A_175 : memref<1x128xi32, #tpu.memory_space<vmem>> -> memref<128xi32, #tpu.memory_space<vmem>>
        %dma_start3A_177 = arith.constant 0 : i32
        %dma_start3A_178 = arith.constant 0 : i32
        %dma_start3A_179 = tpu.memref_slice %arg12[%dma_start3A_177, %dma_start3A_178] : memref<10240x128xf32, #tpu.memory_space<vmem_shared>> -> memref<10240x128xf32, #tpu.memory_space<vmem_shared>>
        tpu.enqueue_indirect_dma source(%arg9 : memref<128x128xf32, #tpu.memory_space<vmem>>) target(%dma_start3A_179 : memref<10240x128xf32, #tpu.memory_space<vmem_shared>>) offsets(%dma_start3A_176 : memref<128xi32, #tpu.memory_space<vmem>>) semaphore(%run_scoped3A_173 : memref<!tpu.dma_semaphore, #tpu.memory_space<semaphore_mem>>) {add = true}
        %dma_wait3A_180 = arith.constant 0 : i32
        %dma_wait3A_181 = tpu.memref_slice %arg5[%run_scoped3A, %dma_wait3A_180] : memref<2x128xi32, #tpu.memory_space<vmem>> -> memref<1x128xi32, #tpu.memory_space<vmem>>
        %dma_wait3A_182 = tpu.memref_squeeze %dma_wait3A_181 : memref<1x128xi32, #tpu.memory_space<vmem>> -> memref<128xi32, #tpu.memory_space<vmem>>
        %dma_wait3A_183 = arith.constant 0 : i32
        %dma_wait3A_184 = arith.constant 0 : i32
        %dma_wait3A_185 = tpu.memref_slice %arg12[%dma_wait3A_183, %dma_wait3A_184] : memref<10240x128xf32, #tpu.memory_space<vmem_shared>> -> memref<10240x128xf32, #tpu.memory_space<vmem_shared>>
        tpu.wait_indirect_dma semaphore(%run_scoped3A_173 : memref<!tpu.dma_semaphore, #tpu.memory_space<semaphore_mem>>) src(%arg9 : memref<128x128xf32, #tpu.memory_space<vmem>>) dst(%dma_wait3A_185 : memref<10240x128xf32, #tpu.memory_space<vmem_shared>>)
        tpu.yield
      }) : () -> ()
      %add3A_94 = arith.constant 4 : i32
      %add3A_95 = arith.addi %add3A_82, %add3A_94 : i32
      %lt3A_96 = arith.constant 80 : i32
      %lt3A_97 = arith.cmpi slt, %add3A_95, %lt3A_96 : i32
      %convert_element_type3A_98 = arith.extui %lt3A_97 : i1 to i32
      %cond3A_99 = arith.constant 0 : i32
      %cond3A_100 = arith.cmpi ne, %convert_element_type3A_98, %cond3A_99 : i32
      scf.if %cond3A_100 {
        %add3A_173 = arith.addi %mul3A_2, %add3A_82 : i32
        %add3A_174 = arith.constant 4 : i32
        %add3A_175 = arith.addi %add3A_173, %add3A_174 : i32
        %dma_start3A_176 = arith.constant 0 : i32
        %dma_start3A_177 = arith.constant 0 : i32
        %dma_start3A_178 = tpu.memref_slice %arg3[%add3A_175, %dma_start3A_176, %dma_start3A_177] : memref<2560x2x128xi32, #tpu.memory_space<hbm>> -> memref<1x2x128xi32, #tpu.memory_space<hbm>>
        %dma_start3A_179 = tpu.memref_squeeze %dma_start3A_178 : memref<1x2x128xi32, #tpu.memory_space<hbm>> -> memref<2x128xi32, #tpu.memory_space<hbm>>
        %dma_start3A_180 = arith.constant 0 : i32
        %dma_start3A_181 = arith.constant 0 : i32
        %dma_start3A_182 = tpu.memref_slice %arg3[%add3A_175, %dma_start3A_180, %dma_start3A_181] : memref<2560x2x128xi32, #tpu.memory_space<hbm>> -> memref<1x2x128xi32, #tpu.memory_space<hbm>>
        %dma_start3A_183 = tpu.memref_squeeze %dma_start3A_182 : memref<1x2x128xi32, #tpu.memory_space<hbm>> -> memref<2x128xi32, #tpu.memory_space<hbm>>
        tpu.enqueue_dma source(%dma_start3A_183 : memref<2x128xi32, #tpu.memory_space<hbm>>) target(%arg5 : memref<2x128xi32, #tpu.memory_space<vmem>>) target_semaphore(%arg13 : memref<!tpu.dma_semaphore, #tpu.memory_space<semaphore_mem>>)
      } else {
      }
      %add3A_101 = arith.constant 1 : i32
      %add3A_102 = arith.addi %add3A_80, %add3A_101 : i32
      %add3A_103 = arith.constant 1 : i32
      %add3A_104 = arith.addi %add3A_102, %add3A_103 : i32
      %lt3A_105 = arith.constant 80 : i32
      %lt3A_106 = arith.cmpi slt, %add3A_104, %lt3A_105 : i32
      %convert_element_type3A_107 = arith.extui %lt3A_106 : i1 to i32
      %cond3A_108 = arith.constant 0 : i32
      %cond3A_109 = arith.cmpi ne, %convert_element_type3A_107, %cond3A_108 : i32
      scf.if %cond3A_109 {
        %add3A_173 = arith.addi %mul3A_2, %add3A_102 : i32
        %add3A_174 = arith.constant 1 : i32
        %add3A_175 = arith.addi %add3A_173, %add3A_174 : i32
        %dma_wait3A_176 = arith.constant 0 : i32
        %dma_wait3A_177 = arith.constant 0 : i32
        %dma_wait3A_178 = tpu.memref_slice %arg3[%add3A_175, %dma_wait3A_176, %dma_wait3A_177] : memref<2560x2x128xi32, #tpu.memory_space<hbm>> -> memref<1x2x128xi32, #tpu.memory_space<hbm>>
        %dma_wait3A_179 = tpu.memref_squeeze %dma_wait3A_178 : memref<1x2x128xi32, #tpu.memory_space<hbm>> -> memref<2x128xi32, #tpu.memory_space<hbm>>
        %dma_wait3A_180 = arith.constant 0 : i32
        %dma_wait3A_181 = arith.constant 0 : i32
        %dma_wait3A_182 = tpu.memref_slice %arg3[%add3A_175, %dma_wait3A_180, %dma_wait3A_181] : memref<2560x2x128xi32, #tpu.memory_space<hbm>> -> memref<1x2x128xi32, #tpu.memory_space<hbm>>
        %dma_wait3A_183 = tpu.memref_squeeze %dma_wait3A_182 : memref<1x2x128xi32, #tpu.memory_space<hbm>> -> memref<2x128xi32, #tpu.memory_space<hbm>>
        tpu.wait_dma2 semaphore(%arg15 : memref<!tpu.dma_semaphore, #tpu.memory_space<semaphore_mem>>) src(%dma_wait3A_183 : memref<2x128xi32, #tpu.memory_space<hbm>>) dst(%arg7 : memref<2x128xi32, #tpu.memory_space<vmem>>)
        %dma_start3A_184 = arith.constant 0 : i32
        %dma_start3A_185 = arith.constant 0 : i32
        %dma_start3A_186 = tpu.memref_slice %arg7[%dma_start3A_184, %dma_start3A_185] : memref<2x128xi32, #tpu.memory_space<vmem>> -> memref<1x128xi32, #tpu.memory_space<vmem>>
        %dma_start3A_187 = tpu.memref_squeeze %dma_start3A_186 : memref<1x128xi32, #tpu.memory_space<vmem>> -> memref<128xi32, #tpu.memory_space<vmem>>
        %dma_start3A_188 = arith.constant 0 : i32
        %dma_start3A_189 = arith.constant 0 : i32
        %dma_start3A_190 = tpu.memref_slice %arg2[%dma_start3A_188, %dma_start3A_189] : memref<10000x128xf32, #tpu.memory_space<hbm>> -> memref<10000x128xf32, #tpu.memory_space<hbm>>
        tpu.enqueue_indirect_dma source(%dma_start3A_190 : memref<10000x128xf32, #tpu.memory_space<hbm>>) target(%arg9 : memref<128x128xf32, #tpu.memory_space<vmem>>) offsets(%dma_start3A_187 : memref<128xi32, #tpu.memory_space<vmem>>) semaphore(%arg17 : memref<!tpu.dma_semaphore, #tpu.memory_space<semaphore_mem>>)
      } else {
      }
      %dma_wait3A_110 = arith.constant 0 : i32
      %dma_wait3A_111 = arith.constant 0 : i32
      %dma_wait3A_112 = tpu.memref_slice %arg6[%dma_wait3A_110, %dma_wait3A_111] : memref<2x128xi32, #tpu.memory_space<vmem>> -> memref<1x128xi32, #tpu.memory_space<vmem>>
      %dma_wait3A_113 = tpu.memref_squeeze %dma_wait3A_112 : memref<1x128xi32, #tpu.memory_space<vmem>> -> memref<128xi32, #tpu.memory_space<vmem>>
      %dma_wait3A_114 = arith.constant 0 : i32
      %dma_wait3A_115 = arith.constant 0 : i32
      %dma_wait3A_116 = tpu.memref_slice %arg2[%dma_wait3A_114, %dma_wait3A_115] : memref<10000x128xf32, #tpu.memory_space<hbm>> -> memref<10000x128xf32, #tpu.memory_space<hbm>>
      tpu.wait_indirect_dma semaphore(%arg18 : memref<!tpu.dma_semaphore, #tpu.memory_space<semaphore_mem>>) src(%dma_wait3A_116 : memref<10000x128xf32, #tpu.memory_space<hbm>>) dst(%arg10 : memref<128x128xf32, #tpu.memory_space<vmem>>)
      %run_scoped3A_117 = arith.constant 1 : i32
      "tpu.region"() ({
        %run_scoped3A_173 = tpu.sem_alloc : memref<!tpu.dma_semaphore, #tpu.memory_space<semaphore_mem>>
        %dma_start3A_174 = arith.constant 0 : i32
        %dma_start3A_175 = tpu.memref_slice %arg6[%run_scoped3A_117, %dma_start3A_174] : memref<2x128xi32, #tpu.memory_space<vmem>> -> memref<1x128xi32, #tpu.memory_space<vmem>>
        %dma_start3A_176 = tpu.memref_squeeze %dma_start3A_175 : memref<1x128xi32, #tpu.memory_space<vmem>> -> memref<128xi32, #tpu.memory_space<vmem>>
        %dma_start3A_177 = arith.constant 0 : i32
        %dma_start3A_178 = arith.constant 0 : i32
        %dma_start3A_179 = tpu.memref_slice %arg12[%dma_start3A_177, %dma_start3A_178] : memref<10240x128xf32, #tpu.memory_space<vmem_shared>> -> memref<10240x128xf32, #tpu.memory_space<vmem_shared>>
        tpu.enqueue_indirect_dma source(%arg10 : memref<128x128xf32, #tpu.memory_space<vmem>>) target(%dma_start3A_179 : memref<10240x128xf32, #tpu.memory_space<vmem_shared>>) offsets(%dma_start3A_176 : memref<128xi32, #tpu.memory_space<vmem>>) semaphore(%run_scoped3A_173 : memref<!tpu.dma_semaphore, #tpu.memory_space<semaphore_mem>>) {add = true}
        %dma_wait3A_180 = arith.constant 0 : i32
        %dma_wait3A_181 = tpu.memref_slice %arg6[%run_scoped3A_117, %dma_wait3A_180] : memref<2x128xi32, #tpu.memory_space<vmem>> -> memref<1x128xi32, #tpu.memory_space<vmem>>
        %dma_wait3A_182 = tpu.memref_squeeze %dma_wait3A_181 : memref<1x128xi32, #tpu.memory_space<vmem>> -> memref<128xi32, #tpu.memory_space<vmem>>
        %dma_wait3A_183 = arith.constant 0 : i32
        %dma_wait3A_184 = arith.constant 0 : i32
        %dma_wait3A_185 = tpu.memref_slice %arg12[%dma_wait3A_183, %dma_wait3A_184] : memref<10240x128xf32, #tpu.memory_space<vmem_shared>> -> memref<10240x128xf32, #tpu.memory_space<vmem_shared>>
        tpu.wait_indirect_dma semaphore(%run_scoped3A_173 : memref<!tpu.dma_semaphore, #tpu.memory_space<semaphore_mem>>) src(%arg10 : memref<128x128xf32, #tpu.memory_space<vmem>>) dst(%dma_wait3A_185 : memref<10240x128xf32, #tpu.memory_space<vmem_shared>>)
        tpu.yield
      }) : () -> ()
      %add3A_118 = arith.constant 4 : i32
      %add3A_119 = arith.addi %add3A_102, %add3A_118 : i32
      %lt3A_120 = arith.constant 80 : i32
      %lt3A_121 = arith.cmpi slt, %add3A_119, %lt3A_120 : i32
      %convert_element_type3A_122 = arith.extui %lt3A_121 : i1 to i32
      %cond3A_123 = arith.constant 0 : i32
      %cond3A_124 = arith.cmpi ne, %convert_element_type3A_122, %cond3A_123 : i32
      scf.if %cond3A_124 {
        %add3A_173 = arith.addi %mul3A_2, %add3A_102 : i32
        %add3A_174 = arith.constant 4 : i32
        %add3A_175 = arith.addi %add3A_173, %add3A_174 : i32
        %dma_start3A_176 = arith.constant 0 : i32
        %dma_start3A_177 = arith.constant 0 : i32
        %dma_start3A_178 = tpu.memref_slice %arg3[%add3A_175, %dma_start3A_176, %dma_start3A_177] : memref<2560x2x128xi32, #tpu.memory_space<hbm>> -> memref<1x2x128xi32, #tpu.memory_space<hbm>>
        %dma_start3A_179 = tpu.memref_squeeze %dma_start3A_178 : memref<1x2x128xi32, #tpu.memory_space<hbm>> -> memref<2x128xi32, #tpu.memory_space<hbm>>
        %dma_start3A_180 = arith.constant 0 : i32
        %dma_start3A_181 = arith.constant 0 : i32
        %dma_start3A_182 = tpu.memref_slice %arg3[%add3A_175, %dma_start3A_180, %dma_start3A_181] : memref<2560x2x128xi32, #tpu.memory_space<hbm>> -> memref<1x2x128xi32, #tpu.memory_space<hbm>>
        %dma_start3A_183 = tpu.memref_squeeze %dma_start3A_182 : memref<1x2x128xi32, #tpu.memory_space<hbm>> -> memref<2x128xi32, #tpu.memory_space<hbm>>
        tpu.enqueue_dma source(%dma_start3A_183 : memref<2x128xi32, #tpu.memory_space<hbm>>) target(%arg6 : memref<2x128xi32, #tpu.memory_space<vmem>>) target_semaphore(%arg14 : memref<!tpu.dma_semaphore, #tpu.memory_space<semaphore_mem>>)
      } else {
      }
      %add3A_125 = arith.constant 2 : i32
      %add3A_126 = arith.addi %add3A_80, %add3A_125 : i32
      %add3A_127 = arith.constant 1 : i32
      %add3A_128 = arith.addi %add3A_126, %add3A_127 : i32
      %lt3A_129 = arith.constant 80 : i32
      %lt3A_130 = arith.cmpi slt, %add3A_128, %lt3A_129 : i32
      %convert_element_type3A_131 = arith.extui %lt3A_130 : i1 to i32
      %cond3A_132 = arith.constant 0 : i32
      %cond3A_133 = arith.cmpi ne, %convert_element_type3A_131, %cond3A_132 : i32
      scf.if %cond3A_133 {
        %add3A_173 = arith.addi %mul3A_2, %add3A_126 : i32
        %add3A_174 = arith.constant 1 : i32
        %add3A_175 = arith.addi %add3A_173, %add3A_174 : i32
        %dma_wait3A_176 = arith.constant 0 : i32
        %dma_wait3A_177 = arith.constant 0 : i32
        %dma_wait3A_178 = tpu.memref_slice %arg3[%add3A_175, %dma_wait3A_176, %dma_wait3A_177] : memref<2560x2x128xi32, #tpu.memory_space<hbm>> -> memref<1x2x128xi32, #tpu.memory_space<hbm>>
        %dma_wait3A_179 = tpu.memref_squeeze %dma_wait3A_178 : memref<1x2x128xi32, #tpu.memory_space<hbm>> -> memref<2x128xi32, #tpu.memory_space<hbm>>
        %dma_wait3A_180 = arith.constant 0 : i32
        %dma_wait3A_181 = arith.constant 0 : i32
        %dma_wait3A_182 = tpu.memref_slice %arg3[%add3A_175, %dma_wait3A_180, %dma_wait3A_181] : memref<2560x2x128xi32, #tpu.memory_space<hbm>> -> memref<1x2x128xi32, #tpu.memory_space<hbm>>
        %dma_wait3A_183 = tpu.memref_squeeze %dma_wait3A_182 : memref<1x2x128xi32, #tpu.memory_space<hbm>> -> memref<2x128xi32, #tpu.memory_space<hbm>>
        tpu.wait_dma2 semaphore(%arg16 : memref<!tpu.dma_semaphore, #tpu.memory_space<semaphore_mem>>) src(%dma_wait3A_183 : memref<2x128xi32, #tpu.memory_space<hbm>>) dst(%arg8 : memref<2x128xi32, #tpu.memory_space<vmem>>)
        %dma_start3A_184 = arith.constant 0 : i32
        %dma_start3A_185 = arith.constant 0 : i32
        %dma_start3A_186 = tpu.memref_slice %arg8[%dma_start3A_184, %dma_start3A_185] : memref<2x128xi32, #tpu.memory_space<vmem>> -> memref<1x128xi32, #tpu.memory_space<vmem>>
        %dma_start3A_187 = tpu.memref_squeeze %dma_start3A_186 : memref<1x128xi32, #tpu.memory_space<vmem>> -> memref<128xi32, #tpu.memory_space<vmem>>
        %dma_start3A_188 = arith.constant 0 : i32
        %dma_start3A_189 = arith.constant 0 : i32
        %dma_start3A_190 = tpu.memref_slice %arg2[%dma_start3A_188, %dma_start3A_189] : memref<10000x128xf32, #tpu.memory_space<hbm>> -> memref<10000x128xf32, #tpu.memory_space<hbm>>
        tpu.enqueue_indirect_dma source(%dma_start3A_190 : memref<10000x128xf32, #tpu.memory_space<hbm>>) target(%arg10 : memref<128x128xf32, #tpu.memory_space<vmem>>) offsets(%dma_start3A_187 : memref<128xi32, #tpu.memory_space<vmem>>) semaphore(%arg18 : memref<!tpu.dma_semaphore, #tpu.memory_space<semaphore_mem>>)
      } else {
      }
      %dma_wait3A_134 = arith.constant 0 : i32
      %dma_wait3A_135 = arith.constant 0 : i32
      %dma_wait3A_136 = tpu.memref_slice %arg7[%dma_wait3A_134, %dma_wait3A_135] : memref<2x128xi32, #tpu.memory_space<vmem>> -> memref<1x128xi32, #tpu.memory_space<vmem>>
      %dma_wait3A_137 = tpu.memref_squeeze %dma_wait3A_136 : memref<1x128xi32, #tpu.memory_space<vmem>> -> memref<128xi32, #tpu.memory_space<vmem>>
      %dma_wait3A_138 = arith.constant 0 : i32
      %dma_wait3A_139 = arith.constant 0 : i32
      %dma_wait3A_140 = tpu.memref_slice %arg2[%dma_wait3A_138, %dma_wait3A_139] : memref<10000x128xf32, #tpu.memory_space<hbm>> -> memref<10000x128xf32, #tpu.memory_space<hbm>>
      tpu.wait_indirect_dma semaphore(%arg17 : memref<!tpu.dma_semaphore, #tpu.memory_space<semaphore_mem>>) src(%dma_wait3A_140 : memref<10000x128xf32, #tpu.memory_space<hbm>>) dst(%arg9 : memref<128x128xf32, #tpu.memory_space<vmem>>)
      %run_scoped3A_141 = arith.constant 1 : i32
      "tpu.region"() ({
        %run_scoped3A_173 = tpu.sem_alloc : memref<!tpu.dma_semaphore, #tpu.memory_space<semaphore_mem>>
        %dma_start3A_174 = arith.constant 0 : i32
        %dma_start3A_175 = tpu.memref_slice %arg7[%run_scoped3A_141, %dma_start3A_174] : memref<2x128xi32, #tpu.memory_space<vmem>> -> memref<1x128xi32, #tpu.memory_space<vmem>>
        %dma_start3A_176 = tpu.memref_squeeze %dma_start3A_175 : memref<1x128xi32, #tpu.memory_space<vmem>> -> memref<128xi32, #tpu.memory_space<vmem>>
        %dma_start3A_177 = arith.constant 0 : i32
        %dma_start3A_178 = arith.constant 0 : i32
        %dma_start3A_179 = tpu.memref_slice %arg12[%dma_start3A_177, %dma_start3A_178] : memref<10240x128xf32, #tpu.memory_space<vmem_shared>> -> memref<10240x128xf32, #tpu.memory_space<vmem_shared>>
        tpu.enqueue_indirect_dma source(%arg9 : memref<128x128xf32, #tpu.memory_space<vmem>>) target(%dma_start3A_179 : memref<10240x128xf32, #tpu.memory_space<vmem_shared>>) offsets(%dma_start3A_176 : memref<128xi32, #tpu.memory_space<vmem>>) semaphore(%run_scoped3A_173 : memref<!tpu.dma_semaphore, #tpu.memory_space<semaphore_mem>>) {add = true}
        %dma_wait3A_180 = arith.constant 0 : i32
        %dma_wait3A_181 = tpu.memref_slice %arg7[%run_scoped3A_141, %dma_wait3A_180] : memref<2x128xi32, #tpu.memory_space<vmem>> -> memref<1x128xi32, #tpu.memory_space<vmem>>
        %dma_wait3A_182 = tpu.memref_squeeze %dma_wait3A_181 : memref<1x128xi32, #tpu.memory_space<vmem>> -> memref<128xi32, #tpu.memory_space<vmem>>
        %dma_wait3A_183 = arith.constant 0 : i32
        %dma_wait3A_184 = arith.constant 0 : i32
        %dma_wait3A_185 = tpu.memref_slice %arg12[%dma_wait3A_183, %dma_wait3A_184] : memref<10240x128xf32, #tpu.memory_space<vmem_shared>> -> memref<10240x128xf32, #tpu.memory_space<vmem_shared>>
        tpu.wait_indirect_dma semaphore(%run_scoped3A_173 : memref<!tpu.dma_semaphore, #tpu.memory_space<semaphore_mem>>) src(%arg9 : memref<128x128xf32, #tpu.memory_space<vmem>>) dst(%dma_wait3A_185 : memref<10240x128xf32, #tpu.memory_space<vmem_shared>>)
        tpu.yield
      }) : () -> ()
      %add3A_142 = arith.constant 4 : i32
      %add3A_143 = arith.addi %add3A_126, %add3A_142 : i32
      %lt3A_144 = arith.constant 80 : i32
      %lt3A_145 = arith.cmpi slt, %add3A_143, %lt3A_144 : i32
      %convert_element_type3A_146 = arith.extui %lt3A_145 : i1 to i32
      %cond3A_147 = arith.constant 0 : i32
      %cond3A_148 = arith.cmpi ne, %convert_element_type3A_146, %cond3A_147 : i32
      scf.if %cond3A_148 {
        %add3A_173 = arith.addi %mul3A_2, %add3A_126 : i32
        %add3A_174 = arith.constant 4 : i32
        %add3A_175 = arith.addi %add3A_173, %add3A_174 : i32
        %dma_start3A_176 = arith.constant 0 : i32
        %dma_start3A_177 = arith.constant 0 : i32
        %dma_start3A_178 = tpu.memref_slice %arg3[%add3A_175, %dma_start3A_176, %dma_start3A_177] : memref<2560x2x128xi32, #tpu.memory_space<hbm>> -> memref<1x2x128xi32, #tpu.memory_space<hbm>>
        %dma_start3A_179 = tpu.memref_squeeze %dma_start3A_178 : memref<1x2x128xi32, #tpu.memory_space<hbm>> -> memref<2x128xi32, #tpu.memory_space<hbm>>
        %dma_start3A_180 = arith.constant 0 : i32
        %dma_start3A_181 = arith.constant 0 : i32
        %dma_start3A_182 = tpu.memref_slice %arg3[%add3A_175, %dma_start3A_180, %dma_start3A_181] : memref<2560x2x128xi32, #tpu.memory_space<hbm>> -> memref<1x2x128xi32, #tpu.memory_space<hbm>>
        %dma_start3A_183 = tpu.memref_squeeze %dma_start3A_182 : memref<1x2x128xi32, #tpu.memory_space<hbm>> -> memref<2x128xi32, #tpu.memory_space<hbm>>
        tpu.enqueue_dma source(%dma_start3A_183 : memref<2x128xi32, #tpu.memory_space<hbm>>) target(%arg7 : memref<2x128xi32, #tpu.memory_space<vmem>>) target_semaphore(%arg15 : memref<!tpu.dma_semaphore, #tpu.memory_space<semaphore_mem>>)
      } else {
      }
      %add3A_149 = arith.constant 3 : i32
      %add3A_150 = arith.addi %add3A_80, %add3A_149 : i32
      %add3A_151 = arith.constant 1 : i32
      %add3A_152 = arith.addi %add3A_150, %add3A_151 : i32
      %lt3A_153 = arith.constant 80 : i32
      %lt3A_154 = arith.cmpi slt, %add3A_152, %lt3A_153 : i32
      %convert_element_type3A_155 = arith.extui %lt3A_154 : i1 to i32
      %cond3A_156 = arith.constant 0 : i32
      %cond3A_157 = arith.cmpi ne, %convert_element_type3A_155, %cond3A_156 : i32
      scf.if %cond3A_157 {
        %add3A_173 = arith.addi %mul3A_2, %add3A_150 : i32
        %add3A_174 = arith.constant 1 : i32
        %add3A_175 = arith.addi %add3A_173, %add3A_174 : i32
        %dma_wait3A_176 = arith.constant 0 : i32
        %dma_wait3A_177 = arith.constant 0 : i32
        %dma_wait3A_178 = tpu.memref_slice %arg3[%add3A_175, %dma_wait3A_176, %dma_wait3A_177] : memref<2560x2x128xi32, #tpu.memory_space<hbm>> -> memref<1x2x128xi32, #tpu.memory_space<hbm>>
        %dma_wait3A_179 = tpu.memref_squeeze %dma_wait3A_178 : memref<1x2x128xi32, #tpu.memory_space<hbm>> -> memref<2x128xi32, #tpu.memory_space<hbm>>
        %dma_wait3A_180 = arith.constant 0 : i32
        %dma_wait3A_181 = arith.constant 0 : i32
        %dma_wait3A_182 = tpu.memref_slice %arg3[%add3A_175, %dma_wait3A_180, %dma_wait3A_181] : memref<2560x2x128xi32, #tpu.memory_space<hbm>> -> memref<1x2x128xi32, #tpu.memory_space<hbm>>
        %dma_wait3A_183 = tpu.memref_squeeze %dma_wait3A_182 : memref<1x2x128xi32, #tpu.memory_space<hbm>> -> memref<2x128xi32, #tpu.memory_space<hbm>>
        tpu.wait_dma2 semaphore(%arg13 : memref<!tpu.dma_semaphore, #tpu.memory_space<semaphore_mem>>) src(%dma_wait3A_183 : memref<2x128xi32, #tpu.memory_space<hbm>>) dst(%arg5 : memref<2x128xi32, #tpu.memory_space<vmem>>)
        %dma_start3A_184 = arith.constant 0 : i32
        %dma_start3A_185 = arith.constant 0 : i32
        %dma_start3A_186 = tpu.memref_slice %arg5[%dma_start3A_184, %dma_start3A_185] : memref<2x128xi32, #tpu.memory_space<vmem>> -> memref<1x128xi32, #tpu.memory_space<vmem>>
        %dma_start3A_187 = tpu.memref_squeeze %dma_start3A_186 : memref<1x128xi32, #tpu.memory_space<vmem>> -> memref<128xi32, #tpu.memory_space<vmem>>
        %dma_start3A_188 = arith.constant 0 : i32
        %dma_start3A_189 = arith.constant 0 : i32
        %dma_start3A_190 = tpu.memref_slice %arg2[%dma_start3A_188, %dma_start3A_189] : memref<10000x128xf32, #tpu.memory_space<hbm>> -> memref<10000x128xf32, #tpu.memory_space<hbm>>
        tpu.enqueue_indirect_dma source(%dma_start3A_190 : memref<10000x128xf32, #tpu.memory_space<hbm>>) target(%arg9 : memref<128x128xf32, #tpu.memory_space<vmem>>) offsets(%dma_start3A_187 : memref<128xi32, #tpu.memory_space<vmem>>) semaphore(%arg17 : memref<!tpu.dma_semaphore, #tpu.memory_space<semaphore_mem>>)
      } else {
      }
      %dma_wait3A_158 = arith.constant 0 : i32
      %dma_wait3A_159 = arith.constant 0 : i32
      %dma_wait3A_160 = tpu.memref_slice %arg8[%dma_wait3A_158, %dma_wait3A_159] : memref<2x128xi32, #tpu.memory_space<vmem>> -> memref<1x128xi32, #tpu.memory_space<vmem>>
      %dma_wait3A_161 = tpu.memref_squeeze %dma_wait3A_160 : memref<1x128xi32, #tpu.memory_space<vmem>> -> memref<128xi32, #tpu.memory_space<vmem>>
      %dma_wait3A_162 = arith.constant 0 : i32
      %dma_wait3A_163 = arith.constant 0 : i32
      %dma_wait3A_164 = tpu.memref_slice %arg2[%dma_wait3A_162, %dma_wait3A_163] : memref<10000x128xf32, #tpu.memory_space<hbm>> -> memref<10000x128xf32, #tpu.memory_space<hbm>>
      tpu.wait_indirect_dma semaphore(%arg18 : memref<!tpu.dma_semaphore, #tpu.memory_space<semaphore_mem>>) src(%dma_wait3A_164 : memref<10000x128xf32, #tpu.memory_space<hbm>>) dst(%arg10 : memref<128x128xf32, #tpu.memory_space<vmem>>)
      %run_scoped3A_165 = arith.constant 1 : i32
      "tpu.region"() ({
        %run_scoped3A_173 = tpu.sem_alloc : memref<!tpu.dma_semaphore, #tpu.memory_space<semaphore_mem>>
        %dma_start3A_174 = arith.constant 0 : i32
        %dma_start3A_175 = tpu.memref_slice %arg8[%run_scoped3A_165, %dma_start3A_174] : memref<2x128xi32, #tpu.memory_space<vmem>> -> memref<1x128xi32, #tpu.memory_space<vmem>>
        %dma_start3A_176 = tpu.memref_squeeze %dma_start3A_175 : memref<1x128xi32, #tpu.memory_space<vmem>> -> memref<128xi32, #tpu.memory_space<vmem>>
        %dma_start3A_177 = arith.constant 0 : i32
        %dma_start3A_178 = arith.constant 0 : i32
        %dma_start3A_179 = tpu.memref_slice %arg12[%dma_start3A_177, %dma_start3A_178] : memref<10240x128xf32, #tpu.memory_space<vmem_shared>> -> memref<10240x128xf32, #tpu.memory_space<vmem_shared>>
        tpu.enqueue_indirect_dma source(%arg10 : memref<128x128xf32, #tpu.memory_space<vmem>>) target(%dma_start3A_179 : memref<10240x128xf32, #tpu.memory_space<vmem_shared>>) offsets(%dma_start3A_176 : memref<128xi32, #tpu.memory_space<vmem>>) semaphore(%run_scoped3A_173 : memref<!tpu.dma_semaphore, #tpu.memory_space<semaphore_mem>>) {add = true}
        %dma_wait3A_180 = arith.constant 0 : i32
        %dma_wait3A_181 = tpu.memref_slice %arg8[%run_scoped3A_165, %dma_wait3A_180] : memref<2x128xi32, #tpu.memory_space<vmem>> -> memref<1x128xi32, #tpu.memory_space<vmem>>
        %dma_wait3A_182 = tpu.memref_squeeze %dma_wait3A_181 : memref<1x128xi32, #tpu.memory_space<vmem>> -> memref<128xi32, #tpu.memory_space<vmem>>
        %dma_wait3A_183 = arith.constant 0 : i32
        %dma_wait3A_184 = arith.constant 0 : i32
        %dma_wait3A_185 = tpu.memref_slice %arg12[%dma_wait3A_183, %dma_wait3A_184] : memref<10240x128xf32, #tpu.memory_space<vmem_shared>> -> memref<10240x128xf32, #tpu.memory_space<vmem_shared>>
        tpu.wait_indirect_dma semaphore(%run_scoped3A_173 : memref<!tpu.dma_semaphore, #tpu.memory_space<semaphore_mem>>) src(%arg10 : memref<128x128xf32, #tpu.memory_space<vmem>>) dst(%dma_wait3A_185 : memref<10240x128xf32, #tpu.memory_space<vmem_shared>>)
        tpu.yield
      }) : () -> ()
      %add3A_166 = arith.constant 4 : i32
      %add3A_167 = arith.addi %add3A_150, %add3A_166 : i32
      %lt3A_168 = arith.constant 80 : i32
      %lt3A_169 = arith.cmpi slt, %add3A_167, %lt3A_168 : i32
      %convert_element_type3A_170 = arith.extui %lt3A_169 : i1 to i32
      %cond3A_171 = arith.constant 0 : i32
      %cond3A_172 = arith.cmpi ne, %convert_element_type3A_170, %cond3A_171 : i32
      scf.if %cond3A_172 {
        %add3A_173 = arith.addi %mul3A_2, %add3A_150 : i32
        %add3A_174 = arith.constant 4 : i32
        %add3A_175 = arith.addi %add3A_173, %add3A_174 : i32
        %dma_start3A_176 = arith.constant 0 : i32
        %dma_start3A_177 = arith.constant 0 : i32
        %dma_start3A_178 = tpu.memref_slice %arg3[%add3A_175, %dma_start3A_176, %dma_start3A_177] : memref<2560x2x128xi32, #tpu.memory_space<hbm>> -> memref<1x2x128xi32, #tpu.memory_space<hbm>>
        %dma_start3A_179 = tpu.memref_squeeze %dma_start3A_178 : memref<1x2x128xi32, #tpu.memory_space<hbm>> -> memref<2x128xi32, #tpu.memory_space<hbm>>
        %dma_start3A_180 = arith.constant 0 : i32
        %dma_start3A_181 = arith.constant 0 : i32
        %dma_start3A_182 = tpu.memref_slice %arg3[%add3A_175, %dma_start3A_180, %dma_start3A_181] : memref<2560x2x128xi32, #tpu.memory_space<hbm>> -> memref<1x2x128xi32, #tpu.memory_space<hbm>>
        %dma_start3A_183 = tpu.memref_squeeze %dma_start3A_182 : memref<1x2x128xi32, #tpu.memory_space<hbm>> -> memref<2x128xi32, #tpu.memory_space<hbm>>
        tpu.enqueue_dma source(%dma_start3A_183 : memref<2x128xi32, #tpu.memory_space<hbm>>) target(%arg8 : memref<2x128xi32, #tpu.memory_space<vmem>>) target_semaphore(%arg16 : memref<!tpu.dma_semaphore, #tpu.memory_space<semaphore_mem>>)
      } else {
      }
    }
    %scan3A_70 = arith.constant 20 : i32
    %barrier3A_71 = arith.constant 0 : index
    tpu.barrier barrier_id(%barrier3A_71)
    %mul3A_72 = arith.constant 640 : i32
    %mul3A_73 = arith.muli %arg1, %mul3A_72 : i32
    %mul3A_74 = arith.constant 640 : i32
    %mul3A_75 = arith.muli %arg1, %mul3A_74 : i32
    "tpu.region"() ({
      %run_scoped3A = tpu.sem_alloc : memref<!tpu.dma_semaphore, #tpu.memory_space<semaphore_mem>>
      %dma_start3A_76 = arith.constant 0 : i32
      %dma_start3A_77 = tpu.memref_slice %arg4[%arg0, %mul3A_75, %dma_start3A_76] : memref<2x10240x128xf32, #tpu.memory_space<hbm>> -> memref<1x640x128xf32, #tpu.memory_space<hbm>>
      %dma_start3A_78 = tpu.memref_squeeze %dma_start3A_77 : memref<1x640x128xf32, #tpu.memory_space<hbm>> -> memref<640x128xf32, #tpu.memory_space<hbm>>
      %dma_start3A_79 = arith.constant 0 : i32
      %dma_start3A_80 = tpu.memref_slice %arg12[%mul3A_73, %dma_start3A_79] : memref<10240x128xf32, #tpu.memory_space<vmem_shared>> -> memref<640x128xf32, #tpu.memory_space<vmem_shared>>
      tpu.enqueue_dma source(%dma_start3A_80 : memref<640x128xf32, #tpu.memory_space<vmem_shared>>) target(%dma_start3A_78 : memref<640x128xf32, #tpu.memory_space<hbm>>) target_semaphore(%run_scoped3A : memref<!tpu.dma_semaphore, #tpu.memory_space<semaphore_mem>>)
      %dma_wait3A_81 = arith.constant 0 : i32
      %dma_wait3A_82 = tpu.memref_slice %arg4[%arg0, %mul3A_75, %dma_wait3A_81] : memref<2x10240x128xf32, #tpu.memory_space<hbm>> -> memref<1x640x128xf32, #tpu.memory_space<hbm>>
      %dma_wait3A_83 = tpu.memref_squeeze %dma_wait3A_82 : memref<1x640x128xf32, #tpu.memory_space<hbm>> -> memref<640x128xf32, #tpu.memory_space<hbm>>
      %dma_wait3A_84 = arith.constant 0 : i32
      %dma_wait3A_85 = tpu.memref_slice %arg12[%mul3A_73, %dma_wait3A_84] : memref<10240x128xf32, #tpu.memory_space<vmem_shared>> -> memref<640x128xf32, #tpu.memory_space<vmem_shared>>
      tpu.wait_dma2 semaphore(%run_scoped3A : memref<!tpu.dma_semaphore, #tpu.memory_space<semaphore_mem>>) src(%dma_wait3A_85 : memref<640x128xf32, #tpu.memory_space<vmem_shared>>) dst(%dma_wait3A_83 : memref<640x128xf32, #tpu.memory_space<hbm>>)
      tpu.yield
    }) : () -> ()
    return
  }
}

#map = affine_map<(d0, d1) -> (0, 0)>
#map1 = affine_map<(d0, d1) -> (0, 0, 0)>
module attributes {stable_mosaic.version = 14 : i64} {
  func.func @k(%arg0: i32, %arg1: i32, %arg2: memref<10000x128xf32, #tpu.memory_space<hbm>>, %arg3: memref<2560x2x128xi32, #tpu.memory_space<hbm>>, %arg4: memref<2x10240x128xf32, #tpu.memory_space<hbm>>, %arg5: memref<2x128xi32, #tpu.memory_space<vmem>>, %arg6: memref<2x128xi32, #tpu.memory_space<vmem>>, %arg7: memref<2x128xi32, #tpu.memory_space<vmem>>, %arg8: memref<2x128xi32, #tpu.memory_space<vmem>>, %arg9: memref<128x128xf32, #tpu.memory_space<vmem>>, %arg10: memref<128x128xf32, #tpu.memory_space<vmem>>, %arg11: memref<64x128xf32, #tpu.memory_space<vmem>>, %arg12: memref<10240x128xf32, #tpu.memory_space<vmem_shared>>, %arg13: memref<!tpu.dma_semaphore, #tpu.memory_space<semaphore_mem>>, %arg14: memref<!tpu.dma_semaphore, #tpu.memory_space<semaphore_mem>>, %arg15: memref<!tpu.dma_semaphore, #tpu.memory_space<semaphore_mem>>, %arg16: memref<!tpu.dma_semaphore, #tpu.memory_space<semaphore_mem>>, %arg17: memref<!tpu.dma_semaphore, #tpu.memory_space<semaphore_mem>>, %arg18: memref<!tpu.dma_semaphore, #tpu.memory_space<semaphore_mem>>) attributes {dimension_semantics = [#tpu.dimension_semantics<core_parallel>, #tpu.dimension_semantics<subcore_parallel>], iteration_bounds = array<i64: 2, 16>, scalar_prefetch = 0 : i64, scratch_operands = 14 : i64, tpu.core_type = #tpu.core_type<sc_vector_subcore>, window_params = [{transform_indices = #map}, {transform_indices = #map1}, {transform_indices = #map1}]} {
    %mul3A = arith.constant 16 : i32
    %mul3A_0 = arith.muli %arg0, %mul3A : i32
    %add3A = arith.addi %mul3A_0, %arg1 : i32
    %mul3A_1 = arith.constant 80 : i32
    %mul3A_2 = arith.muli %add3A, %mul3A_1 : i32
    %broadcast_in_dim3A = arith.constant 0.000000e+00 : f32
    %broadcast_in_dim3A_3 = vector.broadcast %broadcast_in_dim3A : f32 to vector<16xf32>
    %scan3A = arith.constant 0 : i32
    %scan3A_4 = arith.constant 64 : i32
    %scan3A_5 = arith.addi %scan3A, %scan3A_4 : i32
    %scan3A_6 = arith.constant 1 : i32
    scf.for %scan3A_76 = %scan3A to %scan3A_5 step %scan3A_6  : i32 {
      %mul3A_77 = arith.constant 1 : i32
      %mul3A_78 = arith.muli %scan3A_76, %mul3A_77 : i32
      %add3A_79 = arith.constant 0 : i32
      %add3A_80 = arith.addi %add3A_79, %mul3A_78 : i32
      %scan3A_81 = arith.constant 0 : i32
      %scan3A_82 = arith.constant 8 : i32
      %scan3A_83 = arith.addi %scan3A_81, %scan3A_82 : i32
      %scan3A_84 = arith.constant 1 : i32
      scf.for %scan3A_86 = %scan3A_81 to %scan3A_83 step %scan3A_84  : i32 {
        %mul3A_87 = arith.constant 16 : i32
        %mul3A_88 = arith.muli %scan3A_86, %mul3A_87 : i32
        %add3A_89 = arith.constant 0 : i32
        %add3A_90 = arith.addi %add3A_89, %mul3A_88 : i32
        %swap3A = arith.index_cast %add3A_80 : i32 to index
        %swap3A_91 = arith.index_cast %add3A_90 : i32 to index
        %swap3A_92 = tpu.vector_load %arg11[%swap3A, %swap3A_91] {strides = array<i32>} : memref<64x128xf32, #tpu.memory_space<vmem>>, vector<1x16xf32>,
        %swap3A_93 = vector.shape_cast %swap3A_92 : vector<1x16xf32> to vector<16xf32>
        %swap3A_94 = vector.shape_cast %broadcast_in_dim3A_3 : vector<16xf32> to vector<1x16xf32>
        tpu.vector_store %arg11[%swap3A, %swap3A_91], %swap3A_94 {strides = array<i32>} : memref<64x128xf32, #tpu.memory_space<vmem>>, vector<1x16xf32>,
      }
      %scan3A_85 = arith.constant 8 : i32
    }
    %scan3A_7 = arith.constant 64 : i32
    %scan3A_8 = arith.constant 0 : i32
    %scan3A_9 = arith.constant 10 : i32
    %scan3A_10 = arith.addi %scan3A_8, %scan3A_9 : i32
    %scan3A_11 = arith.constant 1 : i32
    scf.for %scan3A_76 = %scan3A_8 to %scan3A_10 step %scan3A_11  : i32 {
      %mul3A_77 = arith.constant 1 : i32
      %mul3A_78 = arith.muli %scan3A_76, %mul3A_77 : i32
      %add3A_79 = arith.constant 0 : i32
      %add3A_80 = arith.addi %add3A_79, %mul3A_78 : i32
      %mul3A_81 = arith.constant 640 : i32
      %mul3A_82 = arith.muli %arg1, %mul3A_81 : i32
      %mul3A_83 = arith.constant 64 : i32
      %mul3A_84 = arith.muli %add3A_80, %mul3A_83 : i32
      %add3A_85 = arith.addi %mul3A_82, %mul3A_84 : i32
      "tpu.region"() ({
        %run_scoped3A = tpu.sem_alloc : memref<!tpu.dma_semaphore, #tpu.memory_space<semaphore_mem>>
        %dma_start3A_86 = arith.constant 0 : i32
        %dma_start3A_87 = tpu.memref_slice %arg12[%add3A_85, %dma_start3A_86] : memref<10240x128xf32, #tpu.memory_space<vmem_shared>> -> memref<64x128xf32, #tpu.memory_space<vmem_shared>>
        %dma_start3A_88 = arith.constant 0 : i32
        %dma_start3A_89 = tpu.memref_slice %arg12[%add3A_85, %dma_start3A_88] : memref<10240x128xf32, #tpu.memory_space<vmem_shared>> -> memref<64x128xf32, #tpu.memory_space<vmem_shared>>
        tpu.enqueue_dma source(%arg11 : memref<64x128xf32, #tpu.memory_space<vmem>>) target(%dma_start3A_89 : memref<64x128xf32, #tpu.memory_space<vmem_shared>>) target_semaphore(%run_scoped3A : memref<!tpu.dma_semaphore, #tpu.memory_space<semaphore_mem>>)
        %dma_wait3A_90 = arith.constant 0 : i32
        %dma_wait3A_91 = tpu.memref_slice %arg12[%add3A_85, %dma_wait3A_90] : memref<10240x128xf32, #tpu.memory_space<vmem_shared>> -> memref<64x128xf32, #tpu.memory_space<vmem_shared>>
        %dma_wait3A_92 = arith.constant 0 : i32
        %dma_wait3A_93 = tpu.memref_slice %arg12[%add3A_85, %dma_wait3A_92] : memref<10240x128xf32, #tpu.memory_space<vmem_shared>> -> memref<64x128xf32, #tpu.memory_space<vmem_shared>>
        tpu.wait_dma2 semaphore(%run_scoped3A : memref<!tpu.dma_semaphore, #tpu.memory_space<semaphore_mem>>) src(%arg11 : memref<64x128xf32, #tpu.memory_space<vmem>>) dst(%dma_wait3A_93 : memref<64x128xf32, #tpu.memory_space<vmem_shared>>)
        tpu.yield
      }) : () -> ()
    }
    %scan3A_12 = arith.constant 10 : i32
    %barrier3A = arith.constant 0 : index
    tpu.barrier barrier_id(%barrier3A)
    %add3A_13 = arith.constant 0 : i32
    %add3A_14 = arith.addi %mul3A_2, %add3A_13 : i32
    %dma_start3A = arith.constant 0 : i32
    %dma_start3A_15 = arith.constant 0 : i32
    %dma_start3A_16 = tpu.memref_slice %arg3[%add3A_14, %dma_start3A, %dma_start3A_15] : memref<2560x2x128xi32, #tpu.memory_space<hbm>> -> memref<1x2x128xi32, #tpu.memory_space<hbm>>
    %dma_start3A_17 = tpu.memref_squeeze %dma_start3A_16 : memref<1x2x128xi32, #tpu.memory_space<hbm>> -> memref<2x128xi32, #tpu.memory_space<hbm>>
    %dma_start3A_18 = arith.constant 0 : i32
    %dma_start3A_19 = arith.constant 0 : i32
    %dma_start3A_20 = tpu.memref_slice %arg3[%add3A_14, %dma_start3A_18, %dma_start3A_19] : memref<2560x2x128xi32, #tpu.memory_space<hbm>> -> memref<1x2x128xi32, #tpu.memory_space<hbm>>
    %dma_start3A_21 = tpu.memref_squeeze %dma_start3A_20 : memref<1x2x128xi32, #tpu.memory_space<hbm>> -> memref<2x128xi32, #tpu.memory_space<hbm>>
    tpu.enqueue_dma source(%dma_start3A_21 : memref<2x128xi32, #tpu.memory_space<hbm>>) target(%arg5 : memref<2x128xi32, #tpu.memory_space<vmem>>) target_semaphore(%arg13 : memref<!tpu.dma_semaphore, #tpu.memory_space<semaphore_mem>>)
    %add3A_22 = arith.constant 1 : i32
    %add3A_23 = arith.addi %mul3A_2, %add3A_22 : i32
    %dma_start3A_24 = arith.constant 0 : i32
    %dma_start3A_25 = arith.constant 0 : i32
    %dma_start3A_26 = tpu.memref_slice %arg3[%add3A_23, %dma_start3A_24, %dma_start3A_25] : memref<2560x2x128xi32, #tpu.memory_space<hbm>> -> memref<1x2x128xi32, #tpu.memory_space<hbm>>
    %dma_start3A_27 = tpu.memref_squeeze %dma_start3A_26 : memref<1x2x128xi32, #tpu.memory_space<hbm>> -> memref<2x128xi32, #tpu.memory_space<hbm>>
    %dma_start3A_28 = arith.constant 0 : i32
    %dma_start3A_29 = arith.constant 0 : i32
    %dma_start3A_30 = tpu.memref_slice %arg3[%add3A_23, %dma_start3A_28, %dma_start3A_29] : memref<2560x2x128xi32, #tpu.memory_space<hbm>> -> memref<1x2x128xi32, #tpu.memory_space<hbm>>
    %dma_start3A_31 = tpu.memref_squeeze %dma_start3A_30 : memref<1x2x128xi32, #tpu.memory_space<hbm>> -> memref<2x128xi32, #tpu.memory_space<hbm>>
    tpu.enqueue_dma source(%dma_start3A_31 : memref<2x128xi32, #tpu.memory_space<hbm>>) target(%arg6 : memref<2x128xi32, #tpu.memory_space<vmem>>) target_semaphore(%arg14 : memref<!tpu.dma_semaphore, #tpu.memory_space<semaphore_mem>>)
    %add3A_32 = arith.constant 2 : i32
    %add3A_33 = arith.addi %mul3A_2, %add3A_32 : i32
    %dma_start3A_34 = arith.constant 0 : i32
    %dma_start3A_35 = arith.constant 0 : i32
    %dma_start3A_36 = tpu.memref_slice %arg3[%add3A_33, %dma_start3A_34, %dma_start3A_35] : memref<2560x2x128xi32, #tpu.memory_space<hbm>> -> memref<1x2x128xi32, #tpu.memory_space<hbm>>
    %dma_start3A_37 = tpu.memref_squeeze %dma_start3A_36 : memref<1x2x128xi32, #tpu.memory_space<hbm>> -> memref<2x128xi32, #tpu.memory_space<hbm>>
    %dma_start3A_38 = arith.constant 0 : i32
    %dma_start3A_39 = arith.constant 0 : i32
    %dma_start3A_40 = tpu.memref_slice %arg3[%add3A_33, %dma_start3A_38, %dma_start3A_39] : memref<2560x2x128xi32, #tpu.memory_space<hbm>> -> memref<1x2x128xi32, #tpu.memory_space<hbm>>
    %dma_start3A_41 = tpu.memref_squeeze %dma_start3A_40 : memref<1x2x128xi32, #tpu.memory_space<hbm>> -> memref<2x128xi32, #tpu.memory_space<hbm>>
    tpu.enqueue_dma source(%dma_start3A_41 : memref<2x128xi32, #tpu.memory_space<hbm>>) target(%arg7 : memref<2x128xi32, #tpu.memory_space<vmem>>) target_semaphore(%arg15 : memref<!tpu.dma_semaphore, #tpu.memory_space<semaphore_mem>>)
    %add3A_42 = arith.constant 3 : i32
    %add3A_43 = arith.addi %mul3A_2, %add3A_42 : i32
    %dma_start3A_44 = arith.constant 0 : i32
    %dma_start3A_45 = arith.constant 0 : i32
    %dma_start3A_46 = tpu.memref_slice %arg3[%add3A_43, %dma_start3A_44, %dma_start3A_45] : memref<2560x2x128xi32, #tpu.memory_space<hbm>> -> memref<1x2x128xi32, #tpu.memory_space<hbm>>
    %dma_start3A_47 = tpu.memref_squeeze %dma_start3A_46 : memref<1x2x128xi32, #tpu.memory_space<hbm>> -> memref<2x128xi32, #tpu.memory_space<hbm>>
    %dma_start3A_48 = arith.constant 0 : i32
    %dma_start3A_49 = arith.constant 0 : i32
    %dma_start3A_50 = tpu.memref_slice %arg3[%add3A_43, %dma_start3A_48, %dma_start3A_49] : memref<2560x2x128xi32, #tpu.memory_space<hbm>> -> memref<1x2x128xi32, #tpu.memory_space<hbm>>
    %dma_start3A_51 = tpu.memref_squeeze %dma_start3A_50 : memref<1x2x128xi32, #tpu.memory_space<hbm>> -> memref<2x128xi32, #tpu.memory_space<hbm>>
    tpu.enqueue_dma source(%dma_start3A_51 : memref<2x128xi32, #tpu.memory_space<hbm>>) target(%arg8 : memref<2x128xi32, #tpu.memory_space<vmem>>) target_semaphore(%arg16 : memref<!tpu.dma_semaphore, #tpu.memory_space<semaphore_mem>>)
    %dma_wait3A = arith.constant 0 : i32
    %dma_wait3A_52 = arith.constant 0 : i32
    %dma_wait3A_53 = tpu.memref_slice %arg3[%mul3A_2, %dma_wait3A, %dma_wait3A_52] : memref<2560x2x128xi32, #tpu.memory_space<hbm>> -> memref<1x2x128xi32, #tpu.memory_space<hbm>>
    %dma_wait3A_54 = tpu.memref_squeeze %dma_wait3A_53 : memref<1x2x128xi32, #tpu.memory_space<hbm>> -> memref<2x128xi32, #tpu.memory_space<hbm>>
    %dma_wait3A_55 = arith.constant 0 : i32
    %dma_wait3A_56 = arith.constant 0 : i32
    %dma_wait3A_57 = tpu.memref_slice %arg3[%mul3A_2, %dma_wait3A_55, %dma_wait3A_56] : memref<2560x2x128xi32, #tpu.memory_space<hbm>> -> memref<1x2x128xi32, #tpu.memory_space<hbm>>
    %dma_wait3A_58 = tpu.memref_squeeze %dma_wait3A_57 : memref<1x2x128xi32, #tpu.memory_space<hbm>> -> memref<2x128xi32, #tpu.memory_space<hbm>>
    tpu.wait_dma2 semaphore(%arg13 : memref<!tpu.dma_semaphore, #tpu.memory_space<semaphore_mem>>) src(%dma_wait3A_58 : memref<2x128xi32, #tpu.memory_space<hbm>>) dst(%arg5 : memref<2x128xi32, #tpu.memory_space<vmem>>)
    %dma_start3A_59 = arith.constant 0 : i32
    %dma_start3A_60 = arith.constant 0 : i32
    %dma_start3A_61 = tpu.memref_slice %arg5[%dma_start3A_59, %dma_start3A_60] : memref<2x128xi32, #tpu.memory_space<vmem>> -> memref<1x128xi32, #tpu.memory_space<vmem>>
    %dma_start3A_62 = tpu.memref_squeeze %dma_start3A_61 : memref<1x128xi32, #tpu.memory_space<vmem>> -> memref<128xi32, #tpu.memory_space<vmem>>
    %dma_start3A_63 = arith.constant 0 : i32
    %dma_start3A_64 = arith.constant 0 : i32
    %dma_start3A_65 = tpu.memref_slice %arg2[%dma_start3A_63, %dma_start3A_64] : memref<10000x128xf32, #tpu.memory_space<hbm>> -> memref<10000x128xf32, #tpu.memory_space<hbm>>
    tpu.enqueue_indirect_dma source(%dma_start3A_65 : memref<10000x128xf32, #tpu.memory_space<hbm>>) target(%arg9 : memref<128x128xf32, #tpu.memory_space<vmem>>) offsets(%dma_start3A_62 : memref<128xi32, #tpu.memory_space<vmem>>) semaphore(%arg17 : memref<!tpu.dma_semaphore, #tpu.memory_space<semaphore_mem>>)
    %scan3A_66 = arith.constant 0 : i32
    %scan3A_67 = arith.constant 20 : i32
    %scan3A_68 = arith.addi %scan3A_66, %scan3A_67 : i32
    %scan3A_69 = arith.constant 1 : i32
    scf.for %scan3A_76 = %scan3A_66 to %scan3A_68 step %scan3A_69  : i32 {
      %mul3A_77 = arith.constant 4 : i32
      %mul3A_78 = arith.muli %scan3A_76, %mul3A_77 : i32
      %add3A_79 = arith.constant 0 : i32
      %add3A_80 = arith.addi %add3A_79, %mul3A_78 : i32
      %add3A_81 = arith.constant 0 : i32
      %add3A_82 = arith.addi %add3A_80, %add3A_81 : i32
      %add3A_83 = arith.constant 1 : i32
      %add3A_84 = arith.addi %add3A_82, %add3A_83 : i32
      %lt3A = arith.constant 80 : i32
      %lt3A_85 = arith.cmpi slt, %add3A_84, %lt3A : i32
      %convert_element_type3A = arith.extui %lt3A_85 : i1 to i32
      %cond3A = arith.constant 0 : i32
      %cond3A_86 = arith.cmpi ne, %convert_element_type3A, %cond3A : i32
      scf.if %cond3A_86 {
        %add3A_173 = arith.addi %mul3A_2, %add3A_82 : i32
        %add3A_174 = arith.constant 1 : i32
        %add3A_175 = arith.addi %add3A_173, %add3A_174 : i32
        %dma_wait3A_176 = arith.constant 0 : i32
        %dma_wait3A_177 = arith.constant 0 : i32
        %dma_wait3A_178 = tpu.memref_slice %arg3[%add3A_175, %dma_wait3A_176, %dma_wait3A_177] : memref<2560x2x128xi32, #tpu.memory_space<hbm>> -> memref<1x2x128xi32, #tpu.memory_space<hbm>>
        %dma_wait3A_179 = tpu.memref_squeeze %dma_wait3A_178 : memref<1x2x128xi32, #tpu.memory_space<hbm>> -> memref<2x128xi32, #tpu.memory_space<hbm>>
        %dma_wait3A_180 = arith.constant 0 : i32
        %dma_wait3A_181 = arith.constant 0 : i32
        %dma_wait3A_182 = tpu.memref_slice %arg3[%add3A_175, %dma_wait3A_180, %dma_wait3A_181] : memref<2560x2x128xi32, #tpu.memory_space<hbm>> -> memref<1x2x128xi32, #tpu.memory_space<hbm>>
        %dma_wait3A_183 = tpu.memref_squeeze %dma_wait3A_182 : memref<1x2x128xi32, #tpu.memory_space<hbm>> -> memref<2x128xi32, #tpu.memory_space<hbm>>
        tpu.wait_dma2 semaphore(%arg14 : memref<!tpu.dma_semaphore, #tpu.memory_space<semaphore_mem>>) src(%dma_wait3A_183 : memref<2x128xi32, #tpu.memory_space<hbm>>) dst(%arg6 : memref<2x128xi32, #tpu.memory_space<vmem>>)
        %dma_start3A_184 = arith.constant 0 : i32
        %dma_start3A_185 = arith.constant 0 : i32
        %dma_start3A_186 = tpu.memref_slice %arg6[%dma_start3A_184, %dma_start3A_185] : memref<2x128xi32, #tpu.memory_space<vmem>> -> memref<1x128xi32, #tpu.memory_space<vmem>>
        %dma_start3A_187 = tpu.memref_squeeze %dma_start3A_186 : memref<1x128xi32, #tpu.memory_space<vmem>> -> memref<128xi32, #tpu.memory_space<vmem>>
        %dma_start3A_188 = arith.constant 0 : i32
        %dma_start3A_189 = arith.constant 0 : i32
        %dma_start3A_190 = tpu.memref_slice %arg2[%dma_start3A_188, %dma_start3A_189] : memref<10000x128xf32, #tpu.memory_space<hbm>> -> memref<10000x128xf32, #tpu.memory_space<hbm>>
        tpu.enqueue_indirect_dma source(%dma_start3A_190 : memref<10000x128xf32, #tpu.memory_space<hbm>>) target(%arg10 : memref<128x128xf32, #tpu.memory_space<vmem>>) offsets(%dma_start3A_187 : memref<128xi32, #tpu.memory_space<vmem>>) semaphore(%arg18 : memref<!tpu.dma_semaphore, #tpu.memory_space<semaphore_mem>>)
      } else {
      }
      %dma_wait3A_87 = arith.constant 0 : i32
      %dma_wait3A_88 = arith.constant 0 : i32
      %dma_wait3A_89 = tpu.memref_slice %arg5[%dma_wait3A_87, %dma_wait3A_88] : memref<2x128xi32, #tpu.memory_space<vmem>> -> memref<1x128xi32, #tpu.memory_space<vmem>>
      %dma_wait3A_90 = tpu.memref_squeeze %dma_wait3A_89 : memref<1x128xi32, #tpu.memory_space<vmem>> -> memref<128xi32, #tpu.memory_space<vmem>>
      %dma_wait3A_91 = arith.constant 0 : i32
      %dma_wait3A_92 = arith.constant 0 : i32
      %dma_wait3A_93 = tpu.memref_slice %arg2[%dma_wait3A_91, %dma_wait3A_92] : memref<10000x128xf32, #tpu.memory_space<hbm>> -> memref<10000x128xf32, #tpu.memory_space<hbm>>
      tpu.wait_indirect_dma semaphore(%arg17 : memref<!tpu.dma_semaphore, #tpu.memory_space<semaphore_mem>>) src(%dma_wait3A_93 : memref<10000x128xf32, #tpu.memory_space<hbm>>) dst(%arg9 : memref<128x128xf32, #tpu.memory_space<vmem>>)
      %run_scoped3A = arith.constant 1 : i32
      "tpu.region"() ({
        %run_scoped3A_173 = tpu.sem_alloc : memref<!tpu.dma_semaphore, #tpu.memory_space<semaphore_mem>>
        %dma_start3A_174 = arith.constant 0 : i32
        %dma_start3A_175 = tpu.memref_slice %arg5[%run_scoped3A, %dma_start3A_174] : memref<2x128xi32, #tpu.memory_space<vmem>> -> memref<1x128xi32, #tpu.memory_space<vmem>>
        %dma_start3A_176 = tpu.memref_squeeze %dma_start3A_175 : memref<1x128xi32, #tpu.memory_space<vmem>> -> memref<128xi32, #tpu.memory_space<vmem>>
        %dma_start3A_177 = arith.constant 0 : i32
        %dma_start3A_178 = arith.constant 0 : i32
        %dma_start3A_179 = tpu.memref_slice %arg12[%dma_start3A_177, %dma_start3A_178] : memref<10240x128xf32, #tpu.memory_space<vmem_shared>> -> memref<10240x128xf32, #tpu.memory_space<vmem_shared>>
        tpu.enqueue_indirect_dma source(%arg9 : memref<128x128xf32, #tpu.memory_space<vmem>>) target(%dma_start3A_179 : memref<10240x128xf32, #tpu.memory_space<vmem_shared>>) offsets(%dma_start3A_176 : memref<128xi32, #tpu.memory_space<vmem>>) semaphore(%run_scoped3A_173 : memref<!tpu.dma_semaphore, #tpu.memory_space<semaphore_mem>>) {add = true}
        %dma_wait3A_180 = arith.constant 0 : i32
        %dma_wait3A_181 = tpu.memref_slice %arg5[%run_scoped3A, %dma_wait3A_180] : memref<2x128xi32, #tpu.memory_space<vmem>> -> memref<1x128xi32, #tpu.memory_space<vmem>>
        %dma_wait3A_182 = tpu.memref_squeeze %dma_wait3A_181 : memref<1x128xi32, #tpu.memory_space<vmem>> -> memref<128xi32, #tpu.memory_space<vmem>>
        %dma_wait3A_183 = arith.constant 0 : i32
        %dma_wait3A_184 = arith.constant 0 : i32
        %dma_wait3A_185 = tpu.memref_slice %arg12[%dma_wait3A_183, %dma_wait3A_184] : memref<10240x128xf32, #tpu.memory_space<vmem_shared>> -> memref<10240x128xf32, #tpu.memory_space<vmem_shared>>
        tpu.wait_indirect_dma semaphore(%run_scoped3A_173 : memref<!tpu.dma_semaphore, #tpu.memory_space<semaphore_mem>>) src(%arg9 : memref<128x128xf32, #tpu.memory_space<vmem>>) dst(%dma_wait3A_185 : memref<10240x128xf32, #tpu.memory_space<vmem_shared>>)
        tpu.yield
      }) : () -> ()
      %add3A_94 = arith.constant 4 : i32
      %add3A_95 = arith.addi %add3A_82, %add3A_94 : i32
      %lt3A_96 = arith.constant 80 : i32
      %lt3A_97 = arith.cmpi slt, %add3A_95, %lt3A_96 : i32
      %convert_element_type3A_98 = arith.extui %lt3A_97 : i1 to i32
      %cond3A_99 = arith.constant 0 : i32
      %cond3A_100 = arith.cmpi ne, %convert_element_type3A_98, %cond3A_99 : i32
      scf.if %cond3A_100 {
        %add3A_173 = arith.addi %mul3A_2, %add3A_82 : i32
        %add3A_174 = arith.constant 4 : i32
        %add3A_175 = arith.addi %add3A_173, %add3A_174 : i32
        %dma_start3A_176 = arith.constant 0 : i32
        %dma_start3A_177 = arith.constant 0 : i32
        %dma_start3A_178 = tpu.memref_slice %arg3[%add3A_175, %dma_start3A_176, %dma_start3A_177] : memref<2560x2x128xi32, #tpu.memory_space<hbm>> -> memref<1x2x128xi32, #tpu.memory_space<hbm>>
        %dma_start3A_179 = tpu.memref_squeeze %dma_start3A_178 : memref<1x2x128xi32, #tpu.memory_space<hbm>> -> memref<2x128xi32, #tpu.memory_space<hbm>>
        %dma_start3A_180 = arith.constant 0 : i32
        %dma_start3A_181 = arith.constant 0 : i32
        %dma_start3A_182 = tpu.memref_slice %arg3[%add3A_175, %dma_start3A_180, %dma_start3A_181] : memref<2560x2x128xi32, #tpu.memory_space<hbm>> -> memref<1x2x128xi32, #tpu.memory_space<hbm>>
        %dma_start3A_183 = tpu.memref_squeeze %dma_start3A_182 : memref<1x2x128xi32, #tpu.memory_space<hbm>> -> memref<2x128xi32, #tpu.memory_space<hbm>>
        tpu.enqueue_dma source(%dma_start3A_183 : memref<2x128xi32, #tpu.memory_space<hbm>>) target(%arg5 : memref<2x128xi32, #tpu.memory_space<vmem>>) target_semaphore(%arg13 : memref<!tpu.dma_semaphore, #tpu.memory_space<semaphore_mem>>)
      } else {
      }
      %add3A_101 = arith.constant 1 : i32
      %add3A_102 = arith.addi %add3A_80, %add3A_101 : i32
      %add3A_103 = arith.constant 1 : i32
      %add3A_104 = arith.addi %add3A_102, %add3A_103 : i32
      %lt3A_105 = arith.constant 80 : i32
      %lt3A_106 = arith.cmpi slt, %add3A_104, %lt3A_105 : i32
      %convert_element_type3A_107 = arith.extui %lt3A_106 : i1 to i32
      %cond3A_108 = arith.constant 0 : i32
      %cond3A_109 = arith.cmpi ne, %convert_element_type3A_107, %cond3A_108 : i32
      scf.if %cond3A_109 {
        %add3A_173 = arith.addi %mul3A_2, %add3A_102 : i32
        %add3A_174 = arith.constant 1 : i32
        %add3A_175 = arith.addi %add3A_173, %add3A_174 : i32
        %dma_wait3A_176 = arith.constant 0 : i32
        %dma_wait3A_177 = arith.constant 0 : i32
        %dma_wait3A_178 = tpu.memref_slice %arg3[%add3A_175, %dma_wait3A_176, %dma_wait3A_177] : memref<2560x2x128xi32, #tpu.memory_space<hbm>> -> memref<1x2x128xi32, #tpu.memory_space<hbm>>
        %dma_wait3A_179 = tpu.memref_squeeze %dma_wait3A_178 : memref<1x2x128xi32, #tpu.memory_space<hbm>> -> memref<2x128xi32, #tpu.memory_space<hbm>>
        %dma_wait3A_180 = arith.constant 0 : i32
        %dma_wait3A_181 = arith.constant 0 : i32
        %dma_wait3A_182 = tpu.memref_slice %arg3[%add3A_175, %dma_wait3A_180, %dma_wait3A_181] : memref<2560x2x128xi32, #tpu.memory_space<hbm>> -> memref<1x2x128xi32, #tpu.memory_space<hbm>>
        %dma_wait3A_183 = tpu.memref_squeeze %dma_wait3A_182 : memref<1x2x128xi32, #tpu.memory_space<hbm>> -> memref<2x128xi32, #tpu.memory_space<hbm>>
        tpu.wait_dma2 semaphore(%arg15 : memref<!tpu.dma_semaphore, #tpu.memory_space<semaphore_mem>>) src(%dma_wait3A_183 : memref<2x128xi32, #tpu.memory_space<hbm>>) dst(%arg7 : memref<2x128xi32, #tpu.memory_space<vmem>>)
        %dma_start3A_184 = arith.constant 0 : i32
        %dma_start3A_185 = arith.constant 0 : i32
        %dma_start3A_186 = tpu.memref_slice %arg7[%dma_start3A_184, %dma_start3A_185] : memref<2x128xi32, #tpu.memory_space<vmem>> -> memref<1x128xi32, #tpu.memory_space<vmem>>
        %dma_start3A_187 = tpu.memref_squeeze %dma_start3A_186 : memref<1x128xi32, #tpu.memory_space<vmem>> -> memref<128xi32, #tpu.memory_space<vmem>>
        %dma_start3A_188 = arith.constant 0 : i32
        %dma_start3A_189 = arith.constant 0 : i32
        %dma_start3A_190 = tpu.memref_slice %arg2[%dma_start3A_188, %dma_start3A_189] : memref<10000x128xf32, #tpu.memory_space<hbm>> -> memref<10000x128xf32, #tpu.memory_space<hbm>>
        tpu.enqueue_indirect_dma source(%dma_start3A_190 : memref<10000x128xf32, #tpu.memory_space<hbm>>) target(%arg9 : memref<128x128xf32, #tpu.memory_space<vmem>>) offsets(%dma_start3A_187 : memref<128xi32, #tpu.memory_space<vmem>>) semaphore(%arg17 : memref<!tpu.dma_semaphore, #tpu.memory_space<semaphore_mem>>)
      } else {
      }
      %dma_wait3A_110 = arith.constant 0 : i32
      %dma_wait3A_111 = arith.constant 0 : i32
      %dma_wait3A_112 = tpu.memref_slice %arg6[%dma_wait3A_110, %dma_wait3A_111] : memref<2x128xi32, #tpu.memory_space<vmem>> -> memref<1x128xi32, #tpu.memory_space<vmem>>
      %dma_wait3A_113 = tpu.memref_squeeze %dma_wait3A_112 : memref<1x128xi32, #tpu.memory_space<vmem>> -> memref<128xi32, #tpu.memory_space<vmem>>
      %dma_wait3A_114 = arith.constant 0 : i32
      %dma_wait3A_115 = arith.constant 0 : i32
      %dma_wait3A_116 = tpu.memref_slice %arg2[%dma_wait3A_114, %dma_wait3A_115] : memref<10000x128xf32, #tpu.memory_space<hbm>> -> memref<10000x128xf32, #tpu.memory_space<hbm>>
      tpu.wait_indirect_dma semaphore(%arg18 : memref<!tpu.dma_semaphore, #tpu.memory_space<semaphore_mem>>) src(%dma_wait3A_116 : memref<10000x128xf32, #tpu.memory_space<hbm>>) dst(%arg10 : memref<128x128xf32, #tpu.memory_space<vmem>>)
      %run_scoped3A_117 = arith.constant 1 : i32
      "tpu.region"() ({
        %run_scoped3A_173 = tpu.sem_alloc : memref<!tpu.dma_semaphore, #tpu.memory_space<semaphore_mem>>
        %dma_start3A_174 = arith.constant 0 : i32
        %dma_start3A_175 = tpu.memref_slice %arg6[%run_scoped3A_117, %dma_start3A_174] : memref<2x128xi32, #tpu.memory_space<vmem>> -> memref<1x128xi32, #tpu.memory_space<vmem>>
        %dma_start3A_176 = tpu.memref_squeeze %dma_start3A_175 : memref<1x128xi32, #tpu.memory_space<vmem>> -> memref<128xi32, #tpu.memory_space<vmem>>
        %dma_start3A_177 = arith.constant 0 : i32
        %dma_start3A_178 = arith.constant 0 : i32
        %dma_start3A_179 = tpu.memref_slice %arg12[%dma_start3A_177, %dma_start3A_178] : memref<10240x128xf32, #tpu.memory_space<vmem_shared>> -> memref<10240x128xf32, #tpu.memory_space<vmem_shared>>
        tpu.enqueue_indirect_dma source(%arg10 : memref<128x128xf32, #tpu.memory_space<vmem>>) target(%dma_start3A_179 : memref<10240x128xf32, #tpu.memory_space<vmem_shared>>) offsets(%dma_start3A_176 : memref<128xi32, #tpu.memory_space<vmem>>) semaphore(%run_scoped3A_173 : memref<!tpu.dma_semaphore, #tpu.memory_space<semaphore_mem>>) {add = true}
        %dma_wait3A_180 = arith.constant 0 : i32
        %dma_wait3A_181 = tpu.memref_slice %arg6[%run_scoped3A_117, %dma_wait3A_180] : memref<2x128xi32, #tpu.memory_space<vmem>> -> memref<1x128xi32, #tpu.memory_space<vmem>>
        %dma_wait3A_182 = tpu.memref_squeeze %dma_wait3A_181 : memref<1x128xi32, #tpu.memory_space<vmem>> -> memref<128xi32, #tpu.memory_space<vmem>>
        %dma_wait3A_183 = arith.constant 0 : i32
        %dma_wait3A_184 = arith.constant 0 : i32
        %dma_wait3A_185 = tpu.memref_slice %arg12[%dma_wait3A_183, %dma_wait3A_184] : memref<10240x128xf32, #tpu.memory_space<vmem_shared>> -> memref<10240x128xf32, #tpu.memory_space<vmem_shared>>
        tpu.wait_indirect_dma semaphore(%run_scoped3A_173 : memref<!tpu.dma_semaphore, #tpu.memory_space<semaphore_mem>>) src(%arg10 : memref<128x128xf32, #tpu.memory_space<vmem>>) dst(%dma_wait3A_185 : memref<10240x128xf32, #tpu.memory_space<vmem_shared>>)
        tpu.yield
      }) : () -> ()
      %add3A_118 = arith.constant 4 : i32
      %add3A_119 = arith.addi %add3A_102, %add3A_118 : i32
      %lt3A_120 = arith.constant 80 : i32
      %lt3A_121 = arith.cmpi slt, %add3A_119, %lt3A_120 : i32
      %convert_element_type3A_122 = arith.extui %lt3A_121 : i1 to i32
      %cond3A_123 = arith.constant 0 : i32
      %cond3A_124 = arith.cmpi ne, %convert_element_type3A_122, %cond3A_123 : i32
      scf.if %cond3A_124 {
        %add3A_173 = arith.addi %mul3A_2, %add3A_102 : i32
        %add3A_174 = arith.constant 4 : i32
        %add3A_175 = arith.addi %add3A_173, %add3A_174 : i32
        %dma_start3A_176 = arith.constant 0 : i32
        %dma_start3A_177 = arith.constant 0 : i32
        %dma_start3A_178 = tpu.memref_slice %arg3[%add3A_175, %dma_start3A_176, %dma_start3A_177] : memref<2560x2x128xi32, #tpu.memory_space<hbm>> -> memref<1x2x128xi32, #tpu.memory_space<hbm>>
        %dma_start3A_179 = tpu.memref_squeeze %dma_start3A_178 : memref<1x2x128xi32, #tpu.memory_space<hbm>> -> memref<2x128xi32, #tpu.memory_space<hbm>>
        %dma_start3A_180 = arith.constant 0 : i32
        %dma_start3A_181 = arith.constant 0 : i32
        %dma_start3A_182 = tpu.memref_slice %arg3[%add3A_175, %dma_start3A_180, %dma_start3A_181] : memref<2560x2x128xi32, #tpu.memory_space<hbm>> -> memref<1x2x128xi32, #tpu.memory_space<hbm>>
        %dma_start3A_183 = tpu.memref_squeeze %dma_start3A_182 : memref<1x2x128xi32, #tpu.memory_space<hbm>> -> memref<2x128xi32, #tpu.memory_space<hbm>>
        tpu.enqueue_dma source(%dma_start3A_183 : memref<2x128xi32, #tpu.memory_space<hbm>>) target(%arg6 : memref<2x128xi32, #tpu.memory_space<vmem>>) target_semaphore(%arg14 : memref<!tpu.dma_semaphore, #tpu.memory_space<semaphore_mem>>)
      } else {
      }
      %add3A_125 = arith.constant 2 : i32
      %add3A_126 = arith.addi %add3A_80, %add3A_125 : i32
      %add3A_127 = arith.constant 1 : i32
      %add3A_128 = arith.addi %add3A_126, %add3A_127 : i32
      %lt3A_129 = arith.constant 80 : i32
      %lt3A_130 = arith.cmpi slt, %add3A_128, %lt3A_129 : i32
      %convert_element_type3A_131 = arith.extui %lt3A_130 : i1 to i32
      %cond3A_132 = arith.constant 0 : i32
      %cond3A_133 = arith.cmpi ne, %convert_element_type3A_131, %cond3A_132 : i32
      scf.if %cond3A_133 {
        %add3A_173 = arith.addi %mul3A_2, %add3A_126 : i32
        %add3A_174 = arith.constant 1 : i32
        %add3A_175 = arith.addi %add3A_173, %add3A_174 : i32
        %dma_wait3A_176 = arith.constant 0 : i32
        %dma_wait3A_177 = arith.constant 0 : i32
        %dma_wait3A_178 = tpu.memref_slice %arg3[%add3A_175, %dma_wait3A_176, %dma_wait3A_177] : memref<2560x2x128xi32, #tpu.memory_space<hbm>> -> memref<1x2x128xi32, #tpu.memory_space<hbm>>
        %dma_wait3A_179 = tpu.memref_squeeze %dma_wait3A_178 : memref<1x2x128xi32, #tpu.memory_space<hbm>> -> memref<2x128xi32, #tpu.memory_space<hbm>>
        %dma_wait3A_180 = arith.constant 0 : i32
        %dma_wait3A_181 = arith.constant 0 : i32
        %dma_wait3A_182 = tpu.memref_slice %arg3[%add3A_175, %dma_wait3A_180, %dma_wait3A_181] : memref<2560x2x128xi32, #tpu.memory_space<hbm>> -> memref<1x2x128xi32, #tpu.memory_space<hbm>>
        %dma_wait3A_183 = tpu.memref_squeeze %dma_wait3A_182 : memref<1x2x128xi32, #tpu.memory_space<hbm>> -> memref<2x128xi32, #tpu.memory_space<hbm>>
        tpu.wait_dma2 semaphore(%arg16 : memref<!tpu.dma_semaphore, #tpu.memory_space<semaphore_mem>>) src(%dma_wait3A_183 : memref<2x128xi32, #tpu.memory_space<hbm>>) dst(%arg8 : memref<2x128xi32, #tpu.memory_space<vmem>>)
        %dma_start3A_184 = arith.constant 0 : i32
        %dma_start3A_185 = arith.constant 0 : i32
        %dma_start3A_186 = tpu.memref_slice %arg8[%dma_start3A_184, %dma_start3A_185] : memref<2x128xi32, #tpu.memory_space<vmem>> -> memref<1x128xi32, #tpu.memory_space<vmem>>
        %dma_start3A_187 = tpu.memref_squeeze %dma_start3A_186 : memref<1x128xi32, #tpu.memory_space<vmem>> -> memref<128xi32, #tpu.memory_space<vmem>>
        %dma_start3A_188 = arith.constant 0 : i32
        %dma_start3A_189 = arith.constant 0 : i32
        %dma_start3A_190 = tpu.memref_slice %arg2[%dma_start3A_188, %dma_start3A_189] : memref<10000x128xf32, #tpu.memory_space<hbm>> -> memref<10000x128xf32, #tpu.memory_space<hbm>>
        tpu.enqueue_indirect_dma source(%dma_start3A_190 : memref<10000x128xf32, #tpu.memory_space<hbm>>) target(%arg10 : memref<128x128xf32, #tpu.memory_space<vmem>>) offsets(%dma_start3A_187 : memref<128xi32, #tpu.memory_space<vmem>>) semaphore(%arg18 : memref<!tpu.dma_semaphore, #tpu.memory_space<semaphore_mem>>)
      } else {
      }
      %dma_wait3A_134 = arith.constant 0 : i32
      %dma_wait3A_135 = arith.constant 0 : i32
      %dma_wait3A_136 = tpu.memref_slice %arg7[%dma_wait3A_134, %dma_wait3A_135] : memref<2x128xi32, #tpu.memory_space<vmem>> -> memref<1x128xi32, #tpu.memory_space<vmem>>
      %dma_wait3A_137 = tpu.memref_squeeze %dma_wait3A_136 : memref<1x128xi32, #tpu.memory_space<vmem>> -> memref<128xi32, #tpu.memory_space<vmem>>
      %dma_wait3A_138 = arith.constant 0 : i32
      %dma_wait3A_139 = arith.constant 0 : i32
      %dma_wait3A_140 = tpu.memref_slice %arg2[%dma_wait3A_138, %dma_wait3A_139] : memref<10000x128xf32, #tpu.memory_space<hbm>> -> memref<10000x128xf32, #tpu.memory_space<hbm>>
      tpu.wait_indirect_dma semaphore(%arg17 : memref<!tpu.dma_semaphore, #tpu.memory_space<semaphore_mem>>) src(%dma_wait3A_140 : memref<10000x128xf32, #tpu.memory_space<hbm>>) dst(%arg9 : memref<128x128xf32, #tpu.memory_space<vmem>>)
      %run_scoped3A_141 = arith.constant 1 : i32
      "tpu.region"() ({
        %run_scoped3A_173 = tpu.sem_alloc : memref<!tpu.dma_semaphore, #tpu.memory_space<semaphore_mem>>
        %dma_start3A_174 = arith.constant 0 : i32
        %dma_start3A_175 = tpu.memref_slice %arg7[%run_scoped3A_141, %dma_start3A_174] : memref<2x128xi32, #tpu.memory_space<vmem>> -> memref<1x128xi32, #tpu.memory_space<vmem>>
        %dma_start3A_176 = tpu.memref_squeeze %dma_start3A_175 : memref<1x128xi32, #tpu.memory_space<vmem>> -> memref<128xi32, #tpu.memory_space<vmem>>
        %dma_start3A_177 = arith.constant 0 : i32
        %dma_start3A_178 = arith.constant 0 : i32
        %dma_start3A_179 = tpu.memref_slice %arg12[%dma_start3A_177, %dma_start3A_178] : memref<10240x128xf32, #tpu.memory_space<vmem_shared>> -> memref<10240x128xf32, #tpu.memory_space<vmem_shared>>
        tpu.enqueue_indirect_dma source(%arg9 : memref<128x128xf32, #tpu.memory_space<vmem>>) target(%dma_start3A_179 : memref<10240x128xf32, #tpu.memory_space<vmem_shared>>) offsets(%dma_start3A_176 : memref<128xi32, #tpu.memory_space<vmem>>) semaphore(%run_scoped3A_173 : memref<!tpu.dma_semaphore, #tpu.memory_space<semaphore_mem>>) {add = true}
        %dma_wait3A_180 = arith.constant 0 : i32
        %dma_wait3A_181 = tpu.memref_slice %arg7[%run_scoped3A_141, %dma_wait3A_180] : memref<2x128xi32, #tpu.memory_space<vmem>> -> memref<1x128xi32, #tpu.memory_space<vmem>>
        %dma_wait3A_182 = tpu.memref_squeeze %dma_wait3A_181 : memref<1x128xi32, #tpu.memory_space<vmem>> -> memref<128xi32, #tpu.memory_space<vmem>>
        %dma_wait3A_183 = arith.constant 0 : i32
        %dma_wait3A_184 = arith.constant 0 : i32
        %dma_wait3A_185 = tpu.memref_slice %arg12[%dma_wait3A_183, %dma_wait3A_184] : memref<10240x128xf32, #tpu.memory_space<vmem_shared>> -> memref<10240x128xf32, #tpu.memory_space<vmem_shared>>
        tpu.wait_indirect_dma semaphore(%run_scoped3A_173 : memref<!tpu.dma_semaphore, #tpu.memory_space<semaphore_mem>>) src(%arg9 : memref<128x128xf32, #tpu.memory_space<vmem>>) dst(%dma_wait3A_185 : memref<10240x128xf32, #tpu.memory_space<vmem_shared>>)
        tpu.yield
      }) : () -> ()
      %add3A_142 = arith.constant 4 : i32
      %add3A_143 = arith.addi %add3A_126, %add3A_142 : i32
      %lt3A_144 = arith.constant 80 : i32
      %lt3A_145 = arith.cmpi slt, %add3A_143, %lt3A_144 : i32
      %convert_element_type3A_146 = arith.extui %lt3A_145 : i1 to i32
      %cond3A_147 = arith.constant 0 : i32
      %cond3A_148 = arith.cmpi ne, %convert_element_type3A_146, %cond3A_147 : i32
      scf.if %cond3A_148 {
        %add3A_173 = arith.addi %mul3A_2, %add3A_126 : i32
        %add3A_174 = arith.constant 4 : i32
        %add3A_175 = arith.addi %add3A_173, %add3A_174 : i32
        %dma_start3A_176 = arith.constant 0 : i32
        %dma_start3A_177 = arith.constant 0 : i32
        %dma_start3A_178 = tpu.memref_slice %arg3[%add3A_175, %dma_start3A_176, %dma_start3A_177] : memref<2560x2x128xi32, #tpu.memory_space<hbm>> -> memref<1x2x128xi32, #tpu.memory_space<hbm>>
        %dma_start3A_179 = tpu.memref_squeeze %dma_start3A_178 : memref<1x2x128xi32, #tpu.memory_space<hbm>> -> memref<2x128xi32, #tpu.memory_space<hbm>>
        %dma_start3A_180 = arith.constant 0 : i32
        %dma_start3A_181 = arith.constant 0 : i32
        %dma_start3A_182 = tpu.memref_slice %arg3[%add3A_175, %dma_start3A_180, %dma_start3A_181] : memref<2560x2x128xi32, #tpu.memory_space<hbm>> -> memref<1x2x128xi32, #tpu.memory_space<hbm>>
        %dma_start3A_183 = tpu.memref_squeeze %dma_start3A_182 : memref<1x2x128xi32, #tpu.memory_space<hbm>> -> memref<2x128xi32, #tpu.memory_space<hbm>>
        tpu.enqueue_dma source(%dma_start3A_183 : memref<2x128xi32, #tpu.memory_space<hbm>>) target(%arg7 : memref<2x128xi32, #tpu.memory_space<vmem>>) target_semaphore(%arg15 : memref<!tpu.dma_semaphore, #tpu.memory_space<semaphore_mem>>)
      } else {
      }
      %add3A_149 = arith.constant 3 : i32
      %add3A_150 = arith.addi %add3A_80, %add3A_149 : i32
      %add3A_151 = arith.constant 1 : i32
      %add3A_152 = arith.addi %add3A_150, %add3A_151 : i32
      %lt3A_153 = arith.constant 80 : i32
      %lt3A_154 = arith.cmpi slt, %add3A_152, %lt3A_153 : i32
      %convert_element_type3A_155 = arith.extui %lt3A_154 : i1 to i32
      %cond3A_156 = arith.constant 0 : i32
      %cond3A_157 = arith.cmpi ne, %convert_element_type3A_155, %cond3A_156 : i32
      scf.if %cond3A_157 {
        %add3A_173 = arith.addi %mul3A_2, %add3A_150 : i32
        %add3A_174 = arith.constant 1 : i32
        %add3A_175 = arith.addi %add3A_173, %add3A_174 : i32
        %dma_wait3A_176 = arith.constant 0 : i32
        %dma_wait3A_177 = arith.constant 0 : i32
        %dma_wait3A_178 = tpu.memref_slice %arg3[%add3A_175, %dma_wait3A_176, %dma_wait3A_177] : memref<2560x2x128xi32, #tpu.memory_space<hbm>> -> memref<1x2x128xi32, #tpu.memory_space<hbm>>
        %dma_wait3A_179 = tpu.memref_squeeze %dma_wait3A_178 : memref<1x2x128xi32, #tpu.memory_space<hbm>> -> memref<2x128xi32, #tpu.memory_space<hbm>>
        %dma_wait3A_180 = arith.constant 0 : i32
        %dma_wait3A_181 = arith.constant 0 : i32
        %dma_wait3A_182 = tpu.memref_slice %arg3[%add3A_175, %dma_wait3A_180, %dma_wait3A_181] : memref<2560x2x128xi32, #tpu.memory_space<hbm>> -> memref<1x2x128xi32, #tpu.memory_space<hbm>>
        %dma_wait3A_183 = tpu.memref_squeeze %dma_wait3A_182 : memref<1x2x128xi32, #tpu.memory_space<hbm>> -> memref<2x128xi32, #tpu.memory_space<hbm>>
        tpu.wait_dma2 semaphore(%arg13 : memref<!tpu.dma_semaphore, #tpu.memory_space<semaphore_mem>>) src(%dma_wait3A_183 : memref<2x128xi32, #tpu.memory_space<hbm>>) dst(%arg5 : memref<2x128xi32, #tpu.memory_space<vmem>>)
        %dma_start3A_184 = arith.constant 0 : i32
        %dma_start3A_185 = arith.constant 0 : i32
        %dma_start3A_186 = tpu.memref_slice %arg5[%dma_start3A_184, %dma_start3A_185] : memref<2x128xi32, #tpu.memory_space<vmem>> -> memref<1x128xi32, #tpu.memory_space<vmem>>
        %dma_start3A_187 = tpu.memref_squeeze %dma_start3A_186 : memref<1x128xi32, #tpu.memory_space<vmem>> -> memref<128xi32, #tpu.memory_space<vmem>>
        %dma_start3A_188 = arith.constant 0 : i32
        %dma_start3A_189 = arith.constant 0 : i32
        %dma_start3A_190 = tpu.memref_slice %arg2[%dma_start3A_188, %dma_start3A_189] : memref<10000x128xf32, #tpu.memory_space<hbm>> -> memref<10000x128xf32, #tpu.memory_space<hbm>>
        tpu.enqueue_indirect_dma source(%dma_start3A_190 : memref<10000x128xf32, #tpu.memory_space<hbm>>) target(%arg9 : memref<128x128xf32, #tpu.memory_space<vmem>>) offsets(%dma_start3A_187 : memref<128xi32, #tpu.memory_space<vmem>>) semaphore(%arg17 : memref<!tpu.dma_semaphore, #tpu.memory_space<semaphore_mem>>)
      } else {
      }
      %dma_wait3A_158 = arith.constant 0 : i32
      %dma_wait3A_159 = arith.constant 0 : i32
      %dma_wait3A_160 = tpu.memref_slice %arg8[%dma_wait3A_158, %dma_wait3A_159] : memref<2x128xi32, #tpu.memory_space<vmem>> -> memref<1x128xi32, #tpu.memory_space<vmem>>
      %dma_wait3A_161 = tpu.memref_squeeze %dma_wait3A_160 : memref<1x128xi32, #tpu.memory_space<vmem>> -> memref<128xi32, #tpu.memory_space<vmem>>
      %dma_wait3A_162 = arith.constant 0 : i32
      %dma_wait3A_163 = arith.constant 0 : i32
      %dma_wait3A_164 = tpu.memref_slice %arg2[%dma_wait3A_162, %dma_wait3A_163] : memref<10000x128xf32, #tpu.memory_space<hbm>> -> memref<10000x128xf32, #tpu.memory_space<hbm>>
      tpu.wait_indirect_dma semaphore(%arg18 : memref<!tpu.dma_semaphore, #tpu.memory_space<semaphore_mem>>) src(%dma_wait3A_164 : memref<10000x128xf32, #tpu.memory_space<hbm>>) dst(%arg10 : memref<128x128xf32, #tpu.memory_space<vmem>>)
      %run_scoped3A_165 = arith.constant 1 : i32
      "tpu.region"() ({
        %run_scoped3A_173 = tpu.sem_alloc : memref<!tpu.dma_semaphore, #tpu.memory_space<semaphore_mem>>
        %dma_start3A_174 = arith.constant 0 : i32
        %dma_start3A_175 = tpu.memref_slice %arg8[%run_scoped3A_165, %dma_start3A_174] : memref<2x128xi32, #tpu.memory_space<vmem>> -> memref<1x128xi32, #tpu.memory_space<vmem>>
        %dma_start3A_176 = tpu.memref_squeeze %dma_start3A_175 : memref<1x128xi32, #tpu.memory_space<vmem>> -> memref<128xi32, #tpu.memory_space<vmem>>
        %dma_start3A_177 = arith.constant 0 : i32
        %dma_start3A_178 = arith.constant 0 : i32
        %dma_start3A_179 = tpu.memref_slice %arg12[%dma_start3A_177, %dma_start3A_178] : memref<10240x128xf32, #tpu.memory_space<vmem_shared>> -> memref<10240x128xf32, #tpu.memory_space<vmem_shared>>
        tpu.enqueue_indirect_dma source(%arg10 : memref<128x128xf32, #tpu.memory_space<vmem>>) target(%dma_start3A_179 : memref<10240x128xf32, #tpu.memory_space<vmem_shared>>) offsets(%dma_start3A_176 : memref<128xi32, #tpu.memory_space<vmem>>) semaphore(%run_scoped3A_173 : memref<!tpu.dma_semaphore, #tpu.memory_space<semaphore_mem>>) {add = true}
        %dma_wait3A_180 = arith.constant 0 : i32
        %dma_wait3A_181 = tpu.memref_slice %arg8[%run_scoped3A_165, %dma_wait3A_180] : memref<2x128xi32, #tpu.memory_space<vmem>> -> memref<1x128xi32, #tpu.memory_space<vmem>>
        %dma_wait3A_182 = tpu.memref_squeeze %dma_wait3A_181 : memref<1x128xi32, #tpu.memory_space<vmem>> -> memref<128xi32, #tpu.memory_space<vmem>>
        %dma_wait3A_183 = arith.constant 0 : i32
        %dma_wait3A_184 = arith.constant 0 : i32
        %dma_wait3A_185 = tpu.memref_slice %arg12[%dma_wait3A_183, %dma_wait3A_184] : memref<10240x128xf32, #tpu.memory_space<vmem_shared>> -> memref<10240x128xf32, #tpu.memory_space<vmem_shared>>
        tpu.wait_indirect_dma semaphore(%run_scoped3A_173 : memref<!tpu.dma_semaphore, #tpu.memory_space<semaphore_mem>>) src(%arg10 : memref<128x128xf32, #tpu.memory_space<vmem>>) dst(%dma_wait3A_185 : memref<10240x128xf32, #tpu.memory_space<vmem_shared>>)
        tpu.yield
      }) : () -> ()
      %add3A_166 = arith.constant 4 : i32
      %add3A_167 = arith.addi %add3A_150, %add3A_166 : i32
      %lt3A_168 = arith.constant 80 : i32
      %lt3A_169 = arith.cmpi slt, %add3A_167, %lt3A_168 : i32
      %convert_element_type3A_170 = arith.extui %lt3A_169 : i1 to i32
      %cond3A_171 = arith.constant 0 : i32
      %cond3A_172 = arith.cmpi ne, %convert_element_type3A_170, %cond3A_171 : i32
      scf.if %cond3A_172 {
        %add3A_173 = arith.addi %mul3A_2, %add3A_150 : i32
        %add3A_174 = arith.constant 4 : i32
        %add3A_175 = arith.addi %add3A_173, %add3A_174 : i32
        %dma_start3A_176 = arith.constant 0 : i32
        %dma_start3A_177 = arith.constant 0 : i32
        %dma_start3A_178 = tpu.memref_slice %arg3[%add3A_175, %dma_start3A_176, %dma_start3A_177] : memref<2560x2x128xi32, #tpu.memory_space<hbm>> -> memref<1x2x128xi32, #tpu.memory_space<hbm>>
        %dma_start3A_179 = tpu.memref_squeeze %dma_start3A_178 : memref<1x2x128xi32, #tpu.memory_space<hbm>> -> memref<2x128xi32, #tpu.memory_space<hbm>>
        %dma_start3A_180 = arith.constant 0 : i32
        %dma_start3A_181 = arith.constant 0 : i32
        %dma_start3A_182 = tpu.memref_slice %arg3[%add3A_175, %dma_start3A_180, %dma_start3A_181] : memref<2560x2x128xi32, #tpu.memory_space<hbm>> -> memref<1x2x128xi32, #tpu.memory_space<hbm>>
        %dma_start3A_183 = tpu.memref_squeeze %dma_start3A_182 : memref<1x2x128xi32, #tpu.memory_space<hbm>> -> memref<2x128xi32, #tpu.memory_space<hbm>>
        tpu.enqueue_dma source(%dma_start3A_183 : memref<2x128xi32, #tpu.memory_space<hbm>>) target(%arg8 : memref<2x128xi32, #tpu.memory_space<vmem>>) target_semaphore(%arg16 : memref<!tpu.dma_semaphore, #tpu.memory_space<semaphore_mem>>)
      } else {
      }
    }
    %scan3A_70 = arith.constant 20 : i32
    %barrier3A_71 = arith.constant 0 : index
    tpu.barrier barrier_id(%barrier3A_71)
    %mul3A_72 = arith.constant 640 : i32
    %mul3A_73 = arith.muli %arg1, %mul3A_72 : i32
    %mul3A_74 = arith.constant 640 : i32
    %mul3A_75 = arith.muli %arg1, %mul3A_74 : i32
    "tpu.region"() ({
      %run_scoped3A = tpu.sem_alloc : memref<!tpu.dma_semaphore, #tpu.memory_space<semaphore_mem>>
      %dma_start3A_76 = arith.constant 0 : i32
      %dma_start3A_77 = tpu.memref_slice %arg4[%arg0, %mul3A_75, %dma_start3A_76] : memref<2x10240x128xf32, #tpu.memory_space<hbm>> -> memref<1x640x128xf32, #tpu.memory_space<hbm>>
      %dma_start3A_78 = tpu.memref_squeeze %dma_start3A_77 : memref<1x640x128xf32, #tpu.memory_space<hbm>> -> memref<640x128xf32, #tpu.memory_space<hbm>>
      %dma_start3A_79 = arith.constant 0 : i32
      %dma_start3A_80 = tpu.memref_slice %arg12[%mul3A_73, %dma_start3A_79] : memref<10240x128xf32, #tpu.memory_space<vmem_shared>> -> memref<640x128xf32, #tpu.memory_space<vmem_shared>>
      tpu.enqueue_dma source(%dma_start3A_80 : memref<640x128xf32, #tpu.memory_space<vmem_shared>>) target(%dma_start3A_78 : memref<640x128xf32, #tpu.memory_space<hbm>>) target_semaphore(%run_scoped3A : memref<!tpu.dma_semaphore, #tpu.memory_space<semaphore_mem>>)
      %dma_wait3A_81 = arith.constant 0 : i32
      %dma_wait3A_82 = tpu.memref_slice %arg4[%arg0, %mul3A_75, %dma_wait3A_81] : memref<2x10240x128xf32, #tpu.memory_space<hbm>> -> memref<1x640x128xf32, #tpu.memory_space<hbm>>
      %dma_wait3A_83 = tpu.memref_squeeze %dma_wait3A_82 : memref<1x640x128xf32, #tpu.memory_space<hbm>> -> memref<640x128xf32, #tpu.memory_space<hbm>>
      %dma_wait3A_84 = arith.constant 0 : i32
      %dma_wait3A_85 = tpu.memref_slice %arg12[%mul3A_73, %dma_wait3A_84] : memref<10240x128xf32, #tpu.memory_space<vmem_shared>> -> memref<640x128xf32, #tpu.memory_space<vmem_shared>>
      tpu.wait_dma2 semaphore(%run_scoped3A : memref<!tpu.dma_semaphore, #tpu.memory_space<semaphore_mem>>) src(%dma_wait3A_85 : memref<640x128xf32, #tpu.memory_space<vmem_shared>>) dst(%dma_wait3A_83 : memref<640x128xf32, #tpu.memory_space<hbm>>)
      tpu.yield
    }) : () -> ()
    return
  }
}

module attributes {stable_mosaic.version = 14 : i64} {
  func.func @body(%arg0: memref<4x2500x2xf32, #tpu.memory_space<vmem>>, %arg1: memref<10000x128xf32, #tpu.memory_space<vmem>>, %arg2: memref<16x128xf32, #tpu.memory_space<vmem>>, %arg3: memref<1x128xf32, #tpu.memory_space<vmem>>, %arg4: memref<130x128xf32, #tpu.memory_space<vmem>>, %arg5: memref<1x128xf32, #tpu.memory_space<vmem>>, %arg6: memref<10000x128xf32, #tpu.memory_space<vmem>>) attributes {dimension_semantics = [], scalar_prefetch = 0 : i64, scratch_operands = 0 : i64, tpu.core_type = #tpu.core_type<tc>} {
    %get3A = arith.constant 0 : index
    %get3A_0 = arith.constant 0 : index
    %get3A_1 = vector.load %arg2[%get3A, %get3A_0] : memref<16x128xf32, #tpu.memory_space<vmem>>, vector<16x128xf32>
    %tile3A = tpu.concatenate %get3A_1, %get3A_1, %get3A_1, %get3A_1, %get3A_1, %get3A_1, %get3A_1, %get3A_1 in 0 : vector<16x128xf32>, vector<16x128xf32>, vector<16x128xf32>, vector<16x128xf32>, vector<16x128xf32>, vector<16x128xf32>, vector<16x128xf32>, vector<16x128xf32> -> vector<128x128xf32>
    %mul3A = arith.constant 1.250000e-01 : f32
    %mul3A_2 = vector.broadcast %mul3A : f32 to vector<128x128xf32>
    %mul3A_3 = arith.mulf %tile3A, %mul3A_2 : vector<128x128xf32>
    %get3A_4 = arith.constant 0 : index
    %get3A_5 = arith.constant 0 : index
    %get3A_6 = vector.load %arg1[%get3A_4, %get3A_5] : memref<10000x128xf32, #tpu.memory_space<vmem>>, vector<10000x128xf32>
    %dot_general3A = arith.constant dense<0.000000e+00> : vector<10000x128xf32>
    %dot_general3A_7 = tpu.matmul %get3A_6, %mul3A_3, %dot_general3A {dimension_numbers = #tpu.dot_dimension_numbers<[1], [0], [0], [1], [0, 0, 1, 1], [], []>, transpose_lhs_hint = false} : vector<10000x128xf32>, vector<128x128xf32>, vector<10000x128xf32> -> vector<10000x128xf32>
    %get3A_8 = arith.constant 0 : index
    %get3A_9 = arith.constant 0 : index
    %get3A_10 = vector.load %arg3[%get3A_8, %get3A_9] : memref<1x128xf32, #tpu.memory_space<vmem>>, vector<1x128xf32>
    %add3A = vector.broadcast %get3A_10 : vector<1x128xf32> to vector<10000x128xf32>
    %add3A_11 = arith.addf %dot_general3A_7, %add3A : vector<10000x128xf32>
    %get3A_12 = arith.constant 0 : index
    %get3A_13 = arith.constant 0 : index
    %get3A_14 = arith.constant 0 : index
    %get3A_15 = vector.load %arg0[%get3A_12, %get3A_13, %get3A_14] : memref<4x2500x2xf32, #tpu.memory_space<vmem>>, vector<4x2500x2xf32>
    %reduce_sum3A = arith.constant dense<0.000000e+00> : vector<4x2xf32>
    %reduce_sum3A_16 = vector.multi_reduction <add>, %get3A_15, %reduce_sum3A [1] : vector<4x2500x2xf32> to vector<4x2xf32>
    %broadcast_in_dim3A = vector.shape_cast %reduce_sum3A_16 : vector<4x2xf32> to vector<4x1x2xf32>
    %div3A = arith.constant 2.500000e+03 : f32
    %div3A_17 = vector.broadcast %div3A : f32 to vector<4x1x2xf32>
    %div3A_18 = arith.divf %broadcast_in_dim3A, %div3A_17 : vector<4x1x2xf32>
    %sub3A = vector.broadcast %div3A_18 : vector<4x1x2xf32> to vector<4x2500x2xf32>
    %sub3A_19 = arith.subf %get3A_15, %sub3A : vector<4x2500x2xf32>
    %sub3A_20 = arith.constant 1.000000e+00 : f32
    %sub3A_21 = vector.broadcast %sub3A_20 : f32 to vector<4x2500x2xf32>
    %sub3A_22 = arith.subf %sub3A_19, %sub3A_21 : vector<4x2500x2xf32>
    %reshape3A = vector.shape_cast %sub3A_22 : vector<4x2500x2xf32> to vector<10000x2xf32>
    %get3A_23 = arith.constant 0 : index
    %get3A_24 = arith.constant 0 : index
    %get3A_25 = vector.load %arg4[%get3A_23, %get3A_24] : memref<130x128xf32, #tpu.memory_space<vmem>>, vector<128x128xf32>
    %dot_general3A_26 = arith.constant dense<0.000000e+00> : vector<10000x128xf32>
    %dot_general3A_27 = tpu.matmul %add3A_11, %get3A_25, %dot_general3A_26 {dimension_numbers = #tpu.dot_dimension_numbers<[1], [0], [0], [1], [0, 0, 1, 1], [], []>, transpose_lhs_hint = false} : vector<10000x128xf32>, vector<128x128xf32>, vector<10000x128xf32> -> vector<10000x128xf32>
    %slice3A = vector.extract_strided_slice %reshape3A {offsets = [0, 0], sizes = [10000, 1], strides = [1, 1]} : vector<10000x2xf32> to vector<10000x1xf32>
    %get3A_28 = arith.constant 128 : index
    %get3A_29 = arith.constant 0 : index
    %get3A_30 = vector.load %arg4[%get3A_28, %get3A_29] : memref<130x128xf32, #tpu.memory_space<vmem>>, vector<1x128xf32>
    %mul3A_31 = vector.broadcast %slice3A : vector<10000x1xf32> to vector<10000x128xf32>
    %mul3A_32 = vector.broadcast %get3A_30 : vector<1x128xf32> to vector<10000x128xf32>
    %mul3A_33 = arith.mulf %mul3A_31, %mul3A_32 : vector<10000x128xf32>
    %add3A_34 = arith.addf %dot_general3A_27, %mul3A_33 : vector<10000x128xf32>
    %slice3A_35 = vector.extract_strided_slice %reshape3A {offsets = [0, 1], sizes = [10000, 1], strides = [1, 1]} : vector<10000x2xf32> to vector<10000x1xf32>
    %get3A_36 = arith.constant 129 : index
    %get3A_37 = arith.constant 0 : index
    %get3A_38 = vector.load %arg4[%get3A_36, %get3A_37] : memref<130x128xf32, #tpu.memory_space<vmem>>, vector<1x128xf32>
    %mul3A_39 = vector.broadcast %slice3A_35 : vector<10000x1xf32> to vector<10000x128xf32>
    %mul3A_40 = vector.broadcast %get3A_38 : vector<1x128xf32> to vector<10000x128xf32>
    %mul3A_41 = arith.mulf %mul3A_39, %mul3A_40 : vector<10000x128xf32>
    %add3A_42 = arith.addf %add3A_34, %mul3A_41 : vector<10000x128xf32>
    %get3A_43 = arith.constant 0 : index
    %get3A_44 = arith.constant 0 : index
    %get3A_45 = vector.load %arg5[%get3A_43, %get3A_44] : memref<1x128xf32, #tpu.memory_space<vmem>>, vector<1x128xf32>
    %add3A_46 = vector.broadcast %get3A_45 : vector<1x128xf32> to vector<10000x128xf32>
    %add3A_47 = arith.addf %add3A_42, %add3A_46 : vector<10000x128xf32>
    %swap3A = arith.constant 0 : index
    %swap3A_48 = arith.constant 0 : index
    %swap3A_49 = vector.load %arg6[%swap3A, %swap3A_48] : memref<10000x128xf32, #tpu.memory_space<vmem>>, vector<10000x128xf32>
    tpu.vector_store %arg6[%swap3A, %swap3A_48], %add3A_47 {strides = array<i32>} : memref<10000x128xf32, #tpu.memory_space<vmem>>, vector<10000x128xf32>,
    return
  }
}

module attributes {stable_mosaic.version = 14 : i64} {
  func.func @body(%arg0: i32, %arg1: memref<2x2000x128xf32, #tpu.memory_space<vmem>>, %arg2: memref<2000x128xf32, #tpu.memory_space<vmem>>, %arg3: memref<128x128xf32, #tpu.memory_space<vmem>>, %arg4: memref<1x128xf32, #tpu.memory_space<vmem>>, %arg5: memref<2000x128xf32, #tpu.memory_space<vmem>>) attributes {dimension_semantics = [#tpu.dimension_semantics<arbitrary>], iteration_bounds = array<i64: 5>, scalar_prefetch = 0 : i64, scratch_operands = 0 : i64, tpu.core_type = #tpu.core_type<tc>, window_params = [{transform_indices = @transform_0, window_bounds = array<i64: 2, 2000, 128>}, {transform_indices = @transform_1, window_bounds = array<i64: 2000, 128>}, {pipeline_mode = #tpu.pipeline_mode<synchronous>, transform_indices = @transform_2, window_bounds = array<i64: 128, 128>}, {pipeline_mode = #tpu.pipeline_mode<synchronous>, transform_indices = @transform_3, window_bounds = array<i64: 1, 128>}, {transform_indices = @transform_4, window_bounds = array<i64: 2000, 128>}]} {
    %get3A = arith.constant 0 : index
    %get3A_0 = arith.constant 0 : index
    %get3A_1 = arith.constant 0 : index
    %get3A_2 = vector.load %arg1[%get3A, %get3A_0, %get3A_1] : memref<2x2000x128xf32, #tpu.memory_space<vmem>>, vector<1x2000x128xf32>
    %get3A_3 = vector.shape_cast %get3A_2 : vector<1x2000x128xf32> to vector<2000x128xf32>
    %get3A_4 = arith.constant 1 : index
    %get3A_5 = arith.constant 0 : index
    %get3A_6 = arith.constant 0 : index
    %get3A_7 = vector.load %arg1[%get3A_4, %get3A_5, %get3A_6] : memref<2x2000x128xf32, #tpu.memory_space<vmem>>, vector<1x2000x128xf32>
    %get3A_8 = vector.shape_cast %get3A_7 : vector<1x2000x128xf32> to vector<2000x128xf32>
    %add3A = arith.addf %get3A_3, %get3A_8 : vector<2000x128xf32>
    %get3A_9 = arith.constant 0 : index
    %get3A_10 = arith.constant 0 : index
    %get3A_11 = vector.load %arg3[%get3A_9, %get3A_10] : memref<128x128xf32, #tpu.memory_space<vmem>>, vector<128x128xf32>
    %dot_general3A = arith.constant dense<0.000000e+00> : vector<2000x128xf32>
    %dot_general3A_12 = tpu.matmul %add3A, %get3A_11, %dot_general3A {dimension_numbers = #tpu.dot_dimension_numbers<[1], [0], [0], [1], [0, 0, 1, 1], [], []>, transpose_lhs_hint = false} : vector<2000x128xf32>, vector<128x128xf32>, vector<2000x128xf32> -> vector<2000x128xf32>
    %get3A_13 = arith.constant 0 : index
    %get3A_14 = arith.constant 0 : index
    %get3A_15 = vector.load %arg4[%get3A_13, %get3A_14] : memref<1x128xf32, #tpu.memory_space<vmem>>, vector<1x128xf32>
    %add3A_16 = vector.broadcast %get3A_15 : vector<1x128xf32> to vector<2000x128xf32>
    %add3A_17 = arith.addf %dot_general3A_12, %add3A_16 : vector<2000x128xf32>
    %max3A = arith.constant 0.000000e+00 : f32
    %max3A_18 = vector.broadcast %max3A : f32 to vector<2000x128xf32>
    %max3A_19 = arith.maximumf %add3A_17, %max3A_18 : vector<2000x128xf32>
    %get3A_20 = arith.constant 0 : index
    %get3A_21 = arith.constant 0 : index
    %get3A_22 = vector.load %arg2[%get3A_20, %get3A_21] : memref<2000x128xf32, #tpu.memory_space<vmem>>, vector<2000x128xf32>
    %add3A_23 = arith.addf %max3A_19, %get3A_22 : vector<2000x128xf32>
    %swap3A = arith.constant 0 : index
    %swap3A_24 = arith.constant 0 : index
    %swap3A_25 = vector.load %arg5[%swap3A, %swap3A_24] : memref<2000x128xf32, #tpu.memory_space<vmem>>, vector<2000x128xf32>
    tpu.vector_store %arg5[%swap3A, %swap3A_24], %add3A_23 {strides = array<i32>} : memref<2000x128xf32, #tpu.memory_space<vmem>>, vector<2000x128xf32>,
    return
  }
  func.func @transform_0(%arg0: i32) -> (i32, i32, i32) {
    %c0_i32 = arith.constant 0 : i32
    %c0_i32_0 = arith.constant 0 : i32
    %c0_i32_1 = arith.constant 0 : i32
    return %c0_i32, %arg0, %c0_i32_0 : i32, i32, i32
  }
  func.func @transform_1(%arg0: i32) -> (i32, i32) {
    %c0_i32 = arith.constant 0 : i32
    %c0_i32_0 = arith.constant 0 : i32
    return %arg0, %c0_i32 : i32, i32
  }
  func.func @transform_2(%arg0: i32) -> (i32, i32) {
    %c0_i32 = arith.constant 0 : i32
    %c0_i32_0 = arith.constant 0 : i32
    %c0_i32_1 = arith.constant 0 : i32
    return %c0_i32, %c0_i32_0 : i32, i32
  }
  func.func @transform_3(%arg0: i32) -> (i32, i32) {
    %c0_i32 = arith.constant 0 : i32
    %c0_i32_0 = arith.constant 0 : i32
    %c0_i32_1 = arith.constant 0 : i32
    return %c0_i32, %c0_i32_0 : i32, i32
  }
  func.func @transform_4(%arg0: i32) -> (i32, i32) {
    %c0_i32 = arith.constant 0 : i32
    %c0_i32_0 = arith.constant 0 : i32
    return %arg0, %c0_i32 : i32, i32
  }
}

</mosaic_0001>

<sc_bundles>
// kernel: kernel.12.cloned.1.call-start
scs
__scs_entry_jumppad:
0x0: {  	(pc) =	sbr.rel $0x88, $3  }
0x1: {  	(tag) =	ssettag $0x0;
	lr =	simm.s32 $0x1  }
0x2: {  	[smem:$0x3F94] =	sst lr;
	_ =	strace $0xD0000000  }
0x3: {  	_ = 	snop  }
0x4: {  	_ = 	snop  }
0x5: {  	_ = 	snop  }
0x6: {  	_ = 	snop  }
0x7: {  	_ = 	snop  }
__scs_overlays_trampoline_lowered:
0x8: {  	[smem:$0x3FA3] =	sst s0  }
0x9: {  	[smem:$0x3FA4] =	sst s1  }
0xa: {  	[smem:$0x3FA5] =	sst s2  }
0xb: {  	[smem:$0x3FA6] =	sst s3  }
0xc: {  	[smem:$0x3FA7] =	sst s4  }
0xd: {  	[smem:$0x3FA8] =	sst s5  }
0xe: {  	[smem:$0x3FA9] =	sst s6  }
0xf: {  	[smem:$0x3FAA] =	sst s7  }
0x10: {  	[smem:$0x3FAB] =	sst s8  }
0x11: {  	[smem:$0x3FAC] =	sst s9;
	s0 =	simm.s32 @!p0 $0x0  }
0x12: {  	s1 =	sld [smem:$0x3F92];
	s0 =	simm.s32 @p0 $0x1  }
0x13: {  	[smem:$0x3FAD] =	sst s0;
	s0 =	simm.s32 @!p1 $0x0  }
0x14: {  	s2 =	sld [smem:$0x3F91];
	s0 =	simm.s32 @p1 $0x1  }
0x15: {  	[smem:$0x3FAE] =	sst s0;
	s0 =	simm.s32 @!p2 $0x0  }
0x16: {  	s3 =	sld [smem:$0x3FDB];
	s0 =	simm.s32 @p2 $0x1  }
0x17: {  	s4 =	simm.s32 $0x1BF5;
	[smem:$0x3FB0] =	sst s0  }
0x18: {  	s0 =	sld [smem:$0x3F93];
	_ =	swait.ge [sflag:s4], $0x0  }
0x19: {  	s7 =	sld [smem:$0x3F94]  }
0x1a: {  	s8 =	sadd.s32 $0xFFFFE003, lr  }
0x1b: {  	s9 =	sadd.s32 $0xFFFFFEF7, lr;
	s5 =	simm.s32 $0xFFFFFFFF;
	p2 =	slt.u32 s8, $0xFFFFF086  }
0x1c: {  	p1 =	slt.u32 s9, $0xF7A;
	s5 =	simm.s32 @!p2 $0x0  }
0x1d: {  	s5 =	simm.s32 @p1 $0x1;
	p0 =	seq.s32 s7, s2  }
0x1e: {  	s7 =	smul.u32 @!p0 $0xF7A, s2;
	p2 =	seq.s32 @!p0 s5, $0x0  }
0x1f: {  	s9 =	smul.u32 $0xF7A, s1;
	s8 =	simm.s32 @!p0 $0x1BF5;
	p2 =	por !p2, p0  }
0x20: {  	[sflag:s8] =	ssyncset.s32 @!p0 $0xFFFFF086;
	s6 =	sadd.s32 @!p0 s3, s7;
	s7 =	simm.s32 @!p0 $0x108  }
0x21: {  	s3 =	sadd.s32 s3, s9;
	s6 =	sadd.s32 @!p0 $0x88, s6;
	s7 =	simm.s32 @p2 $0x1082  }
0x22: {  	[simem:s7], [sflag:s8] =	dma.local @!p0 [hbm:s6], $0xF7A  }
0x23: {  	s9 =	sor.u32 $0xD0000000, s2;
	s6 =	simm.s32 $0x108;
	_ =	swait.ge @!p0 [sflag:s8], $0x0  }
0x24: {  	s3 =	sadd.s32 $0x88, s3;
	s6 =	simm.s32 @!p1 $0x1082;
	[sflag:s4] =	ssyncset.s32 $0xFFFFF086  }
0x25: {  	[simem:s6], [sflag:s4] =	dma.local [hbm:s3], $0xF7A  }
0x26: {  	[smem:$0x3F94] =	sst s1;
	(tag) =	ssettag s2;
	_ =	strace s9  }
0x27: {  	s1 =	sld [smem:$0x3FA4]  }
0x28: {  	s2 =	sld [smem:$0x3FA5]  }
0x29: {  	s4 =	sld [smem:$0x3FA7]  }
0x2a: {  	p0 =	seq.s32 s5, $0x0;
	s5 =	sld [smem:$0x3FA8]  }
0x2b: {  	s6 =	sld [smem:$0x3FA9]  }
0x2c: {  	s7 =	sld [smem:$0x3FAA]  }
0x2d: {  	s3 =	simm.s32 $0x108;
	s8 =	sld [smem:$0x3FAB]  }
0x2e: {  	s3 =	simm.s32 @!p0 $0x1082;
	s9 =	sld [smem:$0x3FAC]  }
0x2f: {  	lr =	sadd.s32 s0, s3;
	s0 =	sld [smem:$0x3FA3]  }
0x30: {  	s3 =	sld [smem:$0x3FA6]  }
0x31: {  	[smem:$0x3FAF] =	sst s10  }
0x32: {  	s10 =	sld [smem:$0x3FAD];
	_ =	sdelay $0x3  }
0x33: {  	p0 =	seq.s32 s10, $0x1;
	s10 =	sld [smem:$0x3FAF];
	_ =	sdelay $0x3  }
0x34: {  	[smem:$0x3FAF] =	sst s10  }
0x35: {  	s10 =	sld [smem:$0x3FAE];
	_ =	sdelay $0x3  }
0x36: {  	p1 =	seq.s32 s10, $0x1;
	s10 =	sld [smem:$0x3FAF];
	_ =	sdelay $0x3  }
0x37: {  	[smem:$0x3FAF] =	sst s10  }
0x38: {  	s10 =	sld [smem:$0x3FB0]  }
0x39: {  	_ = 	snop;
	(pc) =	sbr.ind lr, $3  }
0x3a: {  	_ = 	snop  }
0x3b: {  	_ = 	snop  }
0x3c: {  	p2 =	seq.s32 s10, $0x1;
	s10 =	sld [smem:$0x3FAF]  }
0x3d: {  	_ =	shalt  }
0x3e: {  	_ =	shalt  }
0x3f: {  	_ =	shalt  }
0x40: {  	_ =	shalt  }
0x41: {  	_ =	shalt  }
0x42: {  	_ =	shalt  }
0x43: {  	_ =	shalt  }
0x44: {  	_ =	shalt  }
0x45: {  	_ =	shalt  }
0x46: {  	_ =	shalt  }
0x47: {  	_ =	shalt  }
0x48: {  	_ =	shalt  }
0x49: {  	_ =	shalt  }
0x4a: {  	_ =	shalt  }
0x4b: {  	_ =	shalt  }
0x4c: {  	_ =	shalt  }
0x4d: {  	_ =	shalt  }
0x4e: {  	_ =	shalt  }
0x4f: {  	_ =	shalt  }
0x50: {  	_ =	shalt  }
0x51: {  	_ =	shalt  }
0x52: {  	_ =	shalt  }
0x53: {  	_ =	shalt  }
0x54: {  	_ =	shalt  }
0x55: {  	_ =	shalt  }
0x56: {  	_ =	shalt  }
0x57: {  	_ =	shalt  }
0x58: {  	_ =	shalt  }
0x59: {  	_ =	shalt  }
0x5a: {  	_ =	shalt  }
0x5b: {  	_ =	shalt  }
0x5c: {  	_ =	shalt  }
0x5d: {  	_ =	shalt  }
0x5e: {  	_ =	shalt  }
0x5f: {  	_ =	shalt  }
0x60: {  	_ =	shalt  }
0x61: {  	_ =	shalt  }
0x62: {  	_ =	shalt  }
0x63: {  	_ =	shalt  }
0x64: {  	_ =	shalt  }
0x65: {  	_ =	shalt  }
0x66: {  	_ =	shalt  }
0x67: {  	_ =	shalt  }
0x68: {  	_ =	shalt  }
0x69: {  	_ =	shalt  }
0x6a: {  	_ =	shalt  }
0x6b: {  	_ =	shalt  }
0x6c: {  	_ =	shalt  }
0x6d: {  	_ =	shalt  }
0x6e: {  	_ =	shalt  }
0x6f: {  	_ =	shalt  }
0x70: {  	_ =	shalt  }
0x71: {  	_ =	shalt  }
0x72: {  	_ =	shalt  }
0x73: {  	_ =	shalt  }
0x74: {  	_ =	shalt  }
0x75: {  	_ =	shalt  }
0x76: {  	_ =	shalt  }
0x77: {  	_ =	shalt  }
0x78: {  	_ =	shalt  }
0x79: {  	_ =	shalt  }
0x7a: {  	_ =	shalt  }
0x7b: {  	_ =	shalt  }
0x7c: {  	_ =	shalt  }
0x7d: {  	_ =	shalt  }
0x7e: {  	_ =	shalt  }
0x7f: {  	_ =	shalt  }
0x80: {  	_ =	shalt  }
0x81: {  	_ =	shalt  }
0x82: {  	_ =	shalt  }
0x83: {  	_ =	shalt  }
0x84: {  	_ =	shalt  }
0x85: {  	_ =	shalt  }
0x86: {  	_ =	shalt  }
0x87: {  	_ =	shalt  }
.Lfunc_end0:
.L_simem_size_0:
called_computation.1_lowered:
.L_overlay_start_0:
0x88: {  	s2 =	sld [smem:$0x3FD9]  }
0x89: {  	s3 =	sld [smem:$0x3FFE];
	_ =	sdelay $0x1  }
0x8a: {  	s1 =	srdreg.scid  }
0x8b: {  	s0 =	sand.u32 $0x1, s1  }
0x8c: {  	s17 =	sshll.u32 s0, $0xA;
	s2 =	sadd.s32 s3, s2  }
0x8d: {  	s2 =	sadd.s32 s2, s17  }
0x8e: {  	[smem:$0x3FBB] =	sst s2  }
0x8f: {  	_ = 	snop  }
0x90: {  	s2 =	sld [smem:$0x3FD0];
	(tm) =	ssettm $0x1  }
0x91: {  	s18 =	sld [smem:$0x3FFB];
	_ =	sdelay $0x3  }
0x92: {  	_ =	strace s18  }
0x93: {  	s3 =	sld [smem:$0x3FFC];
	_ =	sdelay $0x3  }
0x94: {  	_ =	strace s3  }
0x95: {  	s3 =	sld [smem:$0x3FFD];
	_ =	sdelay $0x3  }
0x96: {  	_ =	strace s3  }
0x97: {  	_ =	strace $0x8FFFFFFF  }
0x98: {  	s19 =	sld [smem:$0x3FDB];
	_ =	sdelay $0x1  }
0x99: {  	s4 =	simm.s32 $_scs_section_size  }
0x9a: {  	s5 =	simm.s32 $_size__tile_overlayer_lowered;
	s6 =	simm.s32 $_tile_overlayer_lowered  }
0x9b: {  	s22 =	simm.s32 $0x1BFF;
	s21 =	sshll.u32 s6, $0x1;
	s3 =	sadd.s32 s4, s19  }
0x9c: {  	s7 =	simm.s32 $0x0;
	s20 =	sshll.u32 s5, $0x1;
	s5 =	sadd.s32 s21, s3  }
0x9d: {  	[timem:s7], [sflag:s22] =	dma.local [hbm:s5], s20  }
0x9e: {  	_ =	swait.ge [sflag:s22], s20  }
0x9f: {  	s4 =	ssub.s32 $0x0, s20;
	[sflag:s22] =	ssyncset.done $0x0  }
0xa0: {  	[sflag:s22] =	ssyncadd.s32 s4;
	_ =	sdelay $0x1  }
0xa1: {  	s23 =	simm.s32 $0x1B8B  }
0xa2: {  	_ =	swait.ge [sflag:s23], $0x1  }
0xa3: {  	[sflag:s23] =	ssyncset.done $0x0  }
0xa4: {  	s25 =	simm.s32 $0x1B8E;
	s24 =	sld [smem:$0x3FFE];
	[sflag:s23] =	ssyncadd.s32 $0xFFFFFFFF  }
0xa5: {  	s26 =	simm.s32 $execute0_lowered;
	[smem:$0x3FD2] =	sst s25  }
0xa6: {  	s5 =	sshll.u32 s26, $0x1;
	_ =	strace $0x80000049;
	[dreg:$0x1] =	wrdreg $0xFFFFFFFF  }
0xa7: {  	s28 =	simm.s32 $_size_execute0_lowered;
	s3 =	sadd.s32 s3, s5;
	[dreg:$0x0] =	wrdreg $0x0  }
0xa8: {  	s5 =	sshll.u32 s28, $0x1;
	[dreg:$0x2] =	wrdreg s3  }
0xa9: {  	[dreg:$0x3] =	wrdreg s5  }
0xaa: {  	[dreg:$0x4] =	wrdreg $0xC0  }
0xab: {  	_ =	task [dreg:s7], $0x5FFFF  }
0xac: {  	[dreg:$0x1] =	wrdreg $0xFFFFFFFF  }
0xad: {  	[dreg:$0x0] =	wrdreg $0x60  }
0xae: {  	[dreg:$0x2] =	wrdreg s2  }
0xaf: {  	[dreg:$0x3] =	wrdreg s24  }
0xb0: {  	[dreg:$0x4] =	wrdreg $0xA4000  }
0xb1: {  	[dreg:$0x5] =	wrdreg $0x9  }
0xb2: {  	_ =	task.clear_ibuf [dreg:s7], $0x6FFFF;
	_ =	strace $0x90000049  }
0xb3: {  	s29 =	simm.s32 $0x9;
	_ =	strace $0x8000004B  }
0xb4: {  	_ =	swait.ge [sflag:s29], $0x1  }
0xb5: {  	[sflag:s29] =	ssyncadd.s32 $0xFFFFFFFF  }
0xb6: {  	_ =	strace $0x9000004B  }
0xb7: {  	_ =	sfence  }
0xb8: {  	s30 =	sld [smem:$0x0];
	_ =	sdelay $0x2  }
0xb9: {  	s31 =	sshll.u32 s1, $0xD;
	s1 =	sshrl.u32 s1, $0x2  }
0xba: {  	s3 =	sand.u32 $0x4000, s31;
	s1 =	sadd.s32 s1, s30  }
0xbb: {  	s0 =	sor.u32 s3, s0;
	s1 =	sshll.u32 s1, $0x11  }
0xbc: {  	s0 =	sor.u32 s1, s0  }
0xbd: {  	s0 =	sadd.s32 $0x8F2B, s0  }
0xbe: {  	[sflag:s0] =	ssyncadd.remote.s32 $0x1  }
0xbf: {  	_ =	sfence.sel $0xFFFF  }
0xc0: {  	[dreg:$0x0] =	wrdreg $0xFFFFFFFF;
	(pc) =	sbr.abs _section_cstart, $3  }
0xc1: {  	[dreg:$0x1] =	wrdreg $0xFFFFFFFF  }
0xc2: {  	_ =	task.clear_ibuf [dreg:s7], $0x2FFFF;
	_ =	strace $0x9FFFFFFF  }
0xc3: {  	(tm) =	ssettm $0x7FFFFFFF  }
tec
execute0_lowered:
.L_overlay_start_1:
0x0: {  	(tag) =	ssettag $0x1  }
0x1: {  	s1 =	rddreg [dreg:$0x0]  }
0x2: {  	s0 =	rddreg [dreg:$0x1]  }
0x3: {  	s2 =	rddreg [dreg:$0x2];
	s3 =	srdreg.scid  }
0x4: {  	s4 =	simm.s32 $0x0;
	s10 =	stileid.u32;
	s28 =	simm.s32 $0x1  }
0x5: {  	s29 =	simm.s32 $0x80;
	s30 =	simm.s32 $0x400;
	s6 =	smul.u32 $0x14000, s10  }
0x6: {  	s31 =	simm.s32 $0x2;
	s11 =	simm.s32 $0x280;
	s13 =	smul.u32 $0x50000, s10  }
0x7: {  	s3 =	sand.u32 $0x1, s3;
	[smem:$0x7FF] =	sst s4;
	s25 =	smul.u32 $0xA00, s10  }
0x8: {  	s7 =	sadd.s32 $0x2E00, s0;
	s5 =	smul.u32 $0x140000, s3;
	s8 =	sshll.u32 s3, $0x4  }
0x9: {  	_ =	strace $0x8000004A;
	s9 =	ssub.s32 $0x2, s3;
	s12 =	sor.u32 s10, s8  }
0xa: {  	s14 =	sshrl.u32 s9, $0x1;
	s5 =	sadd.s32 s6, s5;
	s6 =	smul.u32 $0xA00, s12  }
0xb: {  	s22 =	smul.u32 $0xA000, s3;
	s3 =	simm.s32 $0x5;
	s9 =	ssub.s32 s9, s14  }
0xc: {  	s8 =	sshrl.u32 s13, $0x2;
	s18 =	smax.u32 s9, $0x1;
	s6 =	sadd.s32 s7, s6  }
0xd: {  	s10 =	simm.s32 $0x4;
	[dreg:$0x8] =	wrdreg s18;
	s15 =	sadd.s32 $0x20, s6  }
0xe: {  	s5 =	sshrl.u32 s5, $0x3;
	s16 =	sadd.s32 $0x40, s6;
	[dreg:$0x4] =	wrdreg s15  }
0xf: {  	s0 =	sadd.s32 s5, s0;
	s17 =	sadd.s32 $0x60, s6;
	[dreg:$0x5] =	wrdreg s16  }
0x10: {  	s5 =	sadd.s32 s8, s2;
	s0 =	sadd.s32 $0x16E00, s0;
	[dreg:$0x6] =	wrdreg s17  }
0x11: {  	s13 =	simm.s32 $0x0;
	s19 =	sadd.s32 $0x2000, s5;
	[dreg:$0x7] =	wrdreg s0  }
0x12: {  	s12 =	simm.s32 $0x380;
	s20 =	sadd.s32 $0x4000, s5;
	[dreg:$0x9] =	wrdreg s19  }
0x13: {  	s9 =	simm.s32 $0x180;
	s21 =	sadd.s32 $0x6000, s5;
	[dreg:$0xa] =	wrdreg s20  }
0x14: {  	s8 =	simm.s32 $0x6;
	s23 =	sadd.s32 $0x8000, s5;
	[dreg:$0xb] =	wrdreg s21  }
0x15: {  	s24 =	sadd.s32 $0xA000, s5;
	s26 =	sadd.s32 $0xC000, s5;
	[dreg:$0xc] =	wrdreg s23  }
.Ltmp0:
0x16: {  	s18 =	sadd.s32 $0xE000, s5;
	[dreg:$0xd] =	wrdreg s24;
	(pc) =	sbr.rel .LBB2_1-.Ltmp0, $4  }
0x17: {  	[dreg:$0xe] =	wrdreg s26;
	s0 =	sadd.s32 s22, s7;
	s19 =	sadd.s32 $0x10000, s5  }
0x18: {  	s20 =	sadd.s32 $0x12000, s5;
	s22 =	simm.s32 $0x8400;
	s23 =	simm.s32 $0x7  }
0x19: {  	s24 =	simm.s32 $0x100;
	s26 =	simm.s32 $0x300;
	s7 =	simm.s32 $0x3  }
0x1a: {  	v0 =	vimm.f32 $0.0e+00;
	s21 =	sadd.s32 s25, s0;
	s25 =	simm.s32 $0x200;
	s0 =	simm.s32 $0x4400  }
.LBB2_6:
0x1b: {  	_ =	swait.ge [sflag:s8], $0x4000  }
0x1c: {  	[sflag:s8] =	ssyncset.done $0x0  }
0x1d: {  	[sflag:s8] =	ssyncadd.s32 $0xFFFFC000  }
0x1e: {  	[spmem:s2] =	stream.indirect.scatter.add.f32 [tilespmem:s0], [sflag:$0x7], $0x80, s12, s29, $0xb8;
	[tilespmem:$0x1E400] =	vst v63  }
0x1f: {  	_ =	swait.ge [sflag:s23], $0x4000  }
0x20: {  	[sflag:s23] =	ssyncset.done $0x0  }
0x21: {  	s14 =	stileid.u32;
	[sflag:s23] =	ssyncadd.s32 $0xFFFFC000  }
0x22: {  	s14 =	sshll.u32 s14, $0x6;
	[bflag:$0x0] =	sbarrier.arrive $0xFFFF  }
0x23: {  	s15 =	sshrl.u32 s5, $0x3;
	s14 =	sor.u32 $0x1C07, s14;
	s16 =	rddreg [dreg:$0x7]  }
0x24: {  	[hbm:s16], [sflag:s14] =	dma.local [spmem:s15], $0x2800  }
0x25: {  	_ =	swait.ge [sflag:s23], $0x2800  }
0x26: {  	s13 =	sadd.s32 $0x1, s13;
	s17 =	rddreg [dreg:$0x8]  }
0x27: {  	p0 =	sne.s32 s13, s17  }
.Ltmp1:
0x28: {  	_ = 	snop;
	(pc) =	sbr.rel @!p0 .LBB2_7-.Ltmp1, $3  }
0x29: {  	_ =	sdelay $0x1  }
0x2a: {  	[sflag:s23] =	ssyncset.done $0x0  }
0x2b: {  	[sflag:s23] =	ssyncadd.s32 $0xFFFFD800  }
.LBB2_1:
0x2c: {  	s14 =	simm.s32 $0x0;
	s15 =	simm.s32 $0x200  }
.LBB2_2:
0x2d: {  	p0 =	sne.s32 s15, $0x7E00;
	[tilespmem:s14+$0x8470] =	vst v0  }
0x2e: {  	[tilespmem:s14+$0x8400] =	vst v0  }
0x2f: {  	[tilespmem:s14+$0x8410] =	vst v0  }
.Ltmp2:
0x30: {  	[tilespmem:s14+$0x8420] =	vst v0;
	(pc) =	sbr.rel @p0 .LBB2_2-.Ltmp2, $4  }
0x31: {  	[tilespmem:s14+$0x8430] =	vst v0  }
0x32: {  	[tilespmem:s14+$0x8440] =	vst v0  }
0x33: {  	[tilespmem:s14+$0x8450] =	vst v0  }
0x34: {  	[tilespmem:s14+$0x8460] =	vst v0;
	s14 =	sshra.s32 s15, $0x2;
	s15 =	sadd.s32 $0x200, s15  }
0x35: {  	[tilespmem:s14+$0x8470] =	vst v0  }
0x36: {  	[tilespmem:s14+$0x8400] =	vst v0  }
0x37: {  	[tilespmem:s14+$0x8410] =	vst v0  }
0x38: {  	[tilespmem:s14+$0x8420] =	vst v0  }
0x39: {  	[tilespmem:s14+$0x8430] =	vst v0  }
0x3a: {  	[tilespmem:s14+$0x8440] =	vst v0  }
0x3b: {  	[tilespmem:s14+$0x8450] =	vst v0  }
0x3c: {  	[tilespmem:s14+$0x8460] =	vst v0  }
0x3d: {  	[spmem:s5] =	stream.linear.scatter [tilespmem:s22], [sflag:$0x7], $0x2000, $0x38;
	[tilespmem:$0x1E400] =	vst v63  }
0x3e: {  	_ =	swait.ge [sflag:s23], $0x2000  }
0x3f: {  	[sflag:s23] =	ssyncset.done $0x0  }
0x40: {  	s16 =	rddreg [dreg:$0x9];
	[sflag:s23] =	ssyncadd.s32 $0xFFFFE000  }
0x41: {  	[spmem:s16] =	stream.linear.scatter [tilespmem:s22], [sflag:$0x7], $0x2000, $0x38;
	[tilespmem:$0x1E400] =	vst v63  }
0x42: {  	_ =	swait.ge [sflag:s23], $0x2000  }
0x43: {  	[sflag:s23] =	ssyncset.done $0x0  }
0x44: {  	s17 =	rddreg [dreg:$0xa];
	[sflag:s23] =	ssyncadd.s32 $0xFFFFE000  }
0x45: {  	[spmem:s17] =	stream.linear.scatter [tilespmem:s22], [sflag:$0x7], $0x2000, $0x38;
	[tilespmem:$0x1E400] =	vst v63  }
0x46: {  	_ =	swait.ge [sflag:s23], $0x2000  }
0x47: {  	[sflag:s23] =	ssyncset.done $0x0  }
0x48: {  	s15 =	rddreg [dreg:$0xb];
	[sflag:s23] =	ssyncadd.s32 $0xFFFFE000  }
0x49: {  	[spmem:s15] =	stream.linear.scatter [tilespmem:s22], [sflag:$0x7], $0x2000, $0x38;
	[tilespmem:$0x1E400] =	vst v63  }
0x4a: {  	_ =	swait.ge [sflag:s23], $0x2000  }
0x4b: {  	[sflag:s23] =	ssyncset.done $0x0  }
0x4c: {  	s16 =	rddreg [dreg:$0xc];
	[sflag:s23] =	ssyncadd.s32 $0xFFFFE000  }
0x4d: {  	[spmem:s16] =	stream.linear.scatter [tilespmem:s22], [sflag:$0x7], $0x2000, $0x38;
	[tilespmem:$0x1E400] =	vst v63  }
0x4e: {  	_ =	swait.ge [sflag:s23], $0x2000  }
0x4f: {  	[sflag:s23] =	ssyncset.done $0x0  }
0x50: {  	s17 =	rddreg [dreg:$0xd];
	[sflag:s23] =	ssyncadd.s32 $0xFFFFE000  }
0x51: {  	[spmem:s17] =	stream.linear.scatter [tilespmem:s22], [sflag:$0x7], $0x2000, $0x38;
	[tilespmem:$0x1E400] =	vst v63  }
0x52: {  	_ =	swait.ge [sflag:s23], $0x2000  }
0x53: {  	[sflag:s23] =	ssyncset.done $0x0  }
0x54: {  	s15 =	rddreg [dreg:$0xe];
	[sflag:s23] =	ssyncadd.s32 $0xFFFFE000  }
0x55: {  	[spmem:s15] =	stream.linear.scatter [tilespmem:s22], [sflag:$0x7], $0x2000, $0x38;
	[tilespmem:$0x1E400] =	vst v63  }
0x56: {  	_ =	swait.ge [sflag:s23], $0x2000  }
0x57: {  	[sflag:s23] =	ssyncset.done $0x0  }
0x58: {  	[sflag:s23] =	ssyncadd.s32 $0xFFFFE000  }
0x59: {  	[spmem:s18] =	stream.linear.scatter [tilespmem:s22], [sflag:$0x7], $0x2000, $0x38;
	[tilespmem:$0x1E400] =	vst v63  }
0x5a: {  	_ =	swait.ge [sflag:s23], $0x2000  }
0x5b: {  	[sflag:s23] =	ssyncset.done $0x0  }
0x5c: {  	[sflag:s23] =	ssyncadd.s32 $0xFFFFE000  }
0x5d: {  	[spmem:s19] =	stream.linear.scatter [tilespmem:s22], [sflag:$0x7], $0x2000, $0x38;
	[tilespmem:$0x1E400] =	vst v63  }
0x5e: {  	_ =	swait.ge [sflag:s23], $0x2000  }
0x5f: {  	[sflag:s23] =	ssyncset.done $0x0  }
0x60: {  	[sflag:s23] =	ssyncadd.s32 $0xFFFFE000  }
0x61: {  	[spmem:s20] =	stream.linear.scatter [tilespmem:s22], [sflag:$0x7], $0x2000, $0x38;
	[tilespmem:$0x1E400] =	vst v63  }
0x62: {  	_ =	swait.ge [sflag:s23], $0x2000  }
0x63: {  	[sflag:s23] =	ssyncset.done $0x0  }
0x64: {  	[sflag:s23] =	ssyncadd.s32 $0xFFFFE000  }
0x65: {  	s14 =	simm.s32 $0x0;
	[bflag:$0x0] =	sbarrier.arrive $0xFFFF  }
0x66: {  	[tilespmem:s14], [sflag:$0x1] =	stream.linear.gather [hbm4b:s6+s14], $0x100, $0x38;
	[tilespmem:$0x1E400] =	vst v63  }
0x67: {  	s15 =	rddreg [dreg:$0x4]  }
0x68: {  	[tilespmem:s24], [sflag:$0x2] =	stream.linear.gather [hbm4b:s15+s14], $0x100, $0x38;
	[tilespmem:$0x1E400] =	vst v63  }
0x69: {  	s16 =	rddreg [dreg:$0x5]  }
0x6a: {  	[tilespmem:s25], [sflag:$0x3] =	stream.linear.gather [hbm4b:s16+s14], $0x100, $0x38;
	[tilespmem:$0x1E400] =	vst v63  }
0x6b: {  	s17 =	rddreg [dreg:$0x6]  }
0x6c: {  	[tilespmem:s26], [sflag:$0x4] =	stream.linear.gather [hbm4b:s17+s14], $0x100, $0x38;
	[tilespmem:$0x1E400] =	vst v63  }
0x6d: {  	_ =	swait.ge [sflag:s28], $0x100  }
0x6e: {  	[sflag:s28] =	ssyncset.done $0x0  }
0x6f: {  	[sflag:s28] =	ssyncadd.s32 $0xFFFFFF00  }
0x70: {  	[tilespmem:s30], [sflag:$0x5] =	stream.indirect.gather [hbm4b:s1+s29], $0x80, s14, s29, $0xb8;
	[tilespmem:$0x1E400] =	vst v63  }
.LBB2_4:
0x71: {  	_ =	swait.ge [sflag:s31], $0x100  }
0x72: {  	[sflag:s31] =	ssyncset.done $0x0  }
0x73: {  	[sflag:s31] =	ssyncadd.s32 $0xFFFFFF00  }
0x74: {  	[tilespmem:s0], [sflag:$0x6] =	stream.indirect.gather [hbm4b:s1+s29], $0x80, s24, s29, $0xb8;
	[tilespmem:$0x1E400] =	vst v63  }
0x75: {  	_ =	swait.ge [sflag:s3], $0x4000  }
0x76: {  	[sflag:s3] =	ssyncset.done $0x0  }
0x77: {  	[sflag:s3] =	ssyncadd.s32 $0xFFFFC000  }
0x78: {  	[spmem:s2] =	stream.indirect.scatter.add.f32 [tilespmem:s30], [sflag:$0x7], $0x80, s29, s29, $0xb8;
	[tilespmem:$0x1E400] =	vst v63  }
0x79: {  	p0 =	seq.s32 s14, $0x980;
	_ =	swait.ge [sflag:s23], $0x4000  }
0x7a: {  	s15 =	sadd.s32 @!p0 s14, s21;
	[sflag:s23] =	ssyncset.done $0x0  }
0x7b: {  	s17 =	simm.s32 @!p0 $0x0;
	s16 =	sadd.s32 @!p0 $0x80, s15;
	[sflag:s23] =	ssyncadd.s32 $0xFFFFC000  }
0x7c: {  	[tilespmem:s17], [sflag:$0x1] =	stream.linear.gather @!p0 [hbm4b:s16+s17], $0x100, $0x38;
	[tilespmem:$0x1E400] =	vst v63  }
0x7d: {  	_ =	swait.ge [sflag:s7], $0x100  }
0x7e: {  	[sflag:s7] =	ssyncset.done $0x0  }
0x7f: {  	[sflag:s7] =	ssyncadd.s32 $0xFFFFFF00  }
0x80: {  	[tilespmem:s30], [sflag:$0x5] =	stream.indirect.gather [hbm4b:s1+s29], $0x80, s25, s29, $0xb8;
	[tilespmem:$0x1E400] =	vst v63  }
0x81: {  	_ =	swait.ge [sflag:s8], $0x4000  }
0x82: {  	[sflag:s8] =	ssyncset.done $0x0  }
0x83: {  	[sflag:s8] =	ssyncadd.s32 $0xFFFFC000  }
0x84: {  	[spmem:s2] =	stream.indirect.scatter.add.f32 [tilespmem:s0], [sflag:$0x7], $0x80, s9, s29, $0xb8;
	[tilespmem:$0x1E400] =	vst v63  }
0x85: {  	_ =	swait.ge [sflag:s23], $0x4000  }
0x86: {  	[sflag:s23] =	ssyncset.done $0x0  }
0x87: {  	s15 =	sadd.s32 @!p0 $0xA0, s15;
	s16 =	simm.s32 @!p0 $0x100;
	[sflag:s23] =	ssyncadd.s32 $0xFFFFC000  }
0x88: {  	[tilespmem:s16], [sflag:$0x2] =	stream.linear.gather @!p0 [hbm4b:s15+s17], $0x100, $0x38;
	[tilespmem:$0x1E400] =	vst v63  }
0x89: {  	_ =	swait.ge [sflag:s10], $0x100  }
0x8a: {  	[sflag:s10] =	ssyncset.done $0x0  }
0x8b: {  	[sflag:s10] =	ssyncadd.s32 $0xFFFFFF00  }
0x8c: {  	[tilespmem:s0], [sflag:$0x6] =	stream.indirect.gather [hbm4b:s1+s29], $0x80, s26, s29, $0xb8;
	[tilespmem:$0x1E400] =	vst v63  }
0x8d: {  	_ =	swait.ge [sflag:s3], $0x4000  }
0x8e: {  	[sflag:s3] =	ssyncset.done $0x0  }
.Ltmp3:
0x8f: {  	[sflag:s3] =	ssyncadd.s32 $0xFFFFC000;
	(pc) =	sbr.rel @p0 .LBB2_6-.Ltmp3, $4  }
0x90: {  	[spmem:s2] =	stream.indirect.scatter.add.f32 [tilespmem:s30], [sflag:$0x7], $0x80, s11, s29, $0xb8;
	[tilespmem:$0x1E400] =	vst v63  }
0x91: {  	_ =	swait.ge [sflag:s23], $0x4000  }
0x92: {  	[sflag:s23] =	ssyncset.done $0x0  }
0x93: {  	[sflag:s23] =	ssyncadd.s32 $0xFFFFC000  }
0x94: {  	s15 =	sadd.s32 s14, s21  }
0x95: {  	s16 =	sadd.s32 $0xC0, s15  }
0x96: {  	[tilespmem:s25], [sflag:$0x3] =	stream.linear.gather [hbm4b:s16+s4], $0x100, $0x38;
	[tilespmem:$0x1E400] =	vst v63  }
0x97: {  	_ =	swait.ge [sflag:s28], $0x100  }
0x98: {  	[sflag:s28] =	ssyncset.done $0x0  }
0x99: {  	[sflag:s28] =	ssyncadd.s32 $0xFFFFFF00  }
0x9a: {  	[tilespmem:s30], [sflag:$0x5] =	stream.indirect.gather [hbm4b:s1+s29], $0x80, s4, s29, $0xb8;
	[tilespmem:$0x1E400] =	vst v63  }
0x9b: {  	_ =	swait.ge [sflag:s8], $0x4000  }
0x9c: {  	[sflag:s8] =	ssyncset.done $0x0  }
0x9d: {  	[sflag:s8] =	ssyncadd.s32 $0xFFFFC000  }
0x9e: {  	[spmem:s2] =	stream.indirect.scatter.add.f32 [tilespmem:s0], [sflag:$0x7], $0x80, s12, s29, $0xb8;
	[tilespmem:$0x1E400] =	vst v63  }
.Ltmp4:
0x9f: {  	_ = 	snop;
	(pc) =	sbr.rel .LBB2_4-.Ltmp4, $4  }
0xa0: {  	_ =	swait.ge [sflag:s23], $0x4000  }
0xa1: {  	[sflag:s23] =	ssyncset.done $0x0  }
0xa2: {  	s14 =	sadd.s32 $0x80, s14;
	s15 =	sadd.s32 $0xE0, s15;
	[sflag:s23] =	ssyncadd.s32 $0xFFFFC000  }
0xa3: {  	[tilespmem:s26], [sflag:$0x4] =	stream.linear.gather [hbm4b:s15+s4], $0x100, $0x38;
	[tilespmem:$0x1E400] =	vst v63  }
.LBB2_7:
0xa4: {  	_ =	sfence.sel $0x180000  }
0xa5: {  	[bflag:$0x0] =	sbarrier.arrive $0xFFFF  }
0xa6: {  	_ =	strace $0x9000004A  }
0xa7: {  	s0 =	stileid.u32;
	[bflag:$0x2] =	sbarrier.arrive $0xFFFF  }
0xa8: {  	p0 =	sne.s32 s0, $0x0;
	s0 =	rddreg [dreg:$0x3]  }
0xa9: {  	s0 =	sadd.s32 @!p0 $0x100000, s0  }
0xaa: {  	[sflag:s0] =	ssyncadd.tile.s32 @!p0 $0x1;
	_ =	shalt  }
.Lfunc_end2:
_tile_overlayer_lowered:
.L_overlay_start_2:
0xab: {  	(tag) =	ssettag $0x2  }
0xac: {  	s0 =	rddreg [dreg:$0x0];
	s2 =	stileid.u32  }
0xad: {  	s1 =	rddreg [dreg:$0x1];
	p0 =	sne.s32 s2, $0x0  }
0xae: {  	s3 =	rddreg [dreg:$0x2];
	[bflag:$0x3] =	sbarrier.arrive $0xFFFF;
	s2 =	simm.s32 @!p0 $0x1C07  }
0xaf: {  	[timem:s3], [sflag:s2] =	dma.local @!p0 [hbm:s0], s1  }
0xb0: {  	s0 =	simm.s32 @!p0 $0x7  }
0xb1: {  	_ =	swait.ge @!p0 [sflag:s0], s1  }
0xb2: {  	s1 =	ssub.s32 @!p0 $0x0, s1;
	[sflag:s0] =	ssyncset.done @!p0 $0x0  }
0xb3: {  	[sflag:s0] =	ssyncadd.s32 @!p0 s1  }
0xb4: {  	[bflag:$0x3] =	sbarrier.arrive $0xFFFF  }
0xb5: {  	_ =	shalt  }

// kernel: kernel.15.cloned.1.call-start
scs
__scs_entry_jumppad:
0x0: {  	(pc) =	sbr.rel $0x88, $3  }
0x1: {  	(tag) =	ssettag $0x0;
	lr =	simm.s32 $0x1  }
0x2: {  	[smem:$0x3F94] =	sst lr;
	_ =	strace $0xD0000000  }
0x3: {  	_ = 	snop  }
0x4: {  	_ = 	snop  }
0x5: {  	_ = 	snop  }
0x6: {  	_ = 	snop  }
0x7: {  	_ = 	snop  }
__scs_overlays_trampoline_lowered:
0x8: {  	[smem:$0x3FA3] =	sst s0  }
0x9: {  	[smem:$0x3FA4] =	sst s1  }
0xa: {  	[smem:$0x3FA5] =	sst s2  }
0xb: {  	[smem:$0x3FA6] =	sst s3  }
0xc: {  	[smem:$0x3FA7] =	sst s4  }
0xd: {  	[smem:$0x3FA8] =	sst s5  }
0xe: {  	[smem:$0x3FA9] =	sst s6  }
0xf: {  	[smem:$0x3FAA] =	sst s7  }
0x10: {  	[smem:$0x3FAB] =	sst s8  }
0x11: {  	[smem:$0x3FAC] =	sst s9;
	s0 =	simm.s32 @!p0 $0x0  }
0x12: {  	s1 =	sld [smem:$0x3F92];
	s0 =	simm.s32 @p0 $0x1  }
0x13: {  	[smem:$0x3FAD] =	sst s0;
	s0 =	simm.s32 @!p1 $0x0  }
0x14: {  	s2 =	sld [smem:$0x3F91];
	s0 =	simm.s32 @p1 $0x1  }
0x15: {  	[smem:$0x3FAE] =	sst s0;
	s0 =	simm.s32 @!p2 $0x0  }
0x16: {  	s3 =	sld [smem:$0x3FDB];
	s0 =	simm.s32 @p2 $0x1  }
0x17: {  	s4 =	simm.s32 $0x1BF5;
	[smem:$0x3FB0] =	sst s0  }
0x18: {  	s0 =	sld [smem:$0x3F93];
	_ =	swait.ge [sflag:s4], $0x0  }
0x19: {  	s7 =	sld [smem:$0x3F94]  }
0x1a: {  	s8 =	sadd.s32 $0xFFFFE003, lr  }
0x1b: {  	s9 =	sadd.s32 $0xFFFFFEF7, lr;
	s5 =	simm.s32 $0xFFFFFFFF;
	p2 =	slt.u32 s8, $0xFFFFF086  }
0x1c: {  	p1 =	slt.u32 s9, $0xF7A;
	s5 =	simm.s32 @!p2 $0x0  }
0x1d: {  	s5 =	simm.s32 @p1 $0x1;
	p0 =	seq.s32 s7, s2  }
0x1e: {  	s7 =	smul.u32 @!p0 $0xF7A, s2;
	p2 =	seq.s32 @!p0 s5, $0x0  }
0x1f: {  	s9 =	smul.u32 $0xF7A, s1;
	s8 =	simm.s32 @!p0 $0x1BF5;
	p2 =	por !p2, p0  }
0x20: {  	[sflag:s8] =	ssyncset.s32 @!p0 $0xFFFFF086;
	s6 =	sadd.s32 @!p0 s3, s7;
	s7 =	simm.s32 @!p0 $0x108  }
0x21: {  	s3 =	sadd.s32 s3, s9;
	s6 =	sadd.s32 @!p0 $0x88, s6;
	s7 =	simm.s32 @p2 $0x1082  }
0x22: {  	[simem:s7], [sflag:s8] =	dma.local @!p0 [hbm:s6], $0xF7A  }
0x23: {  	s9 =	sor.u32 $0xD0000000, s2;
	s6 =	simm.s32 $0x108;
	_ =	swait.ge @!p0 [sflag:s8], $0x0  }
0x24: {  	s3 =	sadd.s32 $0x88, s3;
	s6 =	simm.s32 @!p1 $0x1082;
	[sflag:s4] =	ssyncset.s32 $0xFFFFF086  }
0x25: {  	[simem:s6], [sflag:s4] =	dma.local [hbm:s3], $0xF7A  }
0x26: {  	[smem:$0x3F94] =	sst s1;
	(tag) =	ssettag s2;
	_ =	strace s9  }
0x27: {  	s1 =	sld [smem:$0x3FA4]  }
0x28: {  	s2 =	sld [smem:$0x3FA5]  }
0x29: {  	s4 =	sld [smem:$0x3FA7]  }
0x2a: {  	p0 =	seq.s32 s5, $0x0;
	s5 =	sld [smem:$0x3FA8]  }
0x2b: {  	s6 =	sld [smem:$0x3FA9]  }
0x2c: {  	s7 =	sld [smem:$0x3FAA]  }
0x2d: {  	s3 =	simm.s32 $0x108;
	s8 =	sld [smem:$0x3FAB]  }
0x2e: {  	s3 =	simm.s32 @!p0 $0x1082;
	s9 =	sld [smem:$0x3FAC]  }
0x2f: {  	lr =	sadd.s32 s0, s3;
	s0 =	sld [smem:$0x3FA3]  }
0x30: {  	s3 =	sld [smem:$0x3FA6]  }
0x31: {  	[smem:$0x3FAF] =	sst s10  }
0x32: {  	s10 =	sld [smem:$0x3FAD];
	_ =	sdelay $0x3  }
0x33: {  	p0 =	seq.s32 s10, $0x1;
	s10 =	sld [smem:$0x3FAF];
	_ =	sdelay $0x3  }
0x34: {  	[smem:$0x3FAF] =	sst s10  }
0x35: {  	s10 =	sld [smem:$0x3FAE];
	_ =	sdelay $0x3  }
0x36: {  	p1 =	seq.s32 s10, $0x1;
	s10 =	sld [smem:$0x3FAF];
	_ =	sdelay $0x3  }
0x37: {  	[smem:$0x3FAF] =	sst s10  }
0x38: {  	s10 =	sld [smem:$0x3FB0]  }
0x39: {  	_ = 	snop;
	(pc) =	sbr.ind lr, $3  }
0x3a: {  	_ = 	snop  }
0x3b: {  	_ = 	snop  }
0x3c: {  	p2 =	seq.s32 s10, $0x1;
	s10 =	sld [smem:$0x3FAF]  }
0x3d: {  	_ =	shalt  }
0x3e: {  	_ =	shalt  }
0x3f: {  	_ =	shalt  }
0x40: {  	_ =	shalt  }
0x41: {  	_ =	shalt  }
0x42: {  	_ =	shalt  }
0x43: {  	_ =	shalt  }
0x44: {  	_ =	shalt  }
0x45: {  	_ =	shalt  }
0x46: {  	_ =	shalt  }
0x47: {  	_ =	shalt  }
0x48: {  	_ =	shalt  }
0x49: {  	_ =	shalt  }
0x4a: {  	_ =	shalt  }
0x4b: {  	_ =	shalt  }
0x4c: {  	_ =	shalt  }
0x4d: {  	_ =	shalt  }
0x4e: {  	_ =	shalt  }
0x4f: {  	_ =	shalt  }
0x50: {  	_ =	shalt  }
0x51: {  	_ =	shalt  }
0x52: {  	_ =	shalt  }
0x53: {  	_ =	shalt  }
0x54: {  	_ =	shalt  }
0x55: {  	_ =	shalt  }
0x56: {  	_ =	shalt  }
0x57: {  	_ =	shalt  }
0x58: {  	_ =	shalt  }
0x59: {  	_ =	shalt  }
0x5a: {  	_ =	shalt  }
0x5b: {  	_ =	shalt  }
0x5c: {  	_ =	shalt  }
0x5d: {  	_ =	shalt  }
0x5e: {  	_ =	shalt  }
0x5f: {  	_ =	shalt  }
0x60: {  	_ =	shalt  }
0x61: {  	_ =	shalt  }
0x62: {  	_ =	shalt  }
0x63: {  	_ =	shalt  }
0x64: {  	_ =	shalt  }
0x65: {  	_ =	shalt  }
0x66: {  	_ =	shalt  }
0x67: {  	_ =	shalt  }
0x68: {  	_ =	shalt  }
0x69: {  	_ =	shalt  }
0x6a: {  	_ =	shalt  }
0x6b: {  	_ =	shalt  }
0x6c: {  	_ =	shalt  }
0x6d: {  	_ =	shalt  }
0x6e: {  	_ =	shalt  }
0x6f: {  	_ =	shalt  }
0x70: {  	_ =	shalt  }
0x71: {  	_ =	shalt  }
0x72: {  	_ =	shalt  }
0x73: {  	_ =	shalt  }
0x74: {  	_ =	shalt  }
0x75: {  	_ =	shalt  }
0x76: {  	_ =	shalt  }
0x77: {  	_ =	shalt  }
0x78: {  	_ =	shalt  }
0x79: {  	_ =	shalt  }
0x7a: {  	_ =	shalt  }
0x7b: {  	_ =	shalt  }
0x7c: {  	_ =	shalt  }
0x7d: {  	_ =	shalt  }
0x7e: {  	_ =	shalt  }
0x7f: {  	_ =	shalt  }
0x80: {  	_ =	shalt  }
0x81: {  	_ =	shalt  }
0x82: {  	_ =	shalt  }
0x83: {  	_ =	shalt  }
0x84: {  	_ =	shalt  }
0x85: {  	_ =	shalt  }
0x86: {  	_ =	shalt  }
0x87: {  	_ =	shalt  }
.Lfunc_end0:
.L_simem_size_0:
called_computation.2_lowered:
.L_overlay_start_0:
0x88: {  	s2 =	sld [smem:$0x3FD9]  }
0x89: {  	s3 =	sld [smem:$0x3FFE];
	_ =	sdelay $0x1  }
0x8a: {  	s1 =	srdreg.scid  }
0x8b: {  	s0 =	sand.u32 $0x1, s1  }
0x8c: {  	s17 =	sshll.u32 s0, $0xA;
	s2 =	sadd.s32 s3, s2  }
0x8d: {  	s2 =	sadd.s32 s2, s17  }
0x8e: {  	[smem:$0x3FBB] =	sst s2  }
0x8f: {  	_ = 	snop  }
0x90: {  	s2 =	sld [smem:$0x3FD0];
	(tm) =	ssettm $0x1  }
0x91: {  	s18 =	sld [smem:$0x3FFB];
	_ =	sdelay $0x3  }
0x92: {  	_ =	strace s18  }
0x93: {  	s3 =	sld [smem:$0x3FFC];
	_ =	sdelay $0x3  }
0x94: {  	_ =	strace s3  }
0x95: {  	s3 =	sld [smem:$0x3FFD];
	_ =	sdelay $0x3  }
0x96: {  	_ =	strace s3  }
0x97: {  	_ =	strace $0x8FFFFFFF  }
0x98: {  	s19 =	sld [smem:$0x3FDB];
	_ =	sdelay $0x1  }
0x99: {  	s4 =	simm.s32 $_scs_section_size  }
0x9a: {  	s5 =	simm.s32 $_size__tile_overlayer_lowered;
	s6 =	simm.s32 $_tile_overlayer_lowered  }
0x9b: {  	s22 =	simm.s32 $0x1BFF;
	s21 =	sshll.u32 s6, $0x1;
	s3 =	sadd.s32 s4, s19  }
0x9c: {  	s7 =	simm.s32 $0x0;
	s20 =	sshll.u32 s5, $0x1;
	s5 =	sadd.s32 s21, s3  }
0x9d: {  	[timem:s7], [sflag:s22] =	dma.local [hbm:s5], s20  }
0x9e: {  	_ =	swait.ge [sflag:s22], s20  }
0x9f: {  	s4 =	ssub.s32 $0x0, s20;
	[sflag:s22] =	ssyncset.done $0x0  }
0xa0: {  	[sflag:s22] =	ssyncadd.s32 s4;
	_ =	sdelay $0x1  }
0xa1: {  	s23 =	simm.s32 $0x1B8B  }
0xa2: {  	_ =	swait.ge [sflag:s23], $0x1  }
0xa3: {  	[sflag:s23] =	ssyncset.done $0x0  }
0xa4: {  	s25 =	simm.s32 $0x1B8E;
	s24 =	sld [smem:$0x3FFE];
	[sflag:s23] =	ssyncadd.s32 $0xFFFFFFFF  }
0xa5: {  	s26 =	simm.s32 $execute0_lowered;
	[smem:$0x3FD2] =	sst s25  }
0xa6: {  	s5 =	sshll.u32 s26, $0x1;
	_ =	strace $0x8000004C;
	[dreg:$0x1] =	wrdreg $0xFFFFFFFF  }
0xa7: {  	s28 =	simm.s32 $_size_execute0_lowered;
	s3 =	sadd.s32 s3, s5;
	[dreg:$0x0] =	wrdreg $0x0  }
0xa8: {  	s5 =	sshll.u32 s28, $0x1;
	[dreg:$0x2] =	wrdreg s3  }
0xa9: {  	[dreg:$0x3] =	wrdreg s5  }
0xaa: {  	[dreg:$0x4] =	wrdreg $0xC0  }
0xab: {  	_ =	task [dreg:s7], $0x5FFFF  }
0xac: {  	[dreg:$0x1] =	wrdreg $0xFFFFFFFF  }
0xad: {  	[dreg:$0x0] =	wrdreg $0x60  }
0xae: {  	[dreg:$0x2] =	wrdreg s2  }
0xaf: {  	[dreg:$0x3] =	wrdreg s24  }
0xb0: {  	[dreg:$0x4] =	wrdreg $0xA4000  }
0xb1: {  	[dreg:$0x5] =	wrdreg $0x9  }
0xb2: {  	_ =	task.clear_ibuf [dreg:s7], $0x6FFFF;
	_ =	strace $0x9000004C  }
0xb3: {  	s29 =	simm.s32 $0x9;
	_ =	strace $0x8000004E  }
0xb4: {  	_ =	swait.ge [sflag:s29], $0x1  }
0xb5: {  	[sflag:s29] =	ssyncadd.s32 $0xFFFFFFFF  }
0xb6: {  	_ =	strace $0x9000004E  }
0xb7: {  	_ =	sfence  }
0xb8: {  	s30 =	sld [smem:$0x0];
	_ =	sdelay $0x2  }
0xb9: {  	s31 =	sshll.u32 s1, $0xD;
	s1 =	sshrl.u32 s1, $0x2  }
0xba: {  	s3 =	sand.u32 $0x4000, s31;
	s1 =	sadd.s32 s1, s30  }
0xbb: {  	s0 =	sor.u32 s3, s0;
	s1 =	sshll.u32 s1, $0x11  }
0xbc: {  	s0 =	sor.u32 s1, s0  }
0xbd: {  	s0 =	sadd.s32 $0x8F2B, s0  }
0xbe: {  	[sflag:s0] =	ssyncadd.remote.s32 $0x1  }
0xbf: {  	_ =	sfence.sel $0xFFFF  }
0xc0: {  	[dreg:$0x0] =	wrdreg $0xFFFFFFFF;
	(pc) =	sbr.abs _section_cstart, $3  }
0xc1: {  	[dreg:$0x1] =	wrdreg $0xFFFFFFFF  }
0xc2: {  	_ =	task.clear_ibuf [dreg:s7], $0x2FFFF;
	_ =	strace $0x9FFFFFFF  }
0xc3: {  	(tm) =	ssettm $0x7FFFFFFF  }
tec
execute0_lowered:
.L_overlay_start_1:
0x0: {  	(tag) =	ssettag $0x1  }
0x1: {  	s1 =	rddreg [dreg:$0x0]  }
0x2: {  	s0 =	rddreg [dreg:$0x1]  }
0x3: {  	s2 =	rddreg [dreg:$0x2];
	s3 =	srdreg.scid  }
0x4: {  	s4 =	simm.s32 $0x0;
	s10 =	stileid.u32;
	s28 =	simm.s32 $0x1  }
0x5: {  	s29 =	simm.s32 $0x80;
	s30 =	simm.s32 $0x400;
	s6 =	smul.u32 $0x14000, s10  }
0x6: {  	s31 =	simm.s32 $0x2;
	s11 =	simm.s32 $0x280;
	s13 =	smul.u32 $0x50000, s10  }
0x7: {  	s3 =	sand.u32 $0x1, s3;
	[smem:$0x7FF] =	sst s4;
	s25 =	smul.u32 $0xA00, s10  }
0x8: {  	s7 =	sadd.s32 $0x2E00, s0;
	s5 =	smul.u32 $0x140000, s3;
	s8 =	sshll.u32 s3, $0x4  }
0x9: {  	_ =	strace $0x8000004D;
	s9 =	ssub.s32 $0x2, s3;
	s12 =	sor.u32 s10, s8  }
0xa: {  	s14 =	sshrl.u32 s9, $0x1;
	s5 =	sadd.s32 s6, s5;
	s6 =	smul.u32 $0xA00, s12  }
0xb: {  	s22 =	smul.u32 $0xA000, s3;
	s3 =	simm.s32 $0x5;
	s9 =	ssub.s32 s9, s14  }
0xc: {  	s8 =	sshrl.u32 s13, $0x2;
	s18 =	smax.u32 s9, $0x1;
	s6 =	sadd.s32 s7, s6  }
0xd: {  	s10 =	simm.s32 $0x4;
	[dreg:$0x8] =	wrdreg s18;
	s15 =	sadd.s32 $0x20, s6  }
0xe: {  	s5 =	sshrl.u32 s5, $0x3;
	s16 =	sadd.s32 $0x40, s6;
	[dreg:$0x4] =	wrdreg s15  }
0xf: {  	s0 =	sadd.s32 s5, s0;
	s17 =	sadd.s32 $0x60, s6;
	[dreg:$0x5] =	wrdreg s16  }
0x10: {  	s5 =	sadd.s32 s8, s2;
	s0 =	sadd.s32 $0x16E00, s0;
	[dreg:$0x6] =	wrdreg s17  }
0x11: {  	s13 =	simm.s32 $0x0;
	s19 =	sadd.s32 $0x2000, s5;
	[dreg:$0x7] =	wrdreg s0  }
0x12: {  	s12 =	simm.s32 $0x380;
	s20 =	sadd.s32 $0x4000, s5;
	[dreg:$0x9] =	wrdreg s19  }
0x13: {  	s9 =	simm.s32 $0x180;
	s21 =	sadd.s32 $0x6000, s5;
	[dreg:$0xa] =	wrdreg s20  }
0x14: {  	s8 =	simm.s32 $0x6;
	s23 =	sadd.s32 $0x8000, s5;
	[dreg:$0xb] =	wrdreg s21  }
0x15: {  	s24 =	sadd.s32 $0xA000, s5;
	s26 =	sadd.s32 $0xC000, s5;
	[dreg:$0xc] =	wrdreg s23  }
.Ltmp0:
0x16: {  	s18 =	sadd.s32 $0xE000, s5;
	[dreg:$0xd] =	wrdreg s24;
	(pc) =	sbr.rel .LBB2_1-.Ltmp0, $4  }
0x17: {  	[dreg:$0xe] =	wrdreg s26;
	s0 =	sadd.s32 s22, s7;
	s19 =	sadd.s32 $0x10000, s5  }
0x18: {  	s20 =	sadd.s32 $0x12000, s5;
	s22 =	simm.s32 $0x8400;
	s23 =	simm.s32 $0x7  }
0x19: {  	s24 =	simm.s32 $0x100;
	s26 =	simm.s32 $0x300;
	s7 =	simm.s32 $0x3  }
0x1a: {  	v0 =	vimm.f32 $0.0e+00;
	s21 =	sadd.s32 s25, s0;
	s25 =	simm.s32 $0x200;
	s0 =	simm.s32 $0x4400  }
.LBB2_6:
0x1b: {  	_ =	swait.ge [sflag:s8], $0x4000  }
0x1c: {  	[sflag:s8] =	ssyncset.done $0x0  }
0x1d: {  	[sflag:s8] =	ssyncadd.s32 $0xFFFFC000  }
0x1e: {  	[spmem:s2] =	stream.indirect.scatter.add.f32 [tilespmem:s0], [sflag:$0x7], $0x80, s12, s29, $0xb8;
	[tilespmem:$0x1E400] =	vst v63  }
0x1f: {  	_ =	swait.ge [sflag:s23], $0x4000  }
0x20: {  	[sflag:s23] =	ssyncset.done $0x0  }
0x21: {  	s14 =	stileid.u32;
	[sflag:s23] =	ssyncadd.s32 $0xFFFFC000  }
0x22: {  	s14 =	sshll.u32 s14, $0x6;
	[bflag:$0x0] =	sbarrier.arrive $0xFFFF  }
0x23: {  	s15 =	sshrl.u32 s5, $0x3;
	s14 =	sor.u32 $0x1C07, s14;
	s16 =	rddreg [dreg:$0x7]  }
0x24: {  	[hbm:s16], [sflag:s14] =	dma.local [spmem:s15], $0x2800  }
0x25: {  	_ =	swait.ge [sflag:s23], $0x2800  }
0x26: {  	s13 =	sadd.s32 $0x1, s13;
	s17 =	rddreg [dreg:$0x8]  }
0x27: {  	p0 =	sne.s32 s13, s17  }
.Ltmp1:
0x28: {  	_ = 	snop;
	(pc) =	sbr.rel @!p0 .LBB2_7-.Ltmp1, $3  }
0x29: {  	_ =	sdelay $0x1  }
0x2a: {  	[sflag:s23] =	ssyncset.done $0x0  }
0x2b: {  	[sflag:s23] =	ssyncadd.s32 $0xFFFFD800  }
.LBB2_1:
0x2c: {  	s14 =	simm.s32 $0x0;
	s15 =	simm.s32 $0x200  }
.LBB2_2:
0x2d: {  	p0 =	sne.s32 s15, $0x7E00;
	[tilespmem:s14+$0x8470] =	vst v0  }
0x2e: {  	[tilespmem:s14+$0x8400] =	vst v0  }
0x2f: {  	[tilespmem:s14+$0x8410] =	vst v0  }
.Ltmp2:
0x30: {  	[tilespmem:s14+$0x8420] =	vst v0;
	(pc) =	sbr.rel @p0 .LBB2_2-.Ltmp2, $4  }
0x31: {  	[tilespmem:s14+$0x8430] =	vst v0  }
0x32: {  	[tilespmem:s14+$0x8440] =	vst v0  }
0x33: {  	[tilespmem:s14+$0x8450] =	vst v0  }
0x34: {  	[tilespmem:s14+$0x8460] =	vst v0;
	s14 =	sshra.s32 s15, $0x2;
	s15 =	sadd.s32 $0x200, s15  }
0x35: {  	[tilespmem:s14+$0x8470] =	vst v0  }
0x36: {  	[tilespmem:s14+$0x8400] =	vst v0  }
0x37: {  	[tilespmem:s14+$0x8410] =	vst v0  }
0x38: {  	[tilespmem:s14+$0x8420] =	vst v0  }
0x39: {  	[tilespmem:s14+$0x8430] =	vst v0  }
0x3a: {  	[tilespmem:s14+$0x8440] =	vst v0  }
0x3b: {  	[tilespmem:s14+$0x8450] =	vst v0  }
0x3c: {  	[tilespmem:s14+$0x8460] =	vst v0  }
0x3d: {  	[spmem:s5] =	stream.linear.scatter [tilespmem:s22], [sflag:$0x7], $0x2000, $0x38;
	[tilespmem:$0x1E400] =	vst v63  }
0x3e: {  	_ =	swait.ge [sflag:s23], $0x2000  }
0x3f: {  	[sflag:s23] =	ssyncset.done $0x0  }
0x40: {  	s16 =	rddreg [dreg:$0x9];
	[sflag:s23] =	ssyncadd.s32 $0xFFFFE000  }
0x41: {  	[spmem:s16] =	stream.linear.scatter [tilespmem:s22], [sflag:$0x7], $0x2000, $0x38;
	[tilespmem:$0x1E400] =	vst v63  }
0x42: {  	_ =	swait.ge [sflag:s23], $0x2000  }
0x43: {  	[sflag:s23] =	ssyncset.done $0x0  }
0x44: {  	s17 =	rddreg [dreg:$0xa];
	[sflag:s23] =	ssyncadd.s32 $0xFFFFE000  }
0x45: {  	[spmem:s17] =	stream.linear.scatter [tilespmem:s22], [sflag:$0x7], $0x2000, $0x38;
	[tilespmem:$0x1E400] =	vst v63  }
0x46: {  	_ =	swait.ge [sflag:s23], $0x2000  }
0x47: {  	[sflag:s23] =	ssyncset.done $0x0  }
0x48: {  	s15 =	rddreg [dreg:$0xb];
	[sflag:s23] =	ssyncadd.s32 $0xFFFFE000  }
0x49: {  	[spmem:s15] =	stream.linear.scatter [tilespmem:s22], [sflag:$0x7], $0x2000, $0x38;
	[tilespmem:$0x1E400] =	vst v63  }
0x4a: {  	_ =	swait.ge [sflag:s23], $0x2000  }
0x4b: {  	[sflag:s23] =	ssyncset.done $0x0  }
0x4c: {  	s16 =	rddreg [dreg:$0xc];
	[sflag:s23] =	ssyncadd.s32 $0xFFFFE000  }
0x4d: {  	[spmem:s16] =	stream.linear.scatter [tilespmem:s22], [sflag:$0x7], $0x2000, $0x38;
	[tilespmem:$0x1E400] =	vst v63  }
0x4e: {  	_ =	swait.ge [sflag:s23], $0x2000  }
0x4f: {  	[sflag:s23] =	ssyncset.done $0x0  }
0x50: {  	s17 =	rddreg [dreg:$0xd];
	[sflag:s23] =	ssyncadd.s32 $0xFFFFE000  }
0x51: {  	[spmem:s17] =	stream.linear.scatter [tilespmem:s22], [sflag:$0x7], $0x2000, $0x38;
	[tilespmem:$0x1E400] =	vst v63  }
0x52: {  	_ =	swait.ge [sflag:s23], $0x2000  }
0x53: {  	[sflag:s23] =	ssyncset.done $0x0  }
0x54: {  	s15 =	rddreg [dreg:$0xe];
	[sflag:s23] =	ssyncadd.s32 $0xFFFFE000  }
0x55: {  	[spmem:s15] =	stream.linear.scatter [tilespmem:s22], [sflag:$0x7], $0x2000, $0x38;
	[tilespmem:$0x1E400] =	vst v63  }
0x56: {  	_ =	swait.ge [sflag:s23], $0x2000  }
0x57: {  	[sflag:s23] =	ssyncset.done $0x0  }
0x58: {  	[sflag:s23] =	ssyncadd.s32 $0xFFFFE000  }
0x59: {  	[spmem:s18] =	stream.linear.scatter [tilespmem:s22], [sflag:$0x7], $0x2000, $0x38;
	[tilespmem:$0x1E400] =	vst v63  }
0x5a: {  	_ =	swait.ge [sflag:s23], $0x2000  }
0x5b: {  	[sflag:s23] =	ssyncset.done $0x0  }
0x5c: {  	[sflag:s23] =	ssyncadd.s32 $0xFFFFE000  }
0x5d: {  	[spmem:s19] =	stream.linear.scatter [tilespmem:s22], [sflag:$0x7], $0x2000, $0x38;
	[tilespmem:$0x1E400] =	vst v63  }
0x5e: {  	_ =	swait.ge [sflag:s23], $0x2000  }
0x5f: {  	[sflag:s23] =	ssyncset.done $0x0  }
0x60: {  	[sflag:s23] =	ssyncadd.s32 $0xFFFFE000  }
0x61: {  	[spmem:s20] =	stream.linear.scatter [tilespmem:s22], [sflag:$0x7], $0x2000, $0x38;
	[tilespmem:$0x1E400] =	vst v63  }
0x62: {  	_ =	swait.ge [sflag:s23], $0x2000  }
0x63: {  	[sflag:s23] =	ssyncset.done $0x0  }
0x64: {  	[sflag:s23] =	ssyncadd.s32 $0xFFFFE000  }
0x65: {  	s14 =	simm.s32 $0x0;
	[bflag:$0x0] =	sbarrier.arrive $0xFFFF  }
0x66: {  	[tilespmem:s14], [sflag:$0x1] =	stream.linear.gather [hbm4b:s6+s14], $0x100, $0x38;
	[tilespmem:$0x1E400] =	vst v63  }
0x67: {  	s15 =	rddreg [dreg:$0x4]  }
0x68: {  	[tilespmem:s24], [sflag:$0x2] =	stream.linear.gather [hbm4b:s15+s14], $0x100, $0x38;
	[tilespmem:$0x1E400] =	vst v63  }
0x69: {  	s16 =	rddreg [dreg:$0x5]  }
0x6a: {  	[tilespmem:s25], [sflag:$0x3] =	stream.linear.gather [hbm4b:s16+s14], $0x100, $0x38;
	[tilespmem:$0x1E400] =	vst v63  }
0x6b: {  	s17 =	rddreg [dreg:$0x6]  }
0x6c: {  	[tilespmem:s26], [sflag:$0x4] =	stream.linear.gather [hbm4b:s17+s14], $0x100, $0x38;
	[tilespmem:$0x1E400] =	vst v63  }
0x6d: {  	_ =	swait.ge [sflag:s28], $0x100  }
0x6e: {  	[sflag:s28] =	ssyncset.done $0x0  }
0x6f: {  	[sflag:s28] =	ssyncadd.s32 $0xFFFFFF00  }
0x70: {  	[tilespmem:s30], [sflag:$0x5] =	stream.indirect.gather [hbm4b:s1+s29], $0x80, s14, s29, $0xb8;
	[tilespmem:$0x1E400] =	vst v63  }
.LBB2_4:
0x71: {  	_ =	swait.ge [sflag:s31], $0x100  }
0x72: {  	[sflag:s31] =	ssyncset.done $0x0  }
0x73: {  	[sflag:s31] =	ssyncadd.s32 $0xFFFFFF00  }
0x74: {  	[tilespmem:s0], [sflag:$0x6] =	stream.indirect.gather [hbm4b:s1+s29], $0x80, s24, s29, $0xb8;
	[tilespmem:$0x1E400] =	vst v63  }
0x75: {  	_ =	swait.ge [sflag:s3], $0x4000  }
0x76: {  	[sflag:s3] =	ssyncset.done $0x0  }
0x77: {  	[sflag:s3] =	ssyncadd.s32 $0xFFFFC000  }
0x78: {  	[spmem:s2] =	stream.indirect.scatter.add.f32 [tilespmem:s30], [sflag:$0x7], $0x80, s29, s29, $0xb8;
	[tilespmem:$0x1E400] =	vst v63  }
0x79: {  	p0 =	seq.s32 s14, $0x980;
	_ =	swait.ge [sflag:s23], $0x4000  }
0x7a: {  	s15 =	sadd.s32 @!p0 s14, s21;
	[sflag:s23] =	ssyncset.done $0x0  }
0x7b: {  	s17 =	simm.s32 @!p0 $0x0;
	s16 =	sadd.s32 @!p0 $0x80, s15;
	[sflag:s23] =	ssyncadd.s32 $0xFFFFC000  }
0x7c: {  	[tilespmem:s17], [sflag:$0x1] =	stream.linear.gather @!p0 [hbm4b:s16+s17], $0x100, $0x38;
	[tilespmem:$0x1E400] =	vst v63  }
0x7d: {  	_ =	swait.ge [sflag:s7], $0x100  }
0x7e: {  	[sflag:s7] =	ssyncset.done $0x0  }
0x7f: {  	[sflag:s7] =	ssyncadd.s32 $0xFFFFFF00  }
0x80: {  	[tilespmem:s30], [sflag:$0x5] =	stream.indirect.gather [hbm4b:s1+s29], $0x80, s25, s29, $0xb8;
	[tilespmem:$0x1E400] =	vst v63  }
0x81: {  	_ =	swait.ge [sflag:s8], $0x4000  }
0x82: {  	[sflag:s8] =	ssyncset.done $0x0  }
0x83: {  	[sflag:s8] =	ssyncadd.s32 $0xFFFFC000  }
0x84: {  	[spmem:s2] =	stream.indirect.scatter.add.f32 [tilespmem:s0], [sflag:$0x7], $0x80, s9, s29, $0xb8;
	[tilespmem:$0x1E400] =	vst v63  }
0x85: {  	_ =	swait.ge [sflag:s23], $0x4000  }
0x86: {  	[sflag:s23] =	ssyncset.done $0x0  }
0x87: {  	s15 =	sadd.s32 @!p0 $0xA0, s15;
	s16 =	simm.s32 @!p0 $0x100;
	[sflag:s23] =	ssyncadd.s32 $0xFFFFC000  }
0x88: {  	[tilespmem:s16], [sflag:$0x2] =	stream.linear.gather @!p0 [hbm4b:s15+s17], $0x100, $0x38;
	[tilespmem:$0x1E400] =	vst v63  }
0x89: {  	_ =	swait.ge [sflag:s10], $0x100  }
0x8a: {  	[sflag:s10] =	ssyncset.done $0x0  }
0x8b: {  	[sflag:s10] =	ssyncadd.s32 $0xFFFFFF00  }
0x8c: {  	[tilespmem:s0], [sflag:$0x6] =	stream.indirect.gather [hbm4b:s1+s29], $0x80, s26, s29, $0xb8;
	[tilespmem:$0x1E400] =	vst v63  }
0x8d: {  	_ =	swait.ge [sflag:s3], $0x4000  }
0x8e: {  	[sflag:s3] =	ssyncset.done $0x0  }
.Ltmp3:
0x8f: {  	[sflag:s3] =	ssyncadd.s32 $0xFFFFC000;
	(pc) =	sbr.rel @p0 .LBB2_6-.Ltmp3, $4  }
0x90: {  	[spmem:s2] =	stream.indirect.scatter.add.f32 [tilespmem:s30], [sflag:$0x7], $0x80, s11, s29, $0xb8;
	[tilespmem:$0x1E400] =	vst v63  }
0x91: {  	_ =	swait.ge [sflag:s23], $0x4000  }
0x92: {  	[sflag:s23] =	ssyncset.done $0x0  }
0x93: {  	[sflag:s23] =	ssyncadd.s32 $0xFFFFC000  }
0x94: {  	s15 =	sadd.s32 s14, s21  }
0x95: {  	s16 =	sadd.s32 $0xC0, s15  }
0x96: {  	[tilespmem:s25], [sflag:$0x3] =	stream.linear.gather [hbm4b:s16+s4], $0x100, $0x38;
	[tilespmem:$0x1E400] =	vst v63  }
0x97: {  	_ =	swait.ge [sflag:s28], $0x100  }
0x98: {  	[sflag:s28] =	ssyncset.done $0x0  }
0x99: {  	[sflag:s28] =	ssyncadd.s32 $0xFFFFFF00  }
0x9a: {  	[tilespmem:s30], [sflag:$0x5] =	stream.indirect.gather [hbm4b:s1+s29], $0x80, s4, s29, $0xb8;
	[tilespmem:$0x1E400] =	vst v63  }
0x9b: {  	_ =	swait.ge [sflag:s8], $0x4000  }
0x9c: {  	[sflag:s8] =	ssyncset.done $0x0  }
0x9d: {  	[sflag:s8] =	ssyncadd.s32 $0xFFFFC000  }
0x9e: {  	[spmem:s2] =	stream.indirect.scatter.add.f32 [tilespmem:s0], [sflag:$0x7], $0x80, s12, s29, $0xb8;
	[tilespmem:$0x1E400] =	vst v63  }
.Ltmp4:
0x9f: {  	_ = 	snop;
	(pc) =	sbr.rel .LBB2_4-.Ltmp4, $4  }
0xa0: {  	_ =	swait.ge [sflag:s23], $0x4000  }
0xa1: {  	[sflag:s23] =	ssyncset.done $0x0  }
0xa2: {  	s14 =	sadd.s32 $0x80, s14;
	s15 =	sadd.s32 $0xE0, s15;
	[sflag:s23] =	ssyncadd.s32 $0xFFFFC000  }
0xa3: {  	[tilespmem:s26], [sflag:$0x4] =	stream.linear.gather [hbm4b:s15+s4], $0x100, $0x38;
	[tilespmem:$0x1E400] =	vst v63  }
.LBB2_7:
0xa4: {  	_ =	sfence.sel $0x180000  }
0xa5: {  	[bflag:$0x0] =	sbarrier.arrive $0xFFFF  }
0xa6: {  	_ =	strace $0x9000004D  }
0xa7: {  	s0 =	stileid.u32;
	[bflag:$0x2] =	sbarrier.arrive $0xFFFF  }
0xa8: {  	p0 =	sne.s32 s0, $0x0;
	s0 =	rddreg [dreg:$0x3]  }
0xa9: {  	s0 =	sadd.s32 @!p0 $0x100000, s0  }
0xaa: {  	[sflag:s0] =	ssyncadd.tile.s32 @!p0 $0x1;
	_ =	shalt  }
.Lfunc_end2:
_tile_overlayer_lowered:
.L_overlay_start_2:
0xab: {  	(tag) =	ssettag $0x2  }
0xac: {  	s0 =	rddreg [dreg:$0x0];
	s2 =	stileid.u32  }
0xad: {  	s1 =	rddreg [dreg:$0x1];
	p0 =	sne.s32 s2, $0x0  }
0xae: {  	s3 =	rddreg [dreg:$0x2];
	[bflag:$0x3] =	sbarrier.arrive $0xFFFF;
	s2 =	simm.s32 @!p0 $0x1C07  }
0xaf: {  	[timem:s3], [sflag:s2] =	dma.local @!p0 [hbm:s0], s1  }
0xb0: {  	s0 =	simm.s32 @!p0 $0x7  }
0xb1: {  	_ =	swait.ge @!p0 [sflag:s0], s1  }
0xb2: {  	s1 =	ssub.s32 @!p0 $0x0, s1;
	[sflag:s0] =	ssyncset.done @!p0 $0x0  }
0xb3: {  	[sflag:s0] =	ssyncadd.s32 @!p0 s1  }
0xb4: {  	[bflag:$0x3] =	sbarrier.arrive $0xFFFF  }
0xb5: {  	_ =	shalt  }

// kernel: kernel.9.cloned.1.call-start
scs
__scs_entry_jumppad:
0x0: {  	(pc) =	sbr.rel $0x88, $3  }
0x1: {  	(tag) =	ssettag $0x0;
	lr =	simm.s32 $0x1  }
0x2: {  	[smem:$0x3F94] =	sst lr;
	_ =	strace $0xD0000000  }
0x3: {  	_ = 	snop  }
0x4: {  	_ = 	snop  }
0x5: {  	_ = 	snop  }
0x6: {  	_ = 	snop  }
0x7: {  	_ = 	snop  }
__scs_overlays_trampoline_lowered:
0x8: {  	[smem:$0x3FA3] =	sst s0  }
0x9: {  	[smem:$0x3FA4] =	sst s1  }
0xa: {  	[smem:$0x3FA5] =	sst s2  }
0xb: {  	[smem:$0x3FA6] =	sst s3  }
0xc: {  	[smem:$0x3FA7] =	sst s4  }
0xd: {  	[smem:$0x3FA8] =	sst s5  }
0xe: {  	[smem:$0x3FA9] =	sst s6  }
0xf: {  	[smem:$0x3FAA] =	sst s7  }
0x10: {  	[smem:$0x3FAB] =	sst s8  }
0x11: {  	[smem:$0x3FAC] =	sst s9;
	s0 =	simm.s32 @!p0 $0x0  }
0x12: {  	s1 =	sld [smem:$0x3F92];
	s0 =	simm.s32 @p0 $0x1  }
0x13: {  	[smem:$0x3FAD] =	sst s0;
	s0 =	simm.s32 @!p1 $0x0  }
0x14: {  	s2 =	sld [smem:$0x3F91];
	s0 =	simm.s32 @p1 $0x1  }
0x15: {  	[smem:$0x3FAE] =	sst s0;
	s0 =	simm.s32 @!p2 $0x0  }
0x16: {  	s3 =	sld [smem:$0x3FDB];
	s0 =	simm.s32 @p2 $0x1  }
0x17: {  	s4 =	simm.s32 $0x1BF5;
	[smem:$0x3FB0] =	sst s0  }
0x18: {  	s0 =	sld [smem:$0x3F93];
	_ =	swait.ge [sflag:s4], $0x0  }
0x19: {  	s7 =	sld [smem:$0x3F94]  }
0x1a: {  	s8 =	sadd.s32 $0xFFFFE003, lr  }
0x1b: {  	s9 =	sadd.s32 $0xFFFFFEF7, lr;
	s5 =	simm.s32 $0xFFFFFFFF;
	p2 =	slt.u32 s8, $0xFFFFF086  }
0x1c: {  	p1 =	slt.u32 s9, $0xF7A;
	s5 =	simm.s32 @!p2 $0x0  }
0x1d: {  	s5 =	simm.s32 @p1 $0x1;
	p0 =	seq.s32 s7, s2  }
0x1e: {  	s7 =	smul.u32 @!p0 $0xF7A, s2;
	p2 =	seq.s32 @!p0 s5, $0x0  }
0x1f: {  	s9 =	smul.u32 $0xF7A, s1;
	s8 =	simm.s32 @!p0 $0x1BF5;
	p2 =	por !p2, p0  }
0x20: {  	[sflag:s8] =	ssyncset.s32 @!p0 $0xFFFFF086;
	s6 =	sadd.s32 @!p0 s3, s7;
	s7 =	simm.s32 @!p0 $0x108  }
0x21: {  	s3 =	sadd.s32 s3, s9;
	s6 =	sadd.s32 @!p0 $0x88, s6;
	s7 =	simm.s32 @p2 $0x1082  }
0x22: {  	[simem:s7], [sflag:s8] =	dma.local @!p0 [hbm:s6], $0xF7A  }
0x23: {  	s9 =	sor.u32 $0xD0000000, s2;
	s6 =	simm.s32 $0x108;
	_ =	swait.ge @!p0 [sflag:s8], $0x0  }
0x24: {  	s3 =	sadd.s32 $0x88, s3;
	s6 =	simm.s32 @!p1 $0x1082;
	[sflag:s4] =	ssyncset.s32 $0xFFFFF086  }
0x25: {  	[simem:s6], [sflag:s4] =	dma.local [hbm:s3], $0xF7A  }
0x26: {  	[smem:$0x3F94] =	sst s1;
	(tag) =	ssettag s2;
	_ =	strace s9  }
0x27: {  	s1 =	sld [smem:$0x3FA4]  }
0x28: {  	s2 =	sld [smem:$0x3FA5]  }
0x29: {  	s4 =	sld [smem:$0x3FA7]  }
0x2a: {  	p0 =	seq.s32 s5, $0x0;
	s5 =	sld [smem:$0x3FA8]  }
0x2b: {  	s6 =	sld [smem:$0x3FA9]  }
0x2c: {  	s7 =	sld [smem:$0x3FAA]  }
0x2d: {  	s3 =	simm.s32 $0x108;
	s8 =	sld [smem:$0x3FAB]  }
0x2e: {  	s3 =	simm.s32 @!p0 $0x1082;
	s9 =	sld [smem:$0x3FAC]  }
0x2f: {  	lr =	sadd.s32 s0, s3;
	s0 =	sld [smem:$0x3FA3]  }
0x30: {  	s3 =	sld [smem:$0x3FA6]  }
0x31: {  	[smem:$0x3FAF] =	sst s10  }
0x32: {  	s10 =	sld [smem:$0x3FAD];
	_ =	sdelay $0x3  }
0x33: {  	p0 =	seq.s32 s10, $0x1;
	s10 =	sld [smem:$0x3FAF];
	_ =	sdelay $0x3  }
0x34: {  	[smem:$0x3FAF] =	sst s10  }
0x35: {  	s10 =	sld [smem:$0x3FAE];
	_ =	sdelay $0x3  }
0x36: {  	p1 =	seq.s32 s10, $0x1;
	s10 =	sld [smem:$0x3FAF];
	_ =	sdelay $0x3  }
0x37: {  	[smem:$0x3FAF] =	sst s10  }
0x38: {  	s10 =	sld [smem:$0x3FB0]  }
0x39: {  	_ = 	snop;
	(pc) =	sbr.ind lr, $3  }
0x3a: {  	_ = 	snop  }
0x3b: {  	_ = 	snop  }
0x3c: {  	p2 =	seq.s32 s10, $0x1;
	s10 =	sld [smem:$0x3FAF]  }
0x3d: {  	_ =	shalt  }
0x3e: {  	_ =	shalt  }
0x3f: {  	_ =	shalt  }
0x40: {  	_ =	shalt  }
0x41: {  	_ =	shalt  }
0x42: {  	_ =	shalt  }
0x43: {  	_ =	shalt  }
0x44: {  	_ =	shalt  }
0x45: {  	_ =	shalt  }
0x46: {  	_ =	shalt  }
0x47: {  	_ =	shalt  }
0x48: {  	_ =	shalt  }
0x49: {  	_ =	shalt  }
0x4a: {  	_ =	shalt  }
0x4b: {  	_ =	shalt  }
0x4c: {  	_ =	shalt  }
0x4d: {  	_ =	shalt  }
0x4e: {  	_ =	shalt  }
0x4f: {  	_ =	shalt  }
0x50: {  	_ =	shalt  }
0x51: {  	_ =	shalt  }
0x52: {  	_ =	shalt  }
0x53: {  	_ =	shalt  }
0x54: {  	_ =	shalt  }
0x55: {  	_ =	shalt  }
0x56: {  	_ =	shalt  }
0x57: {  	_ =	shalt  }
0x58: {  	_ =	shalt  }
0x59: {  	_ =	shalt  }
0x5a: {  	_ =	shalt  }
0x5b: {  	_ =	shalt  }
0x5c: {  	_ =	shalt  }
0x5d: {  	_ =	shalt  }
0x5e: {  	_ =	shalt  }
0x5f: {  	_ =	shalt  }
0x60: {  	_ =	shalt  }
0x61: {  	_ =	shalt  }
0x62: {  	_ =	shalt  }
0x63: {  	_ =	shalt  }
0x64: {  	_ =	shalt  }
0x65: {  	_ =	shalt  }
0x66: {  	_ =	shalt  }
0x67: {  	_ =	shalt  }
0x68: {  	_ =	shalt  }
0x69: {  	_ =	shalt  }
0x6a: {  	_ =	shalt  }
0x6b: {  	_ =	shalt  }
0x6c: {  	_ =	shalt  }
0x6d: {  	_ =	shalt  }
0x6e: {  	_ =	shalt  }
0x6f: {  	_ =	shalt  }
0x70: {  	_ =	shalt  }
0x71: {  	_ =	shalt  }
0x72: {  	_ =	shalt  }
0x73: {  	_ =	shalt  }
0x74: {  	_ =	shalt  }
0x75: {  	_ =	shalt  }
0x76: {  	_ =	shalt  }
0x77: {  	_ =	shalt  }
0x78: {  	_ =	shalt  }
0x79: {  	_ =	shalt  }
0x7a: {  	_ =	shalt  }
0x7b: {  	_ =	shalt  }
0x7c: {  	_ =	shalt  }
0x7d: {  	_ =	shalt  }
0x7e: {  	_ =	shalt  }
0x7f: {  	_ =	shalt  }
0x80: {  	_ =	shalt  }
0x81: {  	_ =	shalt  }
0x82: {  	_ =	shalt  }
0x83: {  	_ =	shalt  }
0x84: {  	_ =	shalt  }
0x85: {  	_ =	shalt  }
0x86: {  	_ =	shalt  }
0x87: {  	_ =	shalt  }
.Lfunc_end0:
.L_simem_size_0:
called_computation_lowered:
.L_overlay_start_0:
0x88: {  	s2 =	sld [smem:$0x3FD9]  }
0x89: {  	s3 =	sld [smem:$0x3FFE];
	_ =	sdelay $0x1  }
0x8a: {  	s1 =	srdreg.scid  }
0x8b: {  	s0 =	sand.u32 $0x1, s1  }
0x8c: {  	s17 =	sshll.u32 s0, $0xA;
	s2 =	sadd.s32 s3, s2  }
0x8d: {  	s2 =	sadd.s32 s2, s17  }
0x8e: {  	[smem:$0x3FBB] =	sst s2  }
0x8f: {  	_ = 	snop  }
0x90: {  	s2 =	sld [smem:$0x3FD0];
	(tm) =	ssettm $0x1  }
0x91: {  	s18 =	sld [smem:$0x3FFB];
	_ =	sdelay $0x3  }
0x92: {  	_ =	strace s18  }
0x93: {  	s3 =	sld [smem:$0x3FFC];
	_ =	sdelay $0x3  }
0x94: {  	_ =	strace s3  }
0x95: {  	s3 =	sld [smem:$0x3FFD];
	_ =	sdelay $0x3  }
0x96: {  	_ =	strace s3  }
0x97: {  	_ =	strace $0x8FFFFFFF  }
0x98: {  	s19 =	sld [smem:$0x3FDB];
	_ =	sdelay $0x1  }
0x99: {  	s4 =	simm.s32 $_scs_section_size  }
0x9a: {  	s5 =	simm.s32 $_size__tile_overlayer_lowered;
	s6 =	simm.s32 $_tile_overlayer_lowered  }
0x9b: {  	s22 =	simm.s32 $0x1BFF;
	s21 =	sshll.u32 s6, $0x1;
	s3 =	sadd.s32 s4, s19  }
0x9c: {  	s7 =	simm.s32 $0x0;
	s20 =	sshll.u32 s5, $0x1;
	s5 =	sadd.s32 s21, s3  }
0x9d: {  	[timem:s7], [sflag:s22] =	dma.local [hbm:s5], s20  }
0x9e: {  	_ =	swait.ge [sflag:s22], s20  }
0x9f: {  	s4 =	ssub.s32 $0x0, s20;
	[sflag:s22] =	ssyncset.done $0x0  }
0xa0: {  	[sflag:s22] =	ssyncadd.s32 s4;
	_ =	sdelay $0x1  }
0xa1: {  	s23 =	simm.s32 $0x1B8B  }
0xa2: {  	_ =	swait.ge [sflag:s23], $0x1  }
0xa3: {  	[sflag:s23] =	ssyncset.done $0x0  }
0xa4: {  	s25 =	simm.s32 $0x1B8E;
	s24 =	sld [smem:$0x3FFE];
	[sflag:s23] =	ssyncadd.s32 $0xFFFFFFFF  }
0xa5: {  	s26 =	simm.s32 $execute0_lowered;
	[smem:$0x3FD2] =	sst s25  }
0xa6: {  	s5 =	sshll.u32 s26, $0x1;
	_ =	strace $0x80000046;
	[dreg:$0x1] =	wrdreg $0xFFFFFFFF  }
0xa7: {  	s28 =	simm.s32 $_size_execute0_lowered;
	s3 =	sadd.s32 s3, s5;
	[dreg:$0x0] =	wrdreg $0x0  }
0xa8: {  	s5 =	sshll.u32 s28, $0x1;
	[dreg:$0x2] =	wrdreg s3  }
0xa9: {  	[dreg:$0x3] =	wrdreg s5  }
0xaa: {  	[dreg:$0x4] =	wrdreg $0xC0  }
0xab: {  	_ =	task [dreg:s7], $0x5FFFF  }
0xac: {  	[dreg:$0x1] =	wrdreg $0xFFFFFFFF  }
0xad: {  	[dreg:$0x0] =	wrdreg $0x60  }
0xae: {  	[dreg:$0x2] =	wrdreg s2  }
0xaf: {  	[dreg:$0x3] =	wrdreg s24  }
0xb0: {  	[dreg:$0x4] =	wrdreg $0xA4000  }
0xb1: {  	[dreg:$0x5] =	wrdreg $0x9  }
0xb2: {  	_ =	task.clear_ibuf [dreg:s7], $0x6FFFF;
	_ =	strace $0x90000046  }
0xb3: {  	s29 =	simm.s32 $0x9;
	_ =	strace $0x80000048  }
0xb4: {  	_ =	swait.ge [sflag:s29], $0x1  }
0xb5: {  	[sflag:s29] =	ssyncadd.s32 $0xFFFFFFFF  }
0xb6: {  	_ =	strace $0x90000048  }
0xb7: {  	_ =	sfence  }
0xb8: {  	s30 =	sld [smem:$0x0];
	_ =	sdelay $0x2  }
0xb9: {  	s31 =	sshll.u32 s1, $0xD;
	s1 =	sshrl.u32 s1, $0x2  }
0xba: {  	s3 =	sand.u32 $0x4000, s31;
	s1 =	sadd.s32 s1, s30  }
0xbb: {  	s0 =	sor.u32 s3, s0;
	s1 =	sshll.u32 s1, $0x11  }
0xbc: {  	s0 =	sor.u32 s1, s0  }
0xbd: {  	s0 =	sadd.s32 $0x8F2B, s0  }
0xbe: {  	[sflag:s0] =	ssyncadd.remote.s32 $0x1  }
0xbf: {  	_ =	sfence.sel $0xFFFF  }
0xc0: {  	[dreg:$0x0] =	wrdreg $0xFFFFFFFF;
	(pc) =	sbr.abs _section_cstart, $3  }
0xc1: {  	[dreg:$0x1] =	wrdreg $0xFFFFFFFF  }
0xc2: {  	_ =	task.clear_ibuf [dreg:s7], $0x2FFFF;
	_ =	strace $0x9FFFFFFF  }
0xc3: {  	(tm) =	ssettm $0x7FFFFFFF  }
tec
execute0_lowered:
.L_overlay_start_1:
0x0: {  	(tag) =	ssettag $0x1  }
0x1: {  	s1 =	rddreg [dreg:$0x0]  }
0x2: {  	s0 =	rddreg [dreg:$0x1]  }
0x3: {  	s2 =	rddreg [dreg:$0x2];
	s3 =	srdreg.scid  }
0x4: {  	s4 =	simm.s32 $0x0;
	s10 =	stileid.u32;
	s28 =	simm.s32 $0x1  }
0x5: {  	s29 =	simm.s32 $0x80;
	s30 =	simm.s32 $0x400;
	s6 =	smul.u32 $0x14000, s10  }
0x6: {  	s31 =	simm.s32 $0x2;
	s11 =	simm.s32 $0x280;
	s13 =	smul.u32 $0x50000, s10  }
0x7: {  	s3 =	sand.u32 $0x1, s3;
	[smem:$0x7FF] =	sst s4;
	s25 =	smul.u32 $0xA00, s10  }
0x8: {  	s7 =	sadd.s32 $0x2E00, s0;
	s5 =	smul.u32 $0x140000, s3;
	s8 =	sshll.u32 s3, $0x4  }
0x9: {  	_ =	strace $0x80000047;
	s9 =	ssub.s32 $0x2, s3;
	s12 =	sor.u32 s10, s8  }
0xa: {  	s14 =	sshrl.u32 s9, $0x1;
	s5 =	sadd.s32 s6, s5;
	s6 =	smul.u32 $0xA00, s12  }
0xb: {  	s22 =	smul.u32 $0xA000, s3;
	s3 =	simm.s32 $0x5;
	s9 =	ssub.s32 s9, s14  }
0xc: {  	s8 =	sshrl.u32 s13, $0x2;
	s18 =	smax.u32 s9, $0x1;
	s6 =	sadd.s32 s7, s6  }
0xd: {  	s10 =	simm.s32 $0x4;
	[dreg:$0x8] =	wrdreg s18;
	s15 =	sadd.s32 $0x20, s6  }
0xe: {  	s5 =	sshrl.u32 s5, $0x3;
	s16 =	sadd.s32 $0x40, s6;
	[dreg:$0x4] =	wrdreg s15  }
0xf: {  	s0 =	sadd.s32 s5, s0;
	s17 =	sadd.s32 $0x60, s6;
	[dreg:$0x5] =	wrdreg s16  }
0x10: {  	s5 =	sadd.s32 s8, s2;
	s0 =	sadd.s32 $0x16E00, s0;
	[dreg:$0x6] =	wrdreg s17  }
0x11: {  	s13 =	simm.s32 $0x0;
	s19 =	sadd.s32 $0x2000, s5;
	[dreg:$0x7] =	wrdreg s0  }
0x12: {  	s12 =	simm.s32 $0x380;
	s20 =	sadd.s32 $0x4000, s5;
	[dreg:$0x9] =	wrdreg s19  }
0x13: {  	s9 =	simm.s32 $0x180;
	s21 =	sadd.s32 $0x6000, s5;
	[dreg:$0xa] =	wrdreg s20  }
0x14: {  	s8 =	simm.s32 $0x6;
	s23 =	sadd.s32 $0x8000, s5;
	[dreg:$0xb] =	wrdreg s21  }
0x15: {  	s24 =	sadd.s32 $0xA000, s5;
	s26 =	sadd.s32 $0xC000, s5;
	[dreg:$0xc] =	wrdreg s23  }
.Ltmp0:
0x16: {  	s18 =	sadd.s32 $0xE000, s5;
	[dreg:$0xd] =	wrdreg s24;
	(pc) =	sbr.rel .LBB2_1-.Ltmp0, $4  }
0x17: {  	[dreg:$0xe] =	wrdreg s26;
	s0 =	sadd.s32 s22, s7;
	s19 =	sadd.s32 $0x10000, s5  }
0x18: {  	s20 =	sadd.s32 $0x12000, s5;
	s22 =	simm.s32 $0x8400;
	s23 =	simm.s32 $0x7  }
0x19: {  	s24 =	simm.s32 $0x100;
	s26 =	simm.s32 $0x300;
	s7 =	simm.s32 $0x3  }
0x1a: {  	v0 =	vimm.f32 $0.0e+00;
	s21 =	sadd.s32 s25, s0;
	s25 =	simm.s32 $0x200;
	s0 =	simm.s32 $0x4400  }
.LBB2_6:
0x1b: {  	_ =	swait.ge [sflag:s8], $0x4000  }
0x1c: {  	[sflag:s8] =	ssyncset.done $0x0  }
0x1d: {  	[sflag:s8] =	ssyncadd.s32 $0xFFFFC000  }
0x1e: {  	[spmem:s2] =	stream.indirect.scatter.add.f32 [tilespmem:s0], [sflag:$0x7], $0x80, s12, s29, $0xb8;
	[tilespmem:$0x1E400] =	vst v63  }
0x1f: {  	_ =	swait.ge [sflag:s23], $0x4000  }
0x20: {  	[sflag:s23] =	ssyncset.done $0x0  }
0x21: {  	s14 =	stileid.u32;
	[sflag:s23] =	ssyncadd.s32 $0xFFFFC000  }
0x22: {  	s14 =	sshll.u32 s14, $0x6;
	[bflag:$0x0] =	sbarrier.arrive $0xFFFF  }
0x23: {  	s15 =	sshrl.u32 s5, $0x3;
	s14 =	sor.u32 $0x1C07, s14;
	s16 =	rddreg [dreg:$0x7]  }
0x24: {  	[hbm:s16], [sflag:s14] =	dma.local [spmem:s15], $0x2800  }
0x25: {  	_ =	swait.ge [sflag:s23], $0x2800  }
0x26: {  	s13 =	sadd.s32 $0x1, s13;
	s17 =	rddreg [dreg:$0x8]  }
0x27: {  	p0 =	sne.s32 s13, s17  }
.Ltmp1:
0x28: {  	_ = 	snop;
	(pc) =	sbr.rel @!p0 .LBB2_7-.Ltmp1, $3  }
0x29: {  	_ =	sdelay $0x1  }
0x2a: {  	[sflag:s23] =	ssyncset.done $0x0  }
0x2b: {  	[sflag:s23] =	ssyncadd.s32 $0xFFFFD800  }
.LBB2_1:
0x2c: {  	s14 =	simm.s32 $0x0;
	s15 =	simm.s32 $0x200  }
.LBB2_2:
0x2d: {  	p0 =	sne.s32 s15, $0x7E00;
	[tilespmem:s14+$0x8470] =	vst v0  }
0x2e: {  	[tilespmem:s14+$0x8400] =	vst v0  }
0x2f: {  	[tilespmem:s14+$0x8410] =	vst v0  }
.Ltmp2:
0x30: {  	[tilespmem:s14+$0x8420] =	vst v0;
	(pc) =	sbr.rel @p0 .LBB2_2-.Ltmp2, $4  }
0x31: {  	[tilespmem:s14+$0x8430] =	vst v0  }
0x32: {  	[tilespmem:s14+$0x8440] =	vst v0  }
0x33: {  	[tilespmem:s14+$0x8450] =	vst v0  }
0x34: {  	[tilespmem:s14+$0x8460] =	vst v0;
	s14 =	sshra.s32 s15, $0x2;
	s15 =	sadd.s32 $0x200, s15  }
0x35: {  	[tilespmem:s14+$0x8470] =	vst v0  }
0x36: {  	[tilespmem:s14+$0x8400] =	vst v0  }
0x37: {  	[tilespmem:s14+$0x8410] =	vst v0  }
0x38: {  	[tilespmem:s14+$0x8420] =	vst v0  }
0x39: {  	[tilespmem:s14+$0x8430] =	vst v0  }
0x3a: {  	[tilespmem:s14+$0x8440] =	vst v0  }
0x3b: {  	[tilespmem:s14+$0x8450] =	vst v0  }
0x3c: {  	[tilespmem:s14+$0x8460] =	vst v0  }
0x3d: {  	[spmem:s5] =	stream.linear.scatter [tilespmem:s22], [sflag:$0x7], $0x2000, $0x38;
	[tilespmem:$0x1E400] =	vst v63  }
0x3e: {  	_ =	swait.ge [sflag:s23], $0x2000  }
0x3f: {  	[sflag:s23] =	ssyncset.done $0x0  }
0x40: {  	s16 =	rddreg [dreg:$0x9];
	[sflag:s23] =	ssyncadd.s32 $0xFFFFE000  }
0x41: {  	[spmem:s16] =	stream.linear.scatter [tilespmem:s22], [sflag:$0x7], $0x2000, $0x38;
	[tilespmem:$0x1E400] =	vst v63  }
0x42: {  	_ =	swait.ge [sflag:s23], $0x2000  }
0x43: {  	[sflag:s23] =	ssyncset.done $0x0  }
0x44: {  	s17 =	rddreg [dreg:$0xa];
	[sflag:s23] =	ssyncadd.s32 $0xFFFFE000  }
0x45: {  	[spmem:s17] =	stream.linear.scatter [tilespmem:s22], [sflag:$0x7], $0x2000, $0x38;
	[tilespmem:$0x1E400] =	vst v63  }
0x46: {  	_ =	swait.ge [sflag:s23], $0x2000  }
0x47: {  	[sflag:s23] =	ssyncset.done $0x0  }
0x48: {  	s15 =	rddreg [dreg:$0xb];
	[sflag:s23] =	ssyncadd.s32 $0xFFFFE000  }
0x49: {  	[spmem:s15] =	stream.linear.scatter [tilespmem:s22], [sflag:$0x7], $0x2000, $0x38;
	[tilespmem:$0x1E400] =	vst v63  }
0x4a: {  	_ =	swait.ge [sflag:s23], $0x2000  }
0x4b: {  	[sflag:s23] =	ssyncset.done $0x0  }
0x4c: {  	s16 =	rddreg [dreg:$0xc];
	[sflag:s23] =	ssyncadd.s32 $0xFFFFE000  }
0x4d: {  	[spmem:s16] =	stream.linear.scatter [tilespmem:s22], [sflag:$0x7], $0x2000, $0x38;
	[tilespmem:$0x1E400] =	vst v63  }
0x4e: {  	_ =	swait.ge [sflag:s23], $0x2000  }
0x4f: {  	[sflag:s23] =	ssyncset.done $0x0  }
0x50: {  	s17 =	rddreg [dreg:$0xd];
	[sflag:s23] =	ssyncadd.s32 $0xFFFFE000  }
0x51: {  	[spmem:s17] =	stream.linear.scatter [tilespmem:s22], [sflag:$0x7], $0x2000, $0x38;
	[tilespmem:$0x1E400] =	vst v63  }
0x52: {  	_ =	swait.ge [sflag:s23], $0x2000  }
0x53: {  	[sflag:s23] =	ssyncset.done $0x0  }
0x54: {  	s15 =	rddreg [dreg:$0xe];
	[sflag:s23] =	ssyncadd.s32 $0xFFFFE000  }
0x55: {  	[spmem:s15] =	stream.linear.scatter [tilespmem:s22], [sflag:$0x7], $0x2000, $0x38;
	[tilespmem:$0x1E400] =	vst v63  }
0x56: {  	_ =	swait.ge [sflag:s23], $0x2000  }
0x57: {  	[sflag:s23] =	ssyncset.done $0x0  }
0x58: {  	[sflag:s23] =	ssyncadd.s32 $0xFFFFE000  }
0x59: {  	[spmem:s18] =	stream.linear.scatter [tilespmem:s22], [sflag:$0x7], $0x2000, $0x38;
	[tilespmem:$0x1E400] =	vst v63  }
0x5a: {  	_ =	swait.ge [sflag:s23], $0x2000  }
0x5b: {  	[sflag:s23] =	ssyncset.done $0x0  }
0x5c: {  	[sflag:s23] =	ssyncadd.s32 $0xFFFFE000  }
0x5d: {  	[spmem:s19] =	stream.linear.scatter [tilespmem:s22], [sflag:$0x7], $0x2000, $0x38;
	[tilespmem:$0x1E400] =	vst v63  }
0x5e: {  	_ =	swait.ge [sflag:s23], $0x2000  }
0x5f: {  	[sflag:s23] =	ssyncset.done $0x0  }
0x60: {  	[sflag:s23] =	ssyncadd.s32 $0xFFFFE000  }
0x61: {  	[spmem:s20] =	stream.linear.scatter [tilespmem:s22], [sflag:$0x7], $0x2000, $0x38;
	[tilespmem:$0x1E400] =	vst v63  }
0x62: {  	_ =	swait.ge [sflag:s23], $0x2000  }
0x63: {  	[sflag:s23] =	ssyncset.done $0x0  }
0x64: {  	[sflag:s23] =	ssyncadd.s32 $0xFFFFE000  }
0x65: {  	s14 =	simm.s32 $0x0;
	[bflag:$0x0] =	sbarrier.arrive $0xFFFF  }
0x66: {  	[tilespmem:s14], [sflag:$0x1] =	stream.linear.gather [hbm4b:s6+s14], $0x100, $0x38;
	[tilespmem:$0x1E400] =	vst v63  }
0x67: {  	s15 =	rddreg [dreg:$0x4]  }
0x68: {  	[tilespmem:s24], [sflag:$0x2] =	stream.linear.gather [hbm4b:s15+s14], $0x100, $0x38;
	[tilespmem:$0x1E400] =	vst v63  }
0x69: {  	s16 =	rddreg [dreg:$0x5]  }
0x6a: {  	[tilespmem:s25], [sflag:$0x3] =	stream.linear.gather [hbm4b:s16+s14], $0x100, $0x38;
	[tilespmem:$0x1E400] =	vst v63  }
0x6b: {  	s17 =	rddreg [dreg:$0x6]  }
0x6c: {  	[tilespmem:s26], [sflag:$0x4] =	stream.linear.gather [hbm4b:s17+s14], $0x100, $0x38;
	[tilespmem:$0x1E400] =	vst v63  }
0x6d: {  	_ =	swait.ge [sflag:s28], $0x100  }
0x6e: {  	[sflag:s28] =	ssyncset.done $0x0  }
0x6f: {  	[sflag:s28] =	ssyncadd.s32 $0xFFFFFF00  }
0x70: {  	[tilespmem:s30], [sflag:$0x5] =	stream.indirect.gather [hbm4b:s1+s29], $0x80, s14, s29, $0xb8;
	[tilespmem:$0x1E400] =	vst v63  }
.LBB2_4:
0x71: {  	_ =	swait.ge [sflag:s31], $0x100  }
0x72: {  	[sflag:s31] =	ssyncset.done $0x0  }
0x73: {  	[sflag:s31] =	ssyncadd.s32 $0xFFFFFF00  }
0x74: {  	[tilespmem:s0], [sflag:$0x6] =	stream.indirect.gather [hbm4b:s1+s29], $0x80, s24, s29, $0xb8;
	[tilespmem:$0x1E400] =	vst v63  }
0x75: {  	_ =	swait.ge [sflag:s3], $0x4000  }
0x76: {  	[sflag:s3] =	ssyncset.done $0x0  }
0x77: {  	[sflag:s3] =	ssyncadd.s32 $0xFFFFC000  }
0x78: {  	[spmem:s2] =	stream.indirect.scatter.add.f32 [tilespmem:s30], [sflag:$0x7], $0x80, s29, s29, $0xb8;
	[tilespmem:$0x1E400] =	vst v63  }
0x79: {  	p0 =	seq.s32 s14, $0x980;
	_ =	swait.ge [sflag:s23], $0x4000  }
0x7a: {  	s15 =	sadd.s32 @!p0 s14, s21;
	[sflag:s23] =	ssyncset.done $0x0  }
0x7b: {  	s17 =	simm.s32 @!p0 $0x0;
	s16 =	sadd.s32 @!p0 $0x80, s15;
	[sflag:s23] =	ssyncadd.s32 $0xFFFFC000  }
0x7c: {  	[tilespmem:s17], [sflag:$0x1] =	stream.linear.gather @!p0 [hbm4b:s16+s17], $0x100, $0x38;
	[tilespmem:$0x1E400] =	vst v63  }
0x7d: {  	_ =	swait.ge [sflag:s7], $0x100  }
0x7e: {  	[sflag:s7] =	ssyncset.done $0x0  }
0x7f: {  	[sflag:s7] =	ssyncadd.s32 $0xFFFFFF00  }
0x80: {  	[tilespmem:s30], [sflag:$0x5] =	stream.indirect.gather [hbm4b:s1+s29], $0x80, s25, s29, $0xb8;
	[tilespmem:$0x1E400] =	vst v63  }
0x81: {  	_ =	swait.ge [sflag:s8], $0x4000  }
0x82: {  	[sflag:s8] =	ssyncset.done $0x0  }
0x83: {  	[sflag:s8] =	ssyncadd.s32 $0xFFFFC000  }
0x84: {  	[spmem:s2] =	stream.indirect.scatter.add.f32 [tilespmem:s0], [sflag:$0x7], $0x80, s9, s29, $0xb8;
	[tilespmem:$0x1E400] =	vst v63  }
0x85: {  	_ =	swait.ge [sflag:s23], $0x4000  }
0x86: {  	[sflag:s23] =	ssyncset.done $0x0  }
0x87: {  	s15 =	sadd.s32 @!p0 $0xA0, s15;
	s16 =	simm.s32 @!p0 $0x100;
	[sflag:s23] =	ssyncadd.s32 $0xFFFFC000  }
0x88: {  	[tilespmem:s16], [sflag:$0x2] =	stream.linear.gather @!p0 [hbm4b:s15+s17], $0x100, $0x38;
	[tilespmem:$0x1E400] =	vst v63  }
0x89: {  	_ =	swait.ge [sflag:s10], $0x100  }
0x8a: {  	[sflag:s10] =	ssyncset.done $0x0  }
0x8b: {  	[sflag:s10] =	ssyncadd.s32 $0xFFFFFF00  }
0x8c: {  	[tilespmem:s0], [sflag:$0x6] =	stream.indirect.gather [hbm4b:s1+s29], $0x80, s26, s29, $0xb8;
	[tilespmem:$0x1E400] =	vst v63  }
0x8d: {  	_ =	swait.ge [sflag:s3], $0x4000  }
0x8e: {  	[sflag:s3] =	ssyncset.done $0x0  }
.Ltmp3:
0x8f: {  	[sflag:s3] =	ssyncadd.s32 $0xFFFFC000;
	(pc) =	sbr.rel @p0 .LBB2_6-.Ltmp3, $4  }
0x90: {  	[spmem:s2] =	stream.indirect.scatter.add.f32 [tilespmem:s30], [sflag:$0x7], $0x80, s11, s29, $0xb8;
	[tilespmem:$0x1E400] =	vst v63  }
0x91: {  	_ =	swait.ge [sflag:s23], $0x4000  }
0x92: {  	[sflag:s23] =	ssyncset.done $0x0  }
0x93: {  	[sflag:s23] =	ssyncadd.s32 $0xFFFFC000  }
0x94: {  	s15 =	sadd.s32 s14, s21  }
0x95: {  	s16 =	sadd.s32 $0xC0, s15  }
0x96: {  	[tilespmem:s25], [sflag:$0x3] =	stream.linear.gather [hbm4b:s16+s4], $0x100, $0x38;
	[tilespmem:$0x1E400] =	vst v63  }
0x97: {  	_ =	swait.ge [sflag:s28], $0x100  }
0x98: {  	[sflag:s28] =	ssyncset.done $0x0  }
0x99: {  	[sflag:s28] =	ssyncadd.s32 $0xFFFFFF00  }
0x9a: {  	[tilespmem:s30], [sflag:$0x5] =	stream.indirect.gather [hbm4b:s1+s29], $0x80, s4, s29, $0xb8;
	[tilespmem:$0x1E400] =	vst v63  }
0x9b: {  	_ =	swait.ge [sflag:s8], $0x4000  }
0x9c: {  	[sflag:s8] =	ssyncset.done $0x0  }
0x9d: {  	[sflag:s8] =	ssyncadd.s32 $0xFFFFC000  }
0x9e: {  	[spmem:s2] =	stream.indirect.scatter.add.f32 [tilespmem:s0], [sflag:$0x7], $0x80, s12, s29, $0xb8;
	[tilespmem:$0x1E400] =	vst v63  }
.Ltmp4:
0x9f: {  	_ = 	snop;
	(pc) =	sbr.rel .LBB2_4-.Ltmp4, $4  }
0xa0: {  	_ =	swait.ge [sflag:s23], $0x4000  }
0xa1: {  	[sflag:s23] =	ssyncset.done $0x0  }
0xa2: {  	s14 =	sadd.s32 $0x80, s14;
	s15 =	sadd.s32 $0xE0, s15;
	[sflag:s23] =	ssyncadd.s32 $0xFFFFC000  }
0xa3: {  	[tilespmem:s26], [sflag:$0x4] =	stream.linear.gather [hbm4b:s15+s4], $0x100, $0x38;
	[tilespmem:$0x1E400] =	vst v63  }
.LBB2_7:
0xa4: {  	_ =	sfence.sel $0x180000  }
0xa5: {  	[bflag:$0x0] =	sbarrier.arrive $0xFFFF  }
0xa6: {  	_ =	strace $0x90000047  }
0xa7: {  	s0 =	stileid.u32;
	[bflag:$0x2] =	sbarrier.arrive $0xFFFF  }
0xa8: {  	p0 =	sne.s32 s0, $0x0;
	s0 =	rddreg [dreg:$0x3]  }
0xa9: {  	s0 =	sadd.s32 @!p0 $0x100000, s0  }
0xaa: {  	[sflag:s0] =	ssyncadd.tile.s32 @!p0 $0x1;
	_ =	shalt  }
.Lfunc_end2:
_tile_overlayer_lowered:
.L_overlay_start_2:
0xab: {  	(tag) =	ssettag $0x2  }
0xac: {  	s0 =	rddreg [dreg:$0x0];
	s2 =	stileid.u32  }
0xad: {  	s1 =	rddreg [dreg:$0x1];
	p0 =	sne.s32 s2, $0x0  }
0xae: {  	s3 =	rddreg [dreg:$0x2];
	[bflag:$0x3] =	sbarrier.arrive $0xFFFF;
	s2 =	simm.s32 @!p0 $0x1C07  }
0xaf: {  	[timem:s3], [sflag:s2] =	dma.local @!p0 [hbm:s0], s1  }
0xb0: {  	s0 =	simm.s32 @!p0 $0x7  }
0xb1: {  	_ =	swait.ge @!p0 [sflag:s0], s1  }
0xb2: {  	s1 =	ssub.s32 @!p0 $0x0, s1;
	[sflag:s0] =	ssyncset.done @!p0 $0x0  }
0xb3: {  	[sflag:s0] =	ssyncadd.s32 @!p0 s1  }
0xb4: {  	[bflag:$0x3] =	sbarrier.arrive $0xFFFF  }
0xb5: {  	_ =	shalt  }

</sc_bundles>
